<compile_context>
chip_gen: v7x
topology: tpu7x:2x2x1
jax: 0.10.2.dev20260603
libtpu: 0.0.44.dev20260713+nightly
codegen_flags: <defaults>
</compile_context>

<pallas_src>
import functools
import math

import jax
import jax.numpy as jnp
from jax import lax
from jax.experimental import pallas as pl
from jax.experimental.pallas import tpu as pltpu
from jax.experimental.pallas import tpu_sc as plsc

D = 64
BATCH = 4096
SEQ = 200
B = BATCH * SEQ
NC = 2
NS = 16
NW = NC * NS
BLK = 128
NBT = BATCH // BLK
NBLK = B // BLK
BLK_PER_W = NBLK // NW
NBUF = 4
LOOKAHEAD = 2
SCALE = math.sqrt(D)


def _body(idx_hbm, table_hbm, out_hbm, idx_v,
          b0, b1, b2, b3, t0, t1, g0, g1, g2, g3, w0, w1):
    bufs = [b0, b1, b2, b3]
    tbufs = [t0, t1]
    gsems = [g0, g1, g2, g3]
    wsems = [w0, w1]
    wid = lax.axis_index("s") * NC + lax.axis_index("c")
    blk0 = wid * BLK_PER_W
    pltpu.sync_copy(idx_hbm.at[pl.ds(blk0 * BLK, BLK_PER_W * BLK)], idx_v)

    def start_gather(g, bi):
        pltpu.async_copy(
            table_hbm.at[idx_v.at[pl.ds(g * BLK, BLK)]], bufs[bi], gsems[bi]
        )

    def wait_gather(bi):
        pltpu.make_async_copy(
            table_hbm.at[idx_v.at[pl.ds(0, BLK)]], bufs[bi], gsems[bi]
        ).wait()

    def start_write(g, ti):
        n = blk0 + g
        st = n // 256
        rem = n - st * 256
        bt = rem // 8
        si = rem - bt * 8
        s = st * 8 + si
        pltpu.async_copy(tbufs[ti], out_hbm.at[s, :, bt], wsems[ti])

    def wait_write(ti):
        pltpu.make_async_copy(
            tbufs[ti], out_hbm.at[0, :, 0], wsems[ti]
        ).wait()

    iota = lax.iota(jnp.int32, 16)

    def transpose_scale(bi, ti):
        buf = bufs[bi]
        tbuf = tbufs[ti]

        @plsc.parallel_loop(0, D, 1, unroll=4)
        def _col_block(cc):
            ct = cc // 8
            cw = cc - ct * 8
            c_idx = jnp.full((16,), cc, jnp.int32)
            for j in range(8):
                b_idx = iota + (j * 16)
                v = plsc.load_gather(buf, [b_idx, c_idx])
                tbuf[ct, cw, pl.ds(j * 16, 16)] = v * SCALE

    for g in range(LOOKAHEAD):
        start_gather(g, g)

    def group_body(gg, _):
        for bi in range(NBUF):
            g = gg * NBUF + bi
            ti = bi % 2
            wait_gather(bi)

            @pl.when(g >= 2)
            def _():
                wait_write(ti)

            transpose_scale(bi, ti)
            start_write(g, ti)
            gn = g + LOOKAHEAD
            bn = (bi + LOOKAHEAD) % NBUF

            @pl.when(gn < BLK_PER_W)
            def _():
                start_gather(gn, bn)

        return 0

    lax.fori_loop(0, BLK_PER_W // NBUF, group_body, 0)

    for ti in range(2):
        wait_write(ti)


_gather_scale = functools.partial(
    pl.kernel,
    mesh=plsc.VectorSubcoreMesh(core_axis_name="c", subcore_axis_name="s"),
    out_type=jax.ShapeDtypeStruct((SEQ, D // 8, NBT, 8, BLK), jnp.float32),
    scratch_types=(
        [pltpu.VMEM((BLK_PER_W * BLK,), jnp.int32)]
        + [pltpu.VMEM((BLK, D), jnp.float32) for _ in range(NBUF)]
        + [pltpu.VMEM((D // 8, 8, BLK), jnp.float32) for _ in range(2)]
        + [pltpu.SemaphoreType.DMA for _ in range(NBUF + 2)]
    ),
    compiler_params=pltpu.CompilerParams(
        use_tc_tiling_on_sc=False, needs_layout_passes=False
    ),
)(_body)


def kernel(node_ids, order_ids, value_ids, embedding_weight):
    idx = (
        node_ids.T.reshape(SEQ // 8, 8, BATCH // BLK, BLK)
        .transpose(0, 2, 1, 3)
        .reshape(-1)
    )
    out5 = _gather_scale(idx, embedding_weight)
    return jnp.transpose(out5, (2, 4, 0, 1, 3)).reshape(BATCH, SEQ, D)

# --- scband reference (transcript-rebuilt; emitter-appended) ---
"""Pipeline reference for scband-graph-node-embedding-32641751449969 (READ-ONLY COPY).

The authoritative reference and input builder live on the scoring server;
editing this copy changes nothing except your own understanding.
"""

import jax, jax.numpy as jnp
import numpy as np
import math

NUM_NODES = 1000000
EMBED_DIM = 64
BATCH = 4096
SEQ = 200

def setup_inputs(seed: int = 0) -> dict:
    key = jax.random.key(seed)
    k1, k2, k3, k4 = jax.random.split(key, 4)
    node_ids = jax.random.randint(k1, (BATCH, SEQ), 0, NUM_NODES, dtype=jnp.int32)
    order_ids = jax.random.randint(k2, (BATCH, SEQ), 0, 64, dtype=jnp.int32)
    value_ids = jax.random.randint(k3, (BATCH, SEQ), 0, 64, dtype=jnp.int32)
    # nn.Embedding default init: N(0, 1)
    embedding_weight = jax.random.normal(k4, (NUM_NODES, EMBED_DIM), dtype=jnp.float32)
    return {"node_ids": node_ids, "order_ids": order_ids, "value_ids": value_ids, "embedding_weight": embedding_weight}

def reference(node_ids, order_ids, value_ids, embedding_weight):
    # forward: embedding(node_ids) * sqrt(d_model); d_model == node_embedding_dim
    d_model = embedding_weight.shape[1]
    emb = jnp.take(embedding_weight, node_ids, axis=0)
    return emb * math.sqrt(d_model)

if __name__ == "__main__":
    import jax
    _d = setup_inputs()
    print(jax.jit(kernel)(*tuple(_d.values())))

</pallas_src>

<mosaic_0001>
#map = affine_map<(d0, d1) -> (0)>
#map1 = affine_map<(d0, d1) -> (0, 0)>
#map2 = affine_map<(d0, d1) -> (0, 0, 0, 0, 0)>
module attributes {stable_mosaic.version = 14 : i64} {
  func.func @_body(%arg0: i32, %arg1: i32, %arg2: memref<819200xi32, #tpu.memory_space<hbm>>, %arg3: memref<1000000x64xf32, #tpu.memory_space<hbm>>, %arg4: memref<200x8x32x8x128xf32, #tpu.memory_space<hbm>>, %arg5: memref<25600xi32, #tpu.memory_space<vmem>>, %arg6: memref<128x64xf32, #tpu.memory_space<vmem>>, %arg7: memref<128x64xf32, #tpu.memory_space<vmem>>, %arg8: memref<128x64xf32, #tpu.memory_space<vmem>>, %arg9: memref<128x64xf32, #tpu.memory_space<vmem>>, %arg10: memref<8x8x128xf32, #tpu.memory_space<vmem>>, %arg11: memref<8x8x128xf32, #tpu.memory_space<vmem>>, %arg12: memref<!tpu.dma_semaphore, #tpu.memory_space<semaphore_mem>>, %arg13: memref<!tpu.dma_semaphore, #tpu.memory_space<semaphore_mem>>, %arg14: memref<!tpu.dma_semaphore, #tpu.memory_space<semaphore_mem>>, %arg15: memref<!tpu.dma_semaphore, #tpu.memory_space<semaphore_mem>>, %arg16: memref<!tpu.dma_semaphore, #tpu.memory_space<semaphore_mem>>, %arg17: memref<!tpu.dma_semaphore, #tpu.memory_space<semaphore_mem>>) attributes {dimension_semantics = [#tpu.dimension_semantics<core_parallel>, #tpu.dimension_semantics<subcore_parallel>], iteration_bounds = array<i64: 2, 16>, scalar_prefetch = 0 : i64, scratch_operands = 13 : i64, tpu.core_type = #tpu.core_type<sc_vector_subcore>, window_params = [{transform_indices = #map}, {transform_indices = #map1}, {transform_indices = #map2}]} {
    %mul3A = arith.constant 2 : i32
    %mul3A_0 = arith.muli %arg1, %mul3A : i32
    %add3A = arith.addi %mul3A_0, %arg0 : i32
    %mul3A_1 = arith.constant 200 : i32
    %mul3A_2 = arith.muli %add3A, %mul3A_1 : i32
    %mul3A_3 = arith.constant 128 : i32
    %mul3A_4 = arith.muli %mul3A_2, %mul3A_3 : i32
    "tpu.region"() ({
      %run_scoped3A = tpu.sem_alloc : memref<!tpu.dma_semaphore, #tpu.memory_space<semaphore_mem>>
      %dma_start3A_43 = tpu.memref_slice %arg2[%mul3A_4] : memref<819200xi32, #tpu.memory_space<hbm>> -> memref<25600xi32, #tpu.memory_space<hbm>>
      %dma_start3A_44 = tpu.memref_slice %arg2[%mul3A_4] : memref<819200xi32, #tpu.memory_space<hbm>> -> memref<25600xi32, #tpu.memory_space<hbm>>
      tpu.enqueue_dma source(%dma_start3A_44 : memref<25600xi32, #tpu.memory_space<hbm>>) target(%arg5 : memref<25600xi32, #tpu.memory_space<vmem>>) target_semaphore(%run_scoped3A : memref<!tpu.dma_semaphore, #tpu.memory_space<semaphore_mem>>)
      %dma_wait3A_45 = tpu.memref_slice %arg2[%mul3A_4] : memref<819200xi32, #tpu.memory_space<hbm>> -> memref<25600xi32, #tpu.memory_space<hbm>>
      %dma_wait3A_46 = tpu.memref_slice %arg2[%mul3A_4] : memref<819200xi32, #tpu.memory_space<hbm>> -> memref<25600xi32, #tpu.memory_space<hbm>>
      tpu.wait_dma2 semaphore(%run_scoped3A : memref<!tpu.dma_semaphore, #tpu.memory_space<semaphore_mem>>) src(%dma_wait3A_46 : memref<25600xi32, #tpu.memory_space<hbm>>) dst(%arg5 : memref<25600xi32, #tpu.memory_space<vmem>>)
      tpu.yield
    }) : () -> ()
    %iota3A = tpu.iota {dimensions = array<i32: 0>} : vector<16xi32>
    %dma_start3A = arith.constant 0 : i32
    %dma_start3A_5 = tpu.memref_slice %arg5[%dma_start3A] : memref<25600xi32, #tpu.memory_space<vmem>> -> memref<128xi32, #tpu.memory_space<vmem>>
    %dma_start3A_6 = arith.constant 0 : i32
    %dma_start3A_7 = arith.constant 0 : i32
    %dma_start3A_8 = tpu.memref_slice %arg3[%dma_start3A_6, %dma_start3A_7] : memref<1000000x64xf32, #tpu.memory_space<hbm>> -> memref<1000000x64xf32, #tpu.memory_space<hbm>>
    tpu.enqueue_indirect_dma source(%dma_start3A_8 : memref<1000000x64xf32, #tpu.memory_space<hbm>>) target(%arg6 : memref<128x64xf32, #tpu.memory_space<vmem>>) offsets(%dma_start3A_5 : memref<128xi32, #tpu.memory_space<vmem>>) semaphore(%arg12 : memref<!tpu.dma_semaphore, #tpu.memory_space<semaphore_mem>>)
    %dma_start3A_9 = arith.constant 128 : i32
    %dma_start3A_10 = tpu.memref_slice %arg5[%dma_start3A_9] : memref<25600xi32, #tpu.memory_space<vmem>> -> memref<128xi32, #tpu.memory_space<vmem>>
    %dma_start3A_11 = arith.constant 0 : i32
    %dma_start3A_12 = arith.constant 0 : i32
    %dma_start3A_13 = tpu.memref_slice %arg3[%dma_start3A_11, %dma_start3A_12] : memref<1000000x64xf32, #tpu.memory_space<hbm>> -> memref<1000000x64xf32, #tpu.memory_space<hbm>>
    tpu.enqueue_indirect_dma source(%dma_start3A_13 : memref<1000000x64xf32, #tpu.memory_space<hbm>>) target(%arg7 : memref<128x64xf32, #tpu.memory_space<vmem>>) offsets(%dma_start3A_10 : memref<128xi32, #tpu.memory_space<vmem>>) semaphore(%arg13 : memref<!tpu.dma_semaphore, #tpu.memory_space<semaphore_mem>>)
    %scan3A = arith.constant 0 : i32
    %scan3A_14 = arith.constant 0 : i32
    %scan3A_15 = arith.constant 50 : i32
    %scan3A_16 = arith.addi %scan3A_14, %scan3A_15 : i32
    %scan3A_17 = arith.constant 1 : i32
    %scan3A_18 = scf.for %scan3A_43 = %scan3A_14 to %scan3A_16 step %scan3A_17 iter_args(%scan3A_44 = %scan3A) -> (i32)  : i32 {
      %mul3A_45 = arith.constant 4 : i32
      %mul3A_46 = arith.muli %scan3A_43, %mul3A_45 : i32
      %add3A_47 = arith.constant 0 : i32
      %add3A_48 = arith.addi %mul3A_46, %add3A_47 : i32
      %dma_wait3A_49 = arith.constant 0 : i32
      %dma_wait3A_50 = tpu.memref_slice %arg5[%dma_wait3A_49] : memref<25600xi32, #tpu.memory_space<vmem>> -> memref<128xi32, #tpu.memory_space<vmem>>
      %dma_wait3A_51 = arith.constant 0 : i32
      %dma_wait3A_52 = arith.constant 0 : i32
      %dma_wait3A_53 = tpu.memref_slice %arg3[%dma_wait3A_51, %dma_wait3A_52] : memref<1000000x64xf32, #tpu.memory_space<hbm>> -> memref<1000000x64xf32, #tpu.memory_space<hbm>>
      tpu.wait_indirect_dma semaphore(%arg12 : memref<!tpu.dma_semaphore, #tpu.memory_space<semaphore_mem>>) src(%dma_wait3A_53 : memref<1000000x64xf32, #tpu.memory_space<hbm>>) dst(%arg6 : memref<128x64xf32, #tpu.memory_space<vmem>>)
      %ge3A = arith.constant 2 : i32
      %ge3A_54 = arith.cmpi sge, %add3A_48, %ge3A : i32
      %convert_element_type3A = arith.extui %ge3A_54 : i1 to i32
      %cond3A = arith.constant 0 : i32
      %cond3A_55 = arith.cmpi ne, %convert_element_type3A, %cond3A : i32
      scf.if %cond3A_55 {
        %dma_wait3A_401 = arith.constant 0 : i32
        %dma_wait3A_402 = arith.constant 0 : i32
        %dma_wait3A_403 = arith.constant 0 : i32
        %dma_wait3A_404 = arith.constant 0 : i32
        %dma_wait3A_405 = arith.constant 0 : i32
        %dma_wait3A_406 = tpu.memref_slice %arg4[%dma_wait3A_401, %dma_wait3A_403, %dma_wait3A_402, %dma_wait3A_404, %dma_wait3A_405] : memref<200x8x32x8x128xf32, #tpu.memory_space<hbm>> -> memref<1x8x1x8x128xf32, #tpu.memory_space<hbm>>
        %dma_wait3A_407 = tpu.memref_squeeze %dma_wait3A_406 : memref<1x8x1x8x128xf32, #tpu.memory_space<hbm>> -> memref<8x8x128xf32, #tpu.memory_space<hbm>>
        %dma_wait3A_408 = arith.constant 0 : i32
        %dma_wait3A_409 = arith.constant 0 : i32
        %dma_wait3A_410 = arith.constant 0 : i32
        %dma_wait3A_411 = tpu.memref_slice %arg4[%dma_wait3A_401, %dma_wait3A_408, %dma_wait3A_402, %dma_wait3A_409, %dma_wait3A_410] : memref<200x8x32x8x128xf32, #tpu.memory_space<hbm>> -> memref<1x8x1x8x128xf32, #tpu.memory_space<hbm>>
        %dma_wait3A_412 = tpu.memref_squeeze %dma_wait3A_411 : memref<1x8x1x8x128xf32, #tpu.memory_space<hbm>> -> memref<8x8x128xf32, #tpu.memory_space<hbm>>
        tpu.wait_dma2 semaphore(%arg16 : memref<!tpu.dma_semaphore, #tpu.memory_space<semaphore_mem>>) src(%arg10 : memref<8x8x128xf32, #tpu.memory_space<vmem>>) dst(%dma_wait3A_412 : memref<8x8x128xf32, #tpu.memory_space<hbm>>)
      } else {
      }
      %parallel_loop3A = arith.constant 0 : i32
      %parallel_loop3A_56 = arith.constant 64 : i32
      %parallel_loop3A_57 = arith.constant 1 : i32
      scf.for %parallel_loop3A_401 = %parallel_loop3A to %parallel_loop3A_56 step %parallel_loop3A_57  : i32 {
        %parallel_loop3A_402 = arith.constant 8 : i32
        %parallel_loop3A_403 = arith.divsi %parallel_loop3A_401, %parallel_loop3A_402 : i32
        %parallel_loop3A_404 = arith.constant 0 : i32
        %parallel_loop3A_405 = arith.cmpi sgt, %parallel_loop3A_401, %parallel_loop3A_404 : i32
        %parallel_loop3A_406 = arith.extui %parallel_loop3A_405 : i1 to i32
        %parallel_loop3A_407 = arith.constant 0 : i32
        %parallel_loop3A_408 = arith.cmpi slt, %parallel_loop3A_401, %parallel_loop3A_407 : i32
        %parallel_loop3A_409 = arith.extui %parallel_loop3A_408 : i1 to i32
        %parallel_loop3A_410 = arith.subi %parallel_loop3A_406, %parallel_loop3A_409 : i32
        %parallel_loop3A_411 = arith.constant 0 : i32
        %parallel_loop3A_412 = arith.cmpi sgt, %parallel_loop3A_402, %parallel_loop3A_411 : i32
        %parallel_loop3A_413 = arith.extui %parallel_loop3A_412 : i1 to i32
        %parallel_loop3A_414 = arith.constant 0 : i32
        %parallel_loop3A_415 = arith.cmpi slt, %parallel_loop3A_402, %parallel_loop3A_414 : i32
        %parallel_loop3A_416 = arith.extui %parallel_loop3A_415 : i1 to i32
        %parallel_loop3A_417 = arith.subi %parallel_loop3A_413, %parallel_loop3A_416 : i32
        %parallel_loop3A_418 = arith.cmpi ne, %parallel_loop3A_410, %parallel_loop3A_417 : i32
        %parallel_loop3A_419 = arith.remsi %parallel_loop3A_401, %parallel_loop3A_402 : i32
        %parallel_loop3A_420 = arith.constant 0 : i32
        %parallel_loop3A_421 = arith.cmpi ne, %parallel_loop3A_419, %parallel_loop3A_420 : i32
        %parallel_loop3A_422 = arith.andi %parallel_loop3A_418, %parallel_loop3A_421 : i1
        %parallel_loop3A_423 = arith.constant 1 : i32
        %parallel_loop3A_424 = arith.subi %parallel_loop3A_403, %parallel_loop3A_423 : i32
        %parallel_loop3A_425 = arith.select %parallel_loop3A_422, %parallel_loop3A_424, %parallel_loop3A_403 : i32
        %parallel_loop3A_426 = arith.constant 8 : i32
        %parallel_loop3A_427 = arith.muli %parallel_loop3A_425, %parallel_loop3A_426 : i32
        %parallel_loop3A_428 = arith.subi %parallel_loop3A_401, %parallel_loop3A_427 : i32
        %parallel_loop3A_429 = vector.broadcast %parallel_loop3A_401 : i32 to vector<16xi32>
        %parallel_loop3A_430 = arith.constant 0 : i32
        %parallel_loop3A_431 = vector.broadcast %parallel_loop3A_430 : i32 to vector<16xi32>
        %parallel_loop3A_432 = arith.addi %iota3A, %parallel_loop3A_431 : vector<16xi32>
        %parallel_loop3A_433 = tpu.vector_load_idx %arg6[%parallel_loop3A_432, %parallel_loop3A_429] : memref<128x64xf32, #tpu.memory_space<vmem>>[vector<16xi32>, vector<16xi32>], vector<16xf32>,
        %parallel_loop3A_434 = arith.constant 8.000000e+00 : f32
        %parallel_loop3A_435 = vector.broadcast %parallel_loop3A_434 : f32 to vector<16xf32>
        %parallel_loop3A_436 = arith.mulf %parallel_loop3A_433, %parallel_loop3A_435 : vector<16xf32>
        %parallel_loop3A_437 = arith.index_cast %parallel_loop3A_425 : i32 to index
        %parallel_loop3A_438 = arith.index_cast %parallel_loop3A_428 : i32 to index
        %parallel_loop3A_439 = arith.constant 0 : index
        %parallel_loop3A_440 = tpu.vector_load %arg10[%parallel_loop3A_437, %parallel_loop3A_438, %parallel_loop3A_439] {strides = array<i32>} : memref<8x8x128xf32, #tpu.memory_space<vmem>>, vector<16xf32>,
        tpu.vector_store %arg10[%parallel_loop3A_437, %parallel_loop3A_438, %parallel_loop3A_439], %parallel_loop3A_436 {strides = array<i32>} : memref<8x8x128xf32, #tpu.memory_space<vmem>>, vector<16xf32>,
        %parallel_loop3A_441 = arith.constant 16 : i32
        %parallel_loop3A_442 = vector.broadcast %parallel_loop3A_441 : i32 to vector<16xi32>
        %parallel_loop3A_443 = arith.addi %iota3A, %parallel_loop3A_442 : vector<16xi32>
        %parallel_loop3A_444 = tpu.vector_load_idx %arg6[%parallel_loop3A_443, %parallel_loop3A_429] : memref<128x64xf32, #tpu.memory_space<vmem>>[vector<16xi32>, vector<16xi32>], vector<16xf32>,
        %parallel_loop3A_445 = arith.constant 8.000000e+00 : f32
        %parallel_loop3A_446 = vector.broadcast %parallel_loop3A_445 : f32 to vector<16xf32>
        %parallel_loop3A_447 = arith.mulf %parallel_loop3A_444, %parallel_loop3A_446 : vector<16xf32>
        %parallel_loop3A_448 = arith.index_cast %parallel_loop3A_425 : i32 to index
        %parallel_loop3A_449 = arith.index_cast %parallel_loop3A_428 : i32 to index
        %parallel_loop3A_450 = arith.constant 16 : index
        %parallel_loop3A_451 = tpu.vector_load %arg10[%parallel_loop3A_448, %parallel_loop3A_449, %parallel_loop3A_450] {strides = array<i32>} : memref<8x8x128xf32, #tpu.memory_space<vmem>>, vector<16xf32>,
        tpu.vector_store %arg10[%parallel_loop3A_448, %parallel_loop3A_449, %parallel_loop3A_450], %parallel_loop3A_447 {strides = array<i32>} : memref<8x8x128xf32, #tpu.memory_space<vmem>>, vector<16xf32>,
        %parallel_loop3A_452 = arith.constant 32 : i32
        %parallel_loop3A_453 = vector.broadcast %parallel_loop3A_452 : i32 to vector<16xi32>
        %parallel_loop3A_454 = arith.addi %iota3A, %parallel_loop3A_453 : vector<16xi32>
        %parallel_loop3A_455 = tpu.vector_load_idx %arg6[%parallel_loop3A_454, %parallel_loop3A_429] : memref<128x64xf32, #tpu.memory_space<vmem>>[vector<16xi32>, vector<16xi32>], vector<16xf32>,
        %parallel_loop3A_456 = arith.constant 8.000000e+00 : f32
        %parallel_loop3A_457 = vector.broadcast %parallel_loop3A_456 : f32 to vector<16xf32>
        %parallel_loop3A_458 = arith.mulf %parallel_loop3A_455, %parallel_loop3A_457 : vector<16xf32>
        %parallel_loop3A_459 = arith.index_cast %parallel_loop3A_425 : i32 to index
        %parallel_loop3A_460 = arith.index_cast %parallel_loop3A_428 : i32 to index
        %parallel_loop3A_461 = arith.constant 32 : index
        %parallel_loop3A_462 = tpu.vector_load %arg10[%parallel_loop3A_459, %parallel_loop3A_460, %parallel_loop3A_461] {strides = array<i32>} : memref<8x8x128xf32, #tpu.memory_space<vmem>>, vector<16xf32>,
        tpu.vector_store %arg10[%parallel_loop3A_459, %parallel_loop3A_460, %parallel_loop3A_461], %parallel_loop3A_458 {strides = array<i32>} : memref<8x8x128xf32, #tpu.memory_space<vmem>>, vector<16xf32>,
        %parallel_loop3A_463 = arith.constant 48 : i32
        %parallel_loop3A_464 = vector.broadcast %parallel_loop3A_463 : i32 to vector<16xi32>
        %parallel_loop3A_465 = arith.addi %iota3A, %parallel_loop3A_464 : vector<16xi32>
        %parallel_loop3A_466 = tpu.vector_load_idx %arg6[%parallel_loop3A_465, %parallel_loop3A_429] : memref<128x64xf32, #tpu.memory_space<vmem>>[vector<16xi32>, vector<16xi32>], vector<16xf32>,
        %parallel_loop3A_467 = arith.constant 8.000000e+00 : f32
        %parallel_loop3A_468 = vector.broadcast %parallel_loop3A_467 : f32 to vector<16xf32>
        %parallel_loop3A_469 = arith.mulf %parallel_loop3A_466, %parallel_loop3A_468 : vector<16xf32>
        %parallel_loop3A_470 = arith.index_cast %parallel_loop3A_425 : i32 to index
        %parallel_loop3A_471 = arith.index_cast %parallel_loop3A_428 : i32 to index
        %parallel_loop3A_472 = arith.constant 48 : index
        %parallel_loop3A_473 = tpu.vector_load %arg10[%parallel_loop3A_470, %parallel_loop3A_471, %parallel_loop3A_472] {strides = array<i32>} : memref<8x8x128xf32, #tpu.memory_space<vmem>>, vector<16xf32>,
        tpu.vector_store %arg10[%parallel_loop3A_470, %parallel_loop3A_471, %parallel_loop3A_472], %parallel_loop3A_469 {strides = array<i32>} : memref<8x8x128xf32, #tpu.memory_space<vmem>>, vector<16xf32>,
        %parallel_loop3A_474 = arith.constant 64 : i32
        %parallel_loop3A_475 = vector.broadcast %parallel_loop3A_474 : i32 to vector<16xi32>
        %parallel_loop3A_476 = arith.addi %iota3A, %parallel_loop3A_475 : vector<16xi32>
        %parallel_loop3A_477 = tpu.vector_load_idx %arg6[%parallel_loop3A_476, %parallel_loop3A_429] : memref<128x64xf32, #tpu.memory_space<vmem>>[vector<16xi32>, vector<16xi32>], vector<16xf32>,
        %parallel_loop3A_478 = arith.constant 8.000000e+00 : f32
        %parallel_loop3A_479 = vector.broadcast %parallel_loop3A_478 : f32 to vector<16xf32>
        %parallel_loop3A_480 = arith.mulf %parallel_loop3A_477, %parallel_loop3A_479 : vector<16xf32>
        %parallel_loop3A_481 = arith.index_cast %parallel_loop3A_425 : i32 to index
        %parallel_loop3A_482 = arith.index_cast %parallel_loop3A_428 : i32 to index
        %parallel_loop3A_483 = arith.constant 64 : index
        %parallel_loop3A_484 = tpu.vector_load %arg10[%parallel_loop3A_481, %parallel_loop3A_482, %parallel_loop3A_483] {strides = array<i32>} : memref<8x8x128xf32, #tpu.memory_space<vmem>>, vector<16xf32>,
        tpu.vector_store %arg10[%parallel_loop3A_481, %parallel_loop3A_482, %parallel_loop3A_483], %parallel_loop3A_480 {strides = array<i32>} : memref<8x8x128xf32, #tpu.memory_space<vmem>>, vector<16xf32>,
        %parallel_loop3A_485 = arith.constant 80 : i32
        %parallel_loop3A_486 = vector.broadcast %parallel_loop3A_485 : i32 to vector<16xi32>
        %parallel_loop3A_487 = arith.addi %iota3A, %parallel_loop3A_486 : vector<16xi32>
        %parallel_loop3A_488 = tpu.vector_load_idx %arg6[%parallel_loop3A_487, %parallel_loop3A_429] : memref<128x64xf32, #tpu.memory_space<vmem>>[vector<16xi32>, vector<16xi32>], vector<16xf32>,
        %parallel_loop3A_489 = arith.constant 8.000000e+00 : f32
        %parallel_loop3A_490 = vector.broadcast %parallel_loop3A_489 : f32 to vector<16xf32>
        %parallel_loop3A_491 = arith.mulf %parallel_loop3A_488, %parallel_loop3A_490 : vector<16xf32>
        %parallel_loop3A_492 = arith.index_cast %parallel_loop3A_425 : i32 to index
        %parallel_loop3A_493 = arith.index_cast %parallel_loop3A_428 : i32 to index
        %parallel_loop3A_494 = arith.constant 80 : index
        %parallel_loop3A_495 = tpu.vector_load %arg10[%parallel_loop3A_492, %parallel_loop3A_493, %parallel_loop3A_494] {strides = array<i32>} : memref<8x8x128xf32, #tpu.memory_space<vmem>>, vector<16xf32>,
        tpu.vector_store %arg10[%parallel_loop3A_492, %parallel_loop3A_493, %parallel_loop3A_494], %parallel_loop3A_491 {strides = array<i32>} : memref<8x8x128xf32, #tpu.memory_space<vmem>>, vector<16xf32>,
        %parallel_loop3A_496 = arith.constant 96 : i32
        %parallel_loop3A_497 = vector.broadcast %parallel_loop3A_496 : i32 to vector<16xi32>
        %parallel_loop3A_498 = arith.addi %iota3A, %parallel_loop3A_497 : vector<16xi32>
        %parallel_loop3A_499 = tpu.vector_load_idx %arg6[%parallel_loop3A_498, %parallel_loop3A_429] : memref<128x64xf32, #tpu.memory_space<vmem>>[vector<16xi32>, vector<16xi32>], vector<16xf32>,
        %parallel_loop3A_500 = arith.constant 8.000000e+00 : f32
        %parallel_loop3A_501 = vector.broadcast %parallel_loop3A_500 : f32 to vector<16xf32>
        %parallel_loop3A_502 = arith.mulf %parallel_loop3A_499, %parallel_loop3A_501 : vector<16xf32>
        %parallel_loop3A_503 = arith.index_cast %parallel_loop3A_425 : i32 to index
        %parallel_loop3A_504 = arith.index_cast %parallel_loop3A_428 : i32 to index
        %parallel_loop3A_505 = arith.constant 96 : index
        %parallel_loop3A_506 = tpu.vector_load %arg10[%parallel_loop3A_503, %parallel_loop3A_504, %parallel_loop3A_505] {strides = array<i32>} : memref<8x8x128xf32, #tpu.memory_space<vmem>>, vector<16xf32>,
        tpu.vector_store %arg10[%parallel_loop3A_503, %parallel_loop3A_504, %parallel_loop3A_505], %parallel_loop3A_502 {strides = array<i32>} : memref<8x8x128xf32, #tpu.memory_space<vmem>>, vector<16xf32>,
        %parallel_loop3A_507 = arith.constant 112 : i32
        %parallel_loop3A_508 = vector.broadcast %parallel_loop3A_507 : i32 to vector<16xi32>
        %parallel_loop3A_509 = arith.addi %iota3A, %parallel_loop3A_508 : vector<16xi32>
        %parallel_loop3A_510 = tpu.vector_load_idx %arg6[%parallel_loop3A_509, %parallel_loop3A_429] : memref<128x64xf32, #tpu.memory_space<vmem>>[vector<16xi32>, vector<16xi32>], vector<16xf32>,
        %parallel_loop3A_511 = arith.constant 8.000000e+00 : f32
        %parallel_loop3A_512 = vector.broadcast %parallel_loop3A_511 : f32 to vector<16xf32>
        %parallel_loop3A_513 = arith.mulf %parallel_loop3A_510, %parallel_loop3A_512 : vector<16xf32>
        %parallel_loop3A_514 = arith.index_cast %parallel_loop3A_425 : i32 to index
        %parallel_loop3A_515 = arith.index_cast %parallel_loop3A_428 : i32 to index
        %parallel_loop3A_516 = arith.constant 112 : index
        %parallel_loop3A_517 = tpu.vector_load %arg10[%parallel_loop3A_514, %parallel_loop3A_515, %parallel_loop3A_516] {strides = array<i32>} : memref<8x8x128xf32, #tpu.memory_space<vmem>>, vector<16xf32>,
        tpu.vector_store %arg10[%parallel_loop3A_514, %parallel_loop3A_515, %parallel_loop3A_516], %parallel_loop3A_513 {strides = array<i32>} : memref<8x8x128xf32, #tpu.memory_space<vmem>>, vector<16xf32>,
      } {sc.loop_unroll_factor = 4 : i64, sc.parallel_access}
      %add3A_58 = arith.addi %mul3A_2, %add3A_48 : i32
      %jit3A = arith.constant 256 : i32
      %div3A = arith.divsi %add3A_58, %jit3A : i32
      %sign3A = arith.constant 0 : i32
      %sign3A_59 = arith.cmpi sgt, %add3A_58, %sign3A : i32
      %sign3A_60 = arith.extui %sign3A_59 : i1 to i32
      %sign3A_61 = arith.constant 0 : i32
      %sign3A_62 = arith.cmpi slt, %add3A_58, %sign3A_61 : i32
      %sign3A_63 = arith.extui %sign3A_62 : i1 to i32
      %sign3A_64 = arith.subi %sign3A_60, %sign3A_63 : i32
      %sign3A_65 = arith.constant 0 : i32
      %sign3A_66 = arith.cmpi sgt, %jit3A, %sign3A_65 : i32
      %sign3A_67 = arith.extui %sign3A_66 : i1 to i32
      %sign3A_68 = arith.constant 0 : i32
      %sign3A_69 = arith.cmpi slt, %jit3A, %sign3A_68 : i32
      %sign3A_70 = arith.extui %sign3A_69 : i1 to i32
      %sign3A_71 = arith.subi %sign3A_67, %sign3A_70 : i32
      %ne3A = arith.cmpi ne, %sign3A_64, %sign3A_71 : i32
      %rem3A = arith.remsi %add3A_58, %jit3A : i32
      %ne3A_72 = arith.constant 0 : i32
      %ne3A_73 = arith.cmpi ne, %rem3A, %ne3A_72 : i32
      %and3A = arith.andi %ne3A, %ne3A_73 : i1
      %sub3A = arith.constant 1 : i32
      %sub3A_74 = arith.subi %div3A, %sub3A : i32
      %select_n3A = arith.select %and3A, %sub3A_74, %div3A : i32
      %mul3A_75 = arith.constant 256 : i32
      %mul3A_76 = arith.muli %select_n3A, %mul3A_75 : i32
      %sub3A_77 = arith.subi %add3A_58, %mul3A_76 : i32
      %jit3A_78 = arith.constant 8 : i32
      %div3A_79 = arith.divsi %sub3A_77, %jit3A_78 : i32
      %sign3A_80 = arith.constant 0 : i32
      %sign3A_81 = arith.cmpi sgt, %sub3A_77, %sign3A_80 : i32
      %sign3A_82 = arith.extui %sign3A_81 : i1 to i32
      %sign3A_83 = arith.constant 0 : i32
      %sign3A_84 = arith.cmpi slt, %sub3A_77, %sign3A_83 : i32
      %sign3A_85 = arith.extui %sign3A_84 : i1 to i32
      %sign3A_86 = arith.subi %sign3A_82, %sign3A_85 : i32
      %sign3A_87 = arith.constant 0 : i32
      %sign3A_88 = arith.cmpi sgt, %jit3A_78, %sign3A_87 : i32
      %sign3A_89 = arith.extui %sign3A_88 : i1 to i32
      %sign3A_90 = arith.constant 0 : i32
      %sign3A_91 = arith.cmpi slt, %jit3A_78, %sign3A_90 : i32
      %sign3A_92 = arith.extui %sign3A_91 : i1 to i32
      %sign3A_93 = arith.subi %sign3A_89, %sign3A_92 : i32
      %ne3A_94 = arith.cmpi ne, %sign3A_86, %sign3A_93 : i32
      %rem3A_95 = arith.remsi %sub3A_77, %jit3A_78 : i32
      %ne3A_96 = arith.constant 0 : i32
      %ne3A_97 = arith.cmpi ne, %rem3A_95, %ne3A_96 : i32
      %and3A_98 = arith.andi %ne3A_94, %ne3A_97 : i1
      %sub3A_99 = arith.constant 1 : i32
      %sub3A_100 = arith.subi %div3A_79, %sub3A_99 : i32
      %select_n3A_101 = arith.select %and3A_98, %sub3A_100, %div3A_79 : i32
      %mul3A_102 = arith.constant 8 : i32
      %mul3A_103 = arith.muli %select_n3A_101, %mul3A_102 : i32
      %sub3A_104 = arith.subi %sub3A_77, %mul3A_103 : i32
      %mul3A_105 = arith.constant 8 : i32
      %mul3A_106 = arith.muli %select_n3A, %mul3A_105 : i32
      %add3A_107 = arith.addi %mul3A_106, %sub3A_104 : i32
      %dma_start3A_108 = arith.constant 0 : i32
      %dma_start3A_109 = arith.constant 0 : i32
      %dma_start3A_110 = arith.constant 0 : i32
      %dma_start3A_111 = tpu.memref_slice %arg4[%add3A_107, %dma_start3A_108, %select_n3A_101, %dma_start3A_109, %dma_start3A_110] : memref<200x8x32x8x128xf32, #tpu.memory_space<hbm>> -> memref<1x8x1x8x128xf32, #tpu.memory_space<hbm>>
      %dma_start3A_112 = tpu.memref_squeeze %dma_start3A_111 : memref<1x8x1x8x128xf32, #tpu.memory_space<hbm>> -> memref<8x8x128xf32, #tpu.memory_space<hbm>>
      %dma_start3A_113 = arith.constant 0 : i32
      %dma_start3A_114 = arith.constant 0 : i32
      %dma_start3A_115 = arith.constant 0 : i32
      %dma_start3A_116 = tpu.memref_slice %arg4[%add3A_107, %dma_start3A_113, %select_n3A_101, %dma_start3A_114, %dma_start3A_115] : memref<200x8x32x8x128xf32, #tpu.memory_space<hbm>> -> memref<1x8x1x8x128xf32, #tpu.memory_space<hbm>>
      %dma_start3A_117 = tpu.memref_squeeze %dma_start3A_116 : memref<1x8x1x8x128xf32, #tpu.memory_space<hbm>> -> memref<8x8x128xf32, #tpu.memory_space<hbm>>
      tpu.enqueue_dma source(%arg10 : memref<8x8x128xf32, #tpu.memory_space<vmem>>) target(%dma_start3A_117 : memref<8x8x128xf32, #tpu.memory_space<hbm>>) target_semaphore(%arg16 : memref<!tpu.dma_semaphore, #tpu.memory_space<semaphore_mem>>)
      %add3A_118 = arith.constant 2 : i32
      %add3A_119 = arith.addi %add3A_48, %add3A_118 : i32
      %lt3A = arith.constant 200 : i32
      %lt3A_120 = arith.cmpi slt, %add3A_119, %lt3A : i32
      %convert_element_type3A_121 = arith.extui %lt3A_120 : i1 to i32
      %cond3A_122 = arith.constant 0 : i32
      %cond3A_123 = arith.cmpi ne, %convert_element_type3A_121, %cond3A_122 : i32
      scf.if %cond3A_123 {
        %mul3A_401 = arith.constant 128 : i32
        %mul3A_402 = arith.muli %add3A_119, %mul3A_401 : i32
        %dma_start3A_403 = tpu.memref_slice %arg5[%mul3A_402] : memref<25600xi32, #tpu.memory_space<vmem>> -> memref<128xi32, #tpu.memory_space<vmem>>
        %dma_start3A_404 = arith.constant 0 : i32
        %dma_start3A_405 = arith.constant 0 : i32
        %dma_start3A_406 = tpu.memref_slice %arg3[%dma_start3A_404, %dma_start3A_405] : memref<1000000x64xf32, #tpu.memory_space<hbm>> -> memref<1000000x64xf32, #tpu.memory_space<hbm>>
        tpu.enqueue_indirect_dma source(%dma_start3A_406 : memref<1000000x64xf32, #tpu.memory_space<hbm>>) target(%arg8 : memref<128x64xf32, #tpu.memory_space<vmem>>) offsets(%dma_start3A_403 : memref<128xi32, #tpu.memory_space<vmem>>) semaphore(%arg14 : memref<!tpu.dma_semaphore, #tpu.memory_space<semaphore_mem>>)
      } else {
      }
      %mul3A_124 = arith.constant 4 : i32
      %mul3A_125 = arith.muli %scan3A_43, %mul3A_124 : i32
      %add3A_126 = arith.constant 1 : i32
      %add3A_127 = arith.addi %mul3A_125, %add3A_126 : i32
      %dma_wait3A_128 = arith.constant 0 : i32
      %dma_wait3A_129 = tpu.memref_slice %arg5[%dma_wait3A_128] : memref<25600xi32, #tpu.memory_space<vmem>> -> memref<128xi32, #tpu.memory_space<vmem>>
      %dma_wait3A_130 = arith.constant 0 : i32
      %dma_wait3A_131 = arith.constant 0 : i32
      %dma_wait3A_132 = tpu.memref_slice %arg3[%dma_wait3A_130, %dma_wait3A_131] : memref<1000000x64xf32, #tpu.memory_space<hbm>> -> memref<1000000x64xf32, #tpu.memory_space<hbm>>
      tpu.wait_indirect_dma semaphore(%arg13 : memref<!tpu.dma_semaphore, #tpu.memory_space<semaphore_mem>>) src(%dma_wait3A_132 : memref<1000000x64xf32, #tpu.memory_space<hbm>>) dst(%arg7 : memref<128x64xf32, #tpu.memory_space<vmem>>)
      %ge3A_133 = arith.constant 2 : i32
      %ge3A_134 = arith.cmpi sge, %add3A_127, %ge3A_133 : i32
      %convert_element_type3A_135 = arith.extui %ge3A_134 : i1 to i32
      %cond3A_136 = arith.constant 0 : i32
      %cond3A_137 = arith.cmpi ne, %convert_element_type3A_135, %cond3A_136 : i32
      scf.if %cond3A_137 {
        %dma_wait3A_401 = arith.constant 0 : i32
        %dma_wait3A_402 = arith.constant 0 : i32
        %dma_wait3A_403 = arith.constant 0 : i32
        %dma_wait3A_404 = arith.constant 0 : i32
        %dma_wait3A_405 = arith.constant 0 : i32
        %dma_wait3A_406 = tpu.memref_slice %arg4[%dma_wait3A_401, %dma_wait3A_403, %dma_wait3A_402, %dma_wait3A_404, %dma_wait3A_405] : memref<200x8x32x8x128xf32, #tpu.memory_space<hbm>> -> memref<1x8x1x8x128xf32, #tpu.memory_space<hbm>>
        %dma_wait3A_407 = tpu.memref_squeeze %dma_wait3A_406 : memref<1x8x1x8x128xf32, #tpu.memory_space<hbm>> -> memref<8x8x128xf32, #tpu.memory_space<hbm>>
        %dma_wait3A_408 = arith.constant 0 : i32
        %dma_wait3A_409 = arith.constant 0 : i32
        %dma_wait3A_410 = arith.constant 0 : i32
        %dma_wait3A_411 = tpu.memref_slice %arg4[%dma_wait3A_401, %dma_wait3A_408, %dma_wait3A_402, %dma_wait3A_409, %dma_wait3A_410] : memref<200x8x32x8x128xf32, #tpu.memory_space<hbm>> -> memref<1x8x1x8x128xf32, #tpu.memory_space<hbm>>
        %dma_wait3A_412 = tpu.memref_squeeze %dma_wait3A_411 : memref<1x8x1x8x128xf32, #tpu.memory_space<hbm>> -> memref<8x8x128xf32, #tpu.memory_space<hbm>>
        tpu.wait_dma2 semaphore(%arg17 : memref<!tpu.dma_semaphore, #tpu.memory_space<semaphore_mem>>) src(%arg11 : memref<8x8x128xf32, #tpu.memory_space<vmem>>) dst(%dma_wait3A_412 : memref<8x8x128xf32, #tpu.memory_space<hbm>>)
      } else {
      }
      %parallel_loop3A_138 = arith.constant 0 : i32
      %parallel_loop3A_139 = arith.constant 64 : i32
      %parallel_loop3A_140 = arith.constant 1 : i32
      scf.for %parallel_loop3A_401 = %parallel_loop3A_138 to %parallel_loop3A_139 step %parallel_loop3A_140  : i32 {
        %parallel_loop3A_402 = arith.constant 8 : i32
        %parallel_loop3A_403 = arith.divsi %parallel_loop3A_401, %parallel_loop3A_402 : i32
        %parallel_loop3A_404 = arith.constant 0 : i32
        %parallel_loop3A_405 = arith.cmpi sgt, %parallel_loop3A_401, %parallel_loop3A_404 : i32
        %parallel_loop3A_406 = arith.extui %parallel_loop3A_405 : i1 to i32
        %parallel_loop3A_407 = arith.constant 0 : i32
        %parallel_loop3A_408 = arith.cmpi slt, %parallel_loop3A_401, %parallel_loop3A_407 : i32
        %parallel_loop3A_409 = arith.extui %parallel_loop3A_408 : i1 to i32
        %parallel_loop3A_410 = arith.subi %parallel_loop3A_406, %parallel_loop3A_409 : i32
        %parallel_loop3A_411 = arith.constant 0 : i32
        %parallel_loop3A_412 = arith.cmpi sgt, %parallel_loop3A_402, %parallel_loop3A_411 : i32
        %parallel_loop3A_413 = arith.extui %parallel_loop3A_412 : i1 to i32
        %parallel_loop3A_414 = arith.constant 0 : i32
        %parallel_loop3A_415 = arith.cmpi slt, %parallel_loop3A_402, %parallel_loop3A_414 : i32
        %parallel_loop3A_416 = arith.extui %parallel_loop3A_415 : i1 to i32
        %parallel_loop3A_417 = arith.subi %parallel_loop3A_413, %parallel_loop3A_416 : i32
        %parallel_loop3A_418 = arith.cmpi ne, %parallel_loop3A_410, %parallel_loop3A_417 : i32
        %parallel_loop3A_419 = arith.remsi %parallel_loop3A_401, %parallel_loop3A_402 : i32
        %parallel_loop3A_420 = arith.constant 0 : i32
        %parallel_loop3A_421 = arith.cmpi ne, %parallel_loop3A_419, %parallel_loop3A_420 : i32
        %parallel_loop3A_422 = arith.andi %parallel_loop3A_418, %parallel_loop3A_421 : i1
        %parallel_loop3A_423 = arith.constant 1 : i32
        %parallel_loop3A_424 = arith.subi %parallel_loop3A_403, %parallel_loop3A_423 : i32
        %parallel_loop3A_425 = arith.select %parallel_loop3A_422, %parallel_loop3A_424, %parallel_loop3A_403 : i32
        %parallel_loop3A_426 = arith.constant 8 : i32
        %parallel_loop3A_427 = arith.muli %parallel_loop3A_425, %parallel_loop3A_426 : i32
        %parallel_loop3A_428 = arith.subi %parallel_loop3A_401, %parallel_loop3A_427 : i32
        %parallel_loop3A_429 = vector.broadcast %parallel_loop3A_401 : i32 to vector<16xi32>
        %parallel_loop3A_430 = arith.constant 0 : i32
        %parallel_loop3A_431 = vector.broadcast %parallel_loop3A_430 : i32 to vector<16xi32>
        %parallel_loop3A_432 = arith.addi %iota3A, %parallel_loop3A_431 : vector<16xi32>
        %parallel_loop3A_433 = tpu.vector_load_idx %arg7[%parallel_loop3A_432, %parallel_loop3A_429] : memref<128x64xf32, #tpu.memory_space<vmem>>[vector<16xi32>, vector<16xi32>], vector<16xf32>,
        %parallel_loop3A_434 = arith.constant 8.000000e+00 : f32
        %parallel_loop3A_435 = vector.broadcast %parallel_loop3A_434 : f32 to vector<16xf32>
        %parallel_loop3A_436 = arith.mulf %parallel_loop3A_433, %parallel_loop3A_435 : vector<16xf32>
        %parallel_loop3A_437 = arith.index_cast %parallel_loop3A_425 : i32 to index
        %parallel_loop3A_438 = arith.index_cast %parallel_loop3A_428 : i32 to index
        %parallel_loop3A_439 = arith.constant 0 : index
        %parallel_loop3A_440 = tpu.vector_load %arg11[%parallel_loop3A_437, %parallel_loop3A_438, %parallel_loop3A_439] {strides = array<i32>} : memref<8x8x128xf32, #tpu.memory_space<vmem>>, vector<16xf32>,
        tpu.vector_store %arg11[%parallel_loop3A_437, %parallel_loop3A_438, %parallel_loop3A_439], %parallel_loop3A_436 {strides = array<i32>} : memref<8x8x128xf32, #tpu.memory_space<vmem>>, vector<16xf32>,
        %parallel_loop3A_441 = arith.constant 16 : i32
        %parallel_loop3A_442 = vector.broadcast %parallel_loop3A_441 : i32 to vector<16xi32>
        %parallel_loop3A_443 = arith.addi %iota3A, %parallel_loop3A_442 : vector<16xi32>
        %parallel_loop3A_444 = tpu.vector_load_idx %arg7[%parallel_loop3A_443, %parallel_loop3A_429] : memref<128x64xf32, #tpu.memory_space<vmem>>[vector<16xi32>, vector<16xi32>], vector<16xf32>,
        %parallel_loop3A_445 = arith.constant 8.000000e+00 : f32
        %parallel_loop3A_446 = vector.broadcast %parallel_loop3A_445 : f32 to vector<16xf32>
        %parallel_loop3A_447 = arith.mulf %parallel_loop3A_444, %parallel_loop3A_446 : vector<16xf32>
        %parallel_loop3A_448 = arith.index_cast %parallel_loop3A_425 : i32 to index
        %parallel_loop3A_449 = arith.index_cast %parallel_loop3A_428 : i32 to index
        %parallel_loop3A_450 = arith.constant 16 : index
        %parallel_loop3A_451 = tpu.vector_load %arg11[%parallel_loop3A_448, %parallel_loop3A_449, %parallel_loop3A_450] {strides = array<i32>} : memref<8x8x128xf32, #tpu.memory_space<vmem>>, vector<16xf32>,
        tpu.vector_store %arg11[%parallel_loop3A_448, %parallel_loop3A_449, %parallel_loop3A_450], %parallel_loop3A_447 {strides = array<i32>} : memref<8x8x128xf32, #tpu.memory_space<vmem>>, vector<16xf32>,
        %parallel_loop3A_452 = arith.constant 32 : i32
        %parallel_loop3A_453 = vector.broadcast %parallel_loop3A_452 : i32 to vector<16xi32>
        %parallel_loop3A_454 = arith.addi %iota3A, %parallel_loop3A_453 : vector<16xi32>
        %parallel_loop3A_455 = tpu.vector_load_idx %arg7[%parallel_loop3A_454, %parallel_loop3A_429] : memref<128x64xf32, #tpu.memory_space<vmem>>[vector<16xi32>, vector<16xi32>], vector<16xf32>,
        %parallel_loop3A_456 = arith.constant 8.000000e+00 : f32
        %parallel_loop3A_457 = vector.broadcast %parallel_loop3A_456 : f32 to vector<16xf32>
        %parallel_loop3A_458 = arith.mulf %parallel_loop3A_455, %parallel_loop3A_457 : vector<16xf32>
        %parallel_loop3A_459 = arith.index_cast %parallel_loop3A_425 : i32 to index
        %parallel_loop3A_460 = arith.index_cast %parallel_loop3A_428 : i32 to index
        %parallel_loop3A_461 = arith.constant 32 : index
        %parallel_loop3A_462 = tpu.vector_load %arg11[%parallel_loop3A_459, %parallel_loop3A_460, %parallel_loop3A_461] {strides = array<i32>} : memref<8x8x128xf32, #tpu.memory_space<vmem>>, vector<16xf32>,
        tpu.vector_store %arg11[%parallel_loop3A_459, %parallel_loop3A_460, %parallel_loop3A_461], %parallel_loop3A_458 {strides = array<i32>} : memref<8x8x128xf32, #tpu.memory_space<vmem>>, vector<16xf32>,
        %parallel_loop3A_463 = arith.constant 48 : i32
        %parallel_loop3A_464 = vector.broadcast %parallel_loop3A_463 : i32 to vector<16xi32>
        %parallel_loop3A_465 = arith.addi %iota3A, %parallel_loop3A_464 : vector<16xi32>
        %parallel_loop3A_466 = tpu.vector_load_idx %arg7[%parallel_loop3A_465, %parallel_loop3A_429] : memref<128x64xf32, #tpu.memory_space<vmem>>[vector<16xi32>, vector<16xi32>], vector<16xf32>,
        %parallel_loop3A_467 = arith.constant 8.000000e+00 : f32
        %parallel_loop3A_468 = vector.broadcast %parallel_loop3A_467 : f32 to vector<16xf32>
        %parallel_loop3A_469 = arith.mulf %parallel_loop3A_466, %parallel_loop3A_468 : vector<16xf32>
        %parallel_loop3A_470 = arith.index_cast %parallel_loop3A_425 : i32 to index
        %parallel_loop3A_471 = arith.index_cast %parallel_loop3A_428 : i32 to index
        %parallel_loop3A_472 = arith.constant 48 : index
        %parallel_loop3A_473 = tpu.vector_load %arg11[%parallel_loop3A_470, %parallel_loop3A_471, %parallel_loop3A_472] {strides = array<i32>} : memref<8x8x128xf32, #tpu.memory_space<vmem>>, vector<16xf32>,
        tpu.vector_store %arg11[%parallel_loop3A_470, %parallel_loop3A_471, %parallel_loop3A_472], %parallel_loop3A_469 {strides = array<i32>} : memref<8x8x128xf32, #tpu.memory_space<vmem>>, vector<16xf32>,
        %parallel_loop3A_474 = arith.constant 64 : i32
        %parallel_loop3A_475 = vector.broadcast %parallel_loop3A_474 : i32 to vector<16xi32>
        %parallel_loop3A_476 = arith.addi %iota3A, %parallel_loop3A_475 : vector<16xi32>
        %parallel_loop3A_477 = tpu.vector_load_idx %arg7[%parallel_loop3A_476, %parallel_loop3A_429] : memref<128x64xf32, #tpu.memory_space<vmem>>[vector<16xi32>, vector<16xi32>], vector<16xf32>,
        %parallel_loop3A_478 = arith.constant 8.000000e+00 : f32
        %parallel_loop3A_479 = vector.broadcast %parallel_loop3A_478 : f32 to vector<16xf32>
        %parallel_loop3A_480 = arith.mulf %parallel_loop3A_477, %parallel_loop3A_479 : vector<16xf32>
        %parallel_loop3A_481 = arith.index_cast %parallel_loop3A_425 : i32 to index
        %parallel_loop3A_482 = arith.index_cast %parallel_loop3A_428 : i32 to index
        %parallel_loop3A_483 = arith.constant 64 : index
        %parallel_loop3A_484 = tpu.vector_load %arg11[%parallel_loop3A_481, %parallel_loop3A_482, %parallel_loop3A_483] {strides = array<i32>} : memref<8x8x128xf32, #tpu.memory_space<vmem>>, vector<16xf32>,
        tpu.vector_store %arg11[%parallel_loop3A_481, %parallel_loop3A_482, %parallel_loop3A_483], %parallel_loop3A_480 {strides = array<i32>} : memref<8x8x128xf32, #tpu.memory_space<vmem>>, vector<16xf32>,
        %parallel_loop3A_485 = arith.constant 80 : i32
        %parallel_loop3A_486 = vector.broadcast %parallel_loop3A_485 : i32 to vector<16xi32>
        %parallel_loop3A_487 = arith.addi %iota3A, %parallel_loop3A_486 : vector<16xi32>
        %parallel_loop3A_488 = tpu.vector_load_idx %arg7[%parallel_loop3A_487, %parallel_loop3A_429] : memref<128x64xf32, #tpu.memory_space<vmem>>[vector<16xi32>, vector<16xi32>], vector<16xf32>,
        %parallel_loop3A_489 = arith.constant 8.000000e+00 : f32
        %parallel_loop3A_490 = vector.broadcast %parallel_loop3A_489 : f32 to vector<16xf32>
        %parallel_loop3A_491 = arith.mulf %parallel_loop3A_488, %parallel_loop3A_490 : vector<16xf32>
        %parallel_loop3A_492 = arith.index_cast %parallel_loop3A_425 : i32 to index
        %parallel_loop3A_493 = arith.index_cast %parallel_loop3A_428 : i32 to index
        %parallel_loop3A_494 = arith.constant 80 : index
        %parallel_loop3A_495 = tpu.vector_load %arg11[%parallel_loop3A_492, %parallel_loop3A_493, %parallel_loop3A_494] {strides = array<i32>} : memref<8x8x128xf32, #tpu.memory_space<vmem>>, vector<16xf32>,
        tpu.vector_store %arg11[%parallel_loop3A_492, %parallel_loop3A_493, %parallel_loop3A_494], %parallel_loop3A_491 {strides = array<i32>} : memref<8x8x128xf32, #tpu.memory_space<vmem>>, vector<16xf32>,
        %parallel_loop3A_496 = arith.constant 96 : i32
        %parallel_loop3A_497 = vector.broadcast %parallel_loop3A_496 : i32 to vector<16xi32>
        %parallel_loop3A_498 = arith.addi %iota3A, %parallel_loop3A_497 : vector<16xi32>
        %parallel_loop3A_499 = tpu.vector_load_idx %arg7[%parallel_loop3A_498, %parallel_loop3A_429] : memref<128x64xf32, #tpu.memory_space<vmem>>[vector<16xi32>, vector<16xi32>], vector<16xf32>,
        %parallel_loop3A_500 = arith.constant 8.000000e+00 : f32
        %parallel_loop3A_501 = vector.broadcast %parallel_loop3A_500 : f32 to vector<16xf32>
        %parallel_loop3A_502 = arith.mulf %parallel_loop3A_499, %parallel_loop3A_501 : vector<16xf32>
        %parallel_loop3A_503 = arith.index_cast %parallel_loop3A_425 : i32 to index
        %parallel_loop3A_504 = arith.index_cast %parallel_loop3A_428 : i32 to index
        %parallel_loop3A_505 = arith.constant 96 : index
        %parallel_loop3A_506 = tpu.vector_load %arg11[%parallel_loop3A_503, %parallel_loop3A_504, %parallel_loop3A_505] {strides = array<i32>} : memref<8x8x128xf32, #tpu.memory_space<vmem>>, vector<16xf32>,
        tpu.vector_store %arg11[%parallel_loop3A_503, %parallel_loop3A_504, %parallel_loop3A_505], %parallel_loop3A_502 {strides = array<i32>} : memref<8x8x128xf32, #tpu.memory_space<vmem>>, vector<16xf32>,
        %parallel_loop3A_507 = arith.constant 112 : i32
        %parallel_loop3A_508 = vector.broadcast %parallel_loop3A_507 : i32 to vector<16xi32>
        %parallel_loop3A_509 = arith.addi %iota3A, %parallel_loop3A_508 : vector<16xi32>
        %parallel_loop3A_510 = tpu.vector_load_idx %arg7[%parallel_loop3A_509, %parallel_loop3A_429] : memref<128x64xf32, #tpu.memory_space<vmem>>[vector<16xi32>, vector<16xi32>], vector<16xf32>,
        %parallel_loop3A_511 = arith.constant 8.000000e+00 : f32
        %parallel_loop3A_512 = vector.broadcast %parallel_loop3A_511 : f32 to vector<16xf32>
        %parallel_loop3A_513 = arith.mulf %parallel_loop3A_510, %parallel_loop3A_512 : vector<16xf32>
        %parallel_loop3A_514 = arith.index_cast %parallel_loop3A_425 : i32 to index
        %parallel_loop3A_515 = arith.index_cast %parallel_loop3A_428 : i32 to index
        %parallel_loop3A_516 = arith.constant 112 : index
        %parallel_loop3A_517 = tpu.vector_load %arg11[%parallel_loop3A_514, %parallel_loop3A_515, %parallel_loop3A_516] {strides = array<i32>} : memref<8x8x128xf32, #tpu.memory_space<vmem>>, vector<16xf32>,
        tpu.vector_store %arg11[%parallel_loop3A_514, %parallel_loop3A_515, %parallel_loop3A_516], %parallel_loop3A_513 {strides = array<i32>} : memref<8x8x128xf32, #tpu.memory_space<vmem>>, vector<16xf32>,
      } {sc.loop_unroll_factor = 4 : i64, sc.parallel_access}
      %add3A_141 = arith.addi %mul3A_2, %add3A_127 : i32
      %jit3A_142 = arith.constant 256 : i32
      %div3A_143 = arith.divsi %add3A_141, %jit3A_142 : i32
      %sign3A_144 = arith.constant 0 : i32
      %sign3A_145 = arith.cmpi sgt, %add3A_141, %sign3A_144 : i32
      %sign3A_146 = arith.extui %sign3A_145 : i1 to i32
      %sign3A_147 = arith.constant 0 : i32
      %sign3A_148 = arith.cmpi slt, %add3A_141, %sign3A_147 : i32
      %sign3A_149 = arith.extui %sign3A_148 : i1 to i32
      %sign3A_150 = arith.subi %sign3A_146, %sign3A_149 : i32
      %sign3A_151 = arith.constant 0 : i32
      %sign3A_152 = arith.cmpi sgt, %jit3A_142, %sign3A_151 : i32
      %sign3A_153 = arith.extui %sign3A_152 : i1 to i32
      %sign3A_154 = arith.constant 0 : i32
      %sign3A_155 = arith.cmpi slt, %jit3A_142, %sign3A_154 : i32
      %sign3A_156 = arith.extui %sign3A_155 : i1 to i32
      %sign3A_157 = arith.subi %sign3A_153, %sign3A_156 : i32
      %ne3A_158 = arith.cmpi ne, %sign3A_150, %sign3A_157 : i32
      %rem3A_159 = arith.remsi %add3A_141, %jit3A_142 : i32
      %ne3A_160 = arith.constant 0 : i32
      %ne3A_161 = arith.cmpi ne, %rem3A_159, %ne3A_160 : i32
      %and3A_162 = arith.andi %ne3A_158, %ne3A_161 : i1
      %sub3A_163 = arith.constant 1 : i32
      %sub3A_164 = arith.subi %div3A_143, %sub3A_163 : i32
      %select_n3A_165 = arith.select %and3A_162, %sub3A_164, %div3A_143 : i32
      %mul3A_166 = arith.constant 256 : i32
      %mul3A_167 = arith.muli %select_n3A_165, %mul3A_166 : i32
      %sub3A_168 = arith.subi %add3A_141, %mul3A_167 : i32
      %jit3A_169 = arith.constant 8 : i32
      %div3A_170 = arith.divsi %sub3A_168, %jit3A_169 : i32
      %sign3A_171 = arith.constant 0 : i32
      %sign3A_172 = arith.cmpi sgt, %sub3A_168, %sign3A_171 : i32
      %sign3A_173 = arith.extui %sign3A_172 : i1 to i32
      %sign3A_174 = arith.constant 0 : i32
      %sign3A_175 = arith.cmpi slt, %sub3A_168, %sign3A_174 : i32
      %sign3A_176 = arith.extui %sign3A_175 : i1 to i32
      %sign3A_177 = arith.subi %sign3A_173, %sign3A_176 : i32
      %sign3A_178 = arith.constant 0 : i32
      %sign3A_179 = arith.cmpi sgt, %jit3A_169, %sign3A_178 : i32
      %sign3A_180 = arith.extui %sign3A_179 : i1 to i32
      %sign3A_181 = arith.constant 0 : i32
      %sign3A_182 = arith.cmpi slt, %jit3A_169, %sign3A_181 : i32
      %sign3A_183 = arith.extui %sign3A_182 : i1 to i32
      %sign3A_184 = arith.subi %sign3A_180, %sign3A_183 : i32
      %ne3A_185 = arith.cmpi ne, %sign3A_177, %sign3A_184 : i32
      %rem3A_186 = arith.remsi %sub3A_168, %jit3A_169 : i32
      %ne3A_187 = arith.constant 0 : i32
      %ne3A_188 = arith.cmpi ne, %rem3A_186, %ne3A_187 : i32
      %and3A_189 = arith.andi %ne3A_185, %ne3A_188 : i1
      %sub3A_190 = arith.constant 1 : i32
      %sub3A_191 = arith.subi %div3A_170, %sub3A_190 : i32
      %select_n3A_192 = arith.select %and3A_189, %sub3A_191, %div3A_170 : i32
      %mul3A_193 = arith.constant 8 : i32
      %mul3A_194 = arith.muli %select_n3A_192, %mul3A_193 : i32
      %sub3A_195 = arith.subi %sub3A_168, %mul3A_194 : i32
      %mul3A_196 = arith.constant 8 : i32
      %mul3A_197 = arith.muli %select_n3A_165, %mul3A_196 : i32
      %add3A_198 = arith.addi %mul3A_197, %sub3A_195 : i32
      %dma_start3A_199 = arith.constant 0 : i32
      %dma_start3A_200 = arith.constant 0 : i32
      %dma_start3A_201 = arith.constant 0 : i32
      %dma_start3A_202 = tpu.memref_slice %arg4[%add3A_198, %dma_start3A_199, %select_n3A_192, %dma_start3A_200, %dma_start3A_201] : memref<200x8x32x8x128xf32, #tpu.memory_space<hbm>> -> memref<1x8x1x8x128xf32, #tpu.memory_space<hbm>>
      %dma_start3A_203 = tpu.memref_squeeze %dma_start3A_202 : memref<1x8x1x8x128xf32, #tpu.memory_space<hbm>> -> memref<8x8x128xf32, #tpu.memory_space<hbm>>
      %dma_start3A_204 = arith.constant 0 : i32
      %dma_start3A_205 = arith.constant 0 : i32
      %dma_start3A_206 = arith.constant 0 : i32
      %dma_start3A_207 = tpu.memref_slice %arg4[%add3A_198, %dma_start3A_204, %select_n3A_192, %dma_start3A_205, %dma_start3A_206] : memref<200x8x32x8x128xf32, #tpu.memory_space<hbm>> -> memref<1x8x1x8x128xf32, #tpu.memory_space<hbm>>
      %dma_start3A_208 = tpu.memref_squeeze %dma_start3A_207 : memref<1x8x1x8x128xf32, #tpu.memory_space<hbm>> -> memref<8x8x128xf32, #tpu.memory_space<hbm>>
      tpu.enqueue_dma source(%arg11 : memref<8x8x128xf32, #tpu.memory_space<vmem>>) target(%dma_start3A_208 : memref<8x8x128xf32, #tpu.memory_space<hbm>>) target_semaphore(%arg17 : memref<!tpu.dma_semaphore, #tpu.memory_space<semaphore_mem>>)
      %add3A_209 = arith.constant 2 : i32
      %add3A_210 = arith.addi %add3A_127, %add3A_209 : i32
      %lt3A_211 = arith.constant 200 : i32
      %lt3A_212 = arith.cmpi slt, %add3A_210, %lt3A_211 : i32
      %convert_element_type3A_213 = arith.extui %lt3A_212 : i1 to i32
      %cond3A_214 = arith.constant 0 : i32
      %cond3A_215 = arith.cmpi ne, %convert_element_type3A_213, %cond3A_214 : i32
      scf.if %cond3A_215 {
        %mul3A_401 = arith.constant 128 : i32
        %mul3A_402 = arith.muli %add3A_210, %mul3A_401 : i32
        %dma_start3A_403 = tpu.memref_slice %arg5[%mul3A_402] : memref<25600xi32, #tpu.memory_space<vmem>> -> memref<128xi32, #tpu.memory_space<vmem>>
        %dma_start3A_404 = arith.constant 0 : i32
        %dma_start3A_405 = arith.constant 0 : i32
        %dma_start3A_406 = tpu.memref_slice %arg3[%dma_start3A_404, %dma_start3A_405] : memref<1000000x64xf32, #tpu.memory_space<hbm>> -> memref<1000000x64xf32, #tpu.memory_space<hbm>>
        tpu.enqueue_indirect_dma source(%dma_start3A_406 : memref<1000000x64xf32, #tpu.memory_space<hbm>>) target(%arg9 : memref<128x64xf32, #tpu.memory_space<vmem>>) offsets(%dma_start3A_403 : memref<128xi32, #tpu.memory_space<vmem>>) semaphore(%arg15 : memref<!tpu.dma_semaphore, #tpu.memory_space<semaphore_mem>>)
      } else {
      }
      %mul3A_216 = arith.constant 4 : i32
      %mul3A_217 = arith.muli %scan3A_43, %mul3A_216 : i32
      %add3A_218 = arith.constant 2 : i32
      %add3A_219 = arith.addi %mul3A_217, %add3A_218 : i32
      %dma_wait3A_220 = arith.constant 0 : i32
      %dma_wait3A_221 = tpu.memref_slice %arg5[%dma_wait3A_220] : memref<25600xi32, #tpu.memory_space<vmem>> -> memref<128xi32, #tpu.memory_space<vmem>>
      %dma_wait3A_222 = arith.constant 0 : i32
      %dma_wait3A_223 = arith.constant 0 : i32
      %dma_wait3A_224 = tpu.memref_slice %arg3[%dma_wait3A_222, %dma_wait3A_223] : memref<1000000x64xf32, #tpu.memory_space<hbm>> -> memref<1000000x64xf32, #tpu.memory_space<hbm>>
      tpu.wait_indirect_dma semaphore(%arg14 : memref<!tpu.dma_semaphore, #tpu.memory_space<semaphore_mem>>) src(%dma_wait3A_224 : memref<1000000x64xf32, #tpu.memory_space<hbm>>) dst(%arg8 : memref<128x64xf32, #tpu.memory_space<vmem>>)
      %ge3A_225 = arith.constant 2 : i32
      %ge3A_226 = arith.cmpi sge, %add3A_219, %ge3A_225 : i32
      %convert_element_type3A_227 = arith.extui %ge3A_226 : i1 to i32
      %cond3A_228 = arith.constant 0 : i32
      %cond3A_229 = arith.cmpi ne, %convert_element_type3A_227, %cond3A_228 : i32
      scf.if %cond3A_229 {
        %dma_wait3A_401 = arith.constant 0 : i32
        %dma_wait3A_402 = arith.constant 0 : i32
        %dma_wait3A_403 = arith.constant 0 : i32
        %dma_wait3A_404 = arith.constant 0 : i32
        %dma_wait3A_405 = arith.constant 0 : i32
        %dma_wait3A_406 = tpu.memref_slice %arg4[%dma_wait3A_401, %dma_wait3A_403, %dma_wait3A_402, %dma_wait3A_404, %dma_wait3A_405] : memref<200x8x32x8x128xf32, #tpu.memory_space<hbm>> -> memref<1x8x1x8x128xf32, #tpu.memory_space<hbm>>
        %dma_wait3A_407 = tpu.memref_squeeze %dma_wait3A_406 : memref<1x8x1x8x128xf32, #tpu.memory_space<hbm>> -> memref<8x8x128xf32, #tpu.memory_space<hbm>>
        %dma_wait3A_408 = arith.constant 0 : i32
        %dma_wait3A_409 = arith.constant 0 : i32
        %dma_wait3A_410 = arith.constant 0 : i32
        %dma_wait3A_411 = tpu.memref_slice %arg4[%dma_wait3A_401, %dma_wait3A_408, %dma_wait3A_402, %dma_wait3A_409, %dma_wait3A_410] : memref<200x8x32x8x128xf32, #tpu.memory_space<hbm>> -> memref<1x8x1x8x128xf32, #tpu.memory_space<hbm>>
        %dma_wait3A_412 = tpu.memref_squeeze %dma_wait3A_411 : memref<1x8x1x8x128xf32, #tpu.memory_space<hbm>> -> memref<8x8x128xf32, #tpu.memory_space<hbm>>
        tpu.wait_dma2 semaphore(%arg16 : memref<!tpu.dma_semaphore, #tpu.memory_space<semaphore_mem>>) src(%arg10 : memref<8x8x128xf32, #tpu.memory_space<vmem>>) dst(%dma_wait3A_412 : memref<8x8x128xf32, #tpu.memory_space<hbm>>)
      } else {
      }
      %parallel_loop3A_230 = arith.constant 0 : i32
      %parallel_loop3A_231 = arith.constant 64 : i32
      %parallel_loop3A_232 = arith.constant 1 : i32
      scf.for %parallel_loop3A_401 = %parallel_loop3A_230 to %parallel_loop3A_231 step %parallel_loop3A_232  : i32 {
        %parallel_loop3A_402 = arith.constant 8 : i32
        %parallel_loop3A_403 = arith.divsi %parallel_loop3A_401, %parallel_loop3A_402 : i32
        %parallel_loop3A_404 = arith.constant 0 : i32
        %parallel_loop3A_405 = arith.cmpi sgt, %parallel_loop3A_401, %parallel_loop3A_404 : i32
        %parallel_loop3A_406 = arith.extui %parallel_loop3A_405 : i1 to i32
        %parallel_loop3A_407 = arith.constant 0 : i32
        %parallel_loop3A_408 = arith.cmpi slt, %parallel_loop3A_401, %parallel_loop3A_407 : i32
        %parallel_loop3A_409 = arith.extui %parallel_loop3A_408 : i1 to i32
        %parallel_loop3A_410 = arith.subi %parallel_loop3A_406, %parallel_loop3A_409 : i32
        %parallel_loop3A_411 = arith.constant 0 : i32
        %parallel_loop3A_412 = arith.cmpi sgt, %parallel_loop3A_402, %parallel_loop3A_411 : i32
        %parallel_loop3A_413 = arith.extui %parallel_loop3A_412 : i1 to i32
        %parallel_loop3A_414 = arith.constant 0 : i32
        %parallel_loop3A_415 = arith.cmpi slt, %parallel_loop3A_402, %parallel_loop3A_414 : i32
        %parallel_loop3A_416 = arith.extui %parallel_loop3A_415 : i1 to i32
        %parallel_loop3A_417 = arith.subi %parallel_loop3A_413, %parallel_loop3A_416 : i32
        %parallel_loop3A_418 = arith.cmpi ne, %parallel_loop3A_410, %parallel_loop3A_417 : i32
        %parallel_loop3A_419 = arith.remsi %parallel_loop3A_401, %parallel_loop3A_402 : i32
        %parallel_loop3A_420 = arith.constant 0 : i32
        %parallel_loop3A_421 = arith.cmpi ne, %parallel_loop3A_419, %parallel_loop3A_420 : i32
        %parallel_loop3A_422 = arith.andi %parallel_loop3A_418, %parallel_loop3A_421 : i1
        %parallel_loop3A_423 = arith.constant 1 : i32
        %parallel_loop3A_424 = arith.subi %parallel_loop3A_403, %parallel_loop3A_423 : i32
        %parallel_loop3A_425 = arith.select %parallel_loop3A_422, %parallel_loop3A_424, %parallel_loop3A_403 : i32
        %parallel_loop3A_426 = arith.constant 8 : i32
        %parallel_loop3A_427 = arith.muli %parallel_loop3A_425, %parallel_loop3A_426 : i32
        %parallel_loop3A_428 = arith.subi %parallel_loop3A_401, %parallel_loop3A_427 : i32
        %parallel_loop3A_429 = vector.broadcast %parallel_loop3A_401 : i32 to vector<16xi32>
        %parallel_loop3A_430 = arith.constant 0 : i32
        %parallel_loop3A_431 = vector.broadcast %parallel_loop3A_430 : i32 to vector<16xi32>
        %parallel_loop3A_432 = arith.addi %iota3A, %parallel_loop3A_431 : vector<16xi32>
        %parallel_loop3A_433 = tpu.vector_load_idx %arg8[%parallel_loop3A_432, %parallel_loop3A_429] : memref<128x64xf32, #tpu.memory_space<vmem>>[vector<16xi32>, vector<16xi32>], vector<16xf32>,
        %parallel_loop3A_434 = arith.constant 8.000000e+00 : f32
        %parallel_loop3A_435 = vector.broadcast %parallel_loop3A_434 : f32 to vector<16xf32>
        %parallel_loop3A_436 = arith.mulf %parallel_loop3A_433, %parallel_loop3A_435 : vector<16xf32>
        %parallel_loop3A_437 = arith.index_cast %parallel_loop3A_425 : i32 to index
        %parallel_loop3A_438 = arith.index_cast %parallel_loop3A_428 : i32 to index
        %parallel_loop3A_439 = arith.constant 0 : index
        %parallel_loop3A_440 = tpu.vector_load %arg10[%parallel_loop3A_437, %parallel_loop3A_438, %parallel_loop3A_439] {strides = array<i32>} : memref<8x8x128xf32, #tpu.memory_space<vmem>>, vector<16xf32>,
        tpu.vector_store %arg10[%parallel_loop3A_437, %parallel_loop3A_438, %parallel_loop3A_439], %parallel_loop3A_436 {strides = array<i32>} : memref<8x8x128xf32, #tpu.memory_space<vmem>>, vector<16xf32>,
        %parallel_loop3A_441 = arith.constant 16 : i32
        %parallel_loop3A_442 = vector.broadcast %parallel_loop3A_441 : i32 to vector<16xi32>
        %parallel_loop3A_443 = arith.addi %iota3A, %parallel_loop3A_442 : vector<16xi32>
        %parallel_loop3A_444 = tpu.vector_load_idx %arg8[%parallel_loop3A_443, %parallel_loop3A_429] : memref<128x64xf32, #tpu.memory_space<vmem>>[vector<16xi32>, vector<16xi32>], vector<16xf32>,
        %parallel_loop3A_445 = arith.constant 8.000000e+00 : f32
        %parallel_loop3A_446 = vector.broadcast %parallel_loop3A_445 : f32 to vector<16xf32>
        %parallel_loop3A_447 = arith.mulf %parallel_loop3A_444, %parallel_loop3A_446 : vector<16xf32>
        %parallel_loop3A_448 = arith.index_cast %parallel_loop3A_425 : i32 to index
        %parallel_loop3A_449 = arith.index_cast %parallel_loop3A_428 : i32 to index
        %parallel_loop3A_450 = arith.constant 16 : index
        %parallel_loop3A_451 = tpu.vector_load %arg10[%parallel_loop3A_448, %parallel_loop3A_449, %parallel_loop3A_450] {strides = array<i32>} : memref<8x8x128xf32, #tpu.memory_space<vmem>>, vector<16xf32>,
        tpu.vector_store %arg10[%parallel_loop3A_448, %parallel_loop3A_449, %parallel_loop3A_450], %parallel_loop3A_447 {strides = array<i32>} : memref<8x8x128xf32, #tpu.memory_space<vmem>>, vector<16xf32>,
        %parallel_loop3A_452 = arith.constant 32 : i32
        %parallel_loop3A_453 = vector.broadcast %parallel_loop3A_452 : i32 to vector<16xi32>
        %parallel_loop3A_454 = arith.addi %iota3A, %parallel_loop3A_453 : vector<16xi32>
        %parallel_loop3A_455 = tpu.vector_load_idx %arg8[%parallel_loop3A_454, %parallel_loop3A_429] : memref<128x64xf32, #tpu.memory_space<vmem>>[vector<16xi32>, vector<16xi32>], vector<16xf32>,
        %parallel_loop3A_456 = arith.constant 8.000000e+00 : f32
        %parallel_loop3A_457 = vector.broadcast %parallel_loop3A_456 : f32 to vector<16xf32>
        %parallel_loop3A_458 = arith.mulf %parallel_loop3A_455, %parallel_loop3A_457 : vector<16xf32>
        %parallel_loop3A_459 = arith.index_cast %parallel_loop3A_425 : i32 to index
        %parallel_loop3A_460 = arith.index_cast %parallel_loop3A_428 : i32 to index
        %parallel_loop3A_461 = arith.constant 32 : index
        %parallel_loop3A_462 = tpu.vector_load %arg10[%parallel_loop3A_459, %parallel_loop3A_460, %parallel_loop3A_461] {strides = array<i32>} : memref<8x8x128xf32, #tpu.memory_space<vmem>>, vector<16xf32>,
        tpu.vector_store %arg10[%parallel_loop3A_459, %parallel_loop3A_460, %parallel_loop3A_461], %parallel_loop3A_458 {strides = array<i32>} : memref<8x8x128xf32, #tpu.memory_space<vmem>>, vector<16xf32>,
        %parallel_loop3A_463 = arith.constant 48 : i32
        %parallel_loop3A_464 = vector.broadcast %parallel_loop3A_463 : i32 to vector<16xi32>
        %parallel_loop3A_465 = arith.addi %iota3A, %parallel_loop3A_464 : vector<16xi32>
        %parallel_loop3A_466 = tpu.vector_load_idx %arg8[%parallel_loop3A_465, %parallel_loop3A_429] : memref<128x64xf32, #tpu.memory_space<vmem>>[vector<16xi32>, vector<16xi32>], vector<16xf32>,
        %parallel_loop3A_467 = arith.constant 8.000000e+00 : f32
        %parallel_loop3A_468 = vector.broadcast %parallel_loop3A_467 : f32 to vector<16xf32>
        %parallel_loop3A_469 = arith.mulf %parallel_loop3A_466, %parallel_loop3A_468 : vector<16xf32>
        %parallel_loop3A_470 = arith.index_cast %parallel_loop3A_425 : i32 to index
        %parallel_loop3A_471 = arith.index_cast %parallel_loop3A_428 : i32 to index
        %parallel_loop3A_472 = arith.constant 48 : index
        %parallel_loop3A_473 = tpu.vector_load %arg10[%parallel_loop3A_470, %parallel_loop3A_471, %parallel_loop3A_472] {strides = array<i32>} : memref<8x8x128xf32, #tpu.memory_space<vmem>>, vector<16xf32>,
        tpu.vector_store %arg10[%parallel_loop3A_470, %parallel_loop3A_471, %parallel_loop3A_472], %parallel_loop3A_469 {strides = array<i32>} : memref<8x8x128xf32, #tpu.memory_space<vmem>>, vector<16xf32>,
        %parallel_loop3A_474 = arith.constant 64 : i32
        %parallel_loop3A_475 = vector.broadcast %parallel_loop3A_474 : i32 to vector<16xi32>
        %parallel_loop3A_476 = arith.addi %iota3A, %parallel_loop3A_475 : vector<16xi32>
        %parallel_loop3A_477 = tpu.vector_load_idx %arg8[%parallel_loop3A_476, %parallel_loop3A_429] : memref<128x64xf32, #tpu.memory_space<vmem>>[vector<16xi32>, vector<16xi32>], vector<16xf32>,
        %parallel_loop3A_478 = arith.constant 8.000000e+00 : f32
        %parallel_loop3A_479 = vector.broadcast %parallel_loop3A_478 : f32 to vector<16xf32>
        %parallel_loop3A_480 = arith.mulf %parallel_loop3A_477, %parallel_loop3A_479 : vector<16xf32>
        %parallel_loop3A_481 = arith.index_cast %parallel_loop3A_425 : i32 to index
        %parallel_loop3A_482 = arith.index_cast %parallel_loop3A_428 : i32 to index
        %parallel_loop3A_483 = arith.constant 64 : index
        %parallel_loop3A_484 = tpu.vector_load %arg10[%parallel_loop3A_481, %parallel_loop3A_482, %parallel_loop3A_483] {strides = array<i32>} : memref<8x8x128xf32, #tpu.memory_space<vmem>>, vector<16xf32>,
        tpu.vector_store %arg10[%parallel_loop3A_481, %parallel_loop3A_482, %parallel_loop3A_483], %parallel_loop3A_480 {strides = array<i32>} : memref<8x8x128xf32, #tpu.memory_space<vmem>>, vector<16xf32>,
        %parallel_loop3A_485 = arith.constant 80 : i32
        %parallel_loop3A_486 = vector.broadcast %parallel_loop3A_485 : i32 to vector<16xi32>
        %parallel_loop3A_487 = arith.addi %iota3A, %parallel_loop3A_486 : vector<16xi32>
        %parallel_loop3A_488 = tpu.vector_load_idx %arg8[%parallel_loop3A_487, %parallel_loop3A_429] : memref<128x64xf32, #tpu.memory_space<vmem>>[vector<16xi32>, vector<16xi32>], vector<16xf32>,
        %parallel_loop3A_489 = arith.constant 8.000000e+00 : f32
        %parallel_loop3A_490 = vector.broadcast %parallel_loop3A_489 : f32 to vector<16xf32>
        %parallel_loop3A_491 = arith.mulf %parallel_loop3A_488, %parallel_loop3A_490 : vector<16xf32>
        %parallel_loop3A_492 = arith.index_cast %parallel_loop3A_425 : i32 to index
        %parallel_loop3A_493 = arith.index_cast %parallel_loop3A_428 : i32 to index
        %parallel_loop3A_494 = arith.constant 80 : index
        %parallel_loop3A_495 = tpu.vector_load %arg10[%parallel_loop3A_492, %parallel_loop3A_493, %parallel_loop3A_494] {strides = array<i32>} : memref<8x8x128xf32, #tpu.memory_space<vmem>>, vector<16xf32>,
        tpu.vector_store %arg10[%parallel_loop3A_492, %parallel_loop3A_493, %parallel_loop3A_494], %parallel_loop3A_491 {strides = array<i32>} : memref<8x8x128xf32, #tpu.memory_space<vmem>>, vector<16xf32>,
        %parallel_loop3A_496 = arith.constant 96 : i32
        %parallel_loop3A_497 = vector.broadcast %parallel_loop3A_496 : i32 to vector<16xi32>
        %parallel_loop3A_498 = arith.addi %iota3A, %parallel_loop3A_497 : vector<16xi32>
        %parallel_loop3A_499 = tpu.vector_load_idx %arg8[%parallel_loop3A_498, %parallel_loop3A_429] : memref<128x64xf32, #tpu.memory_space<vmem>>[vector<16xi32>, vector<16xi32>], vector<16xf32>,
        %parallel_loop3A_500 = arith.constant 8.000000e+00 : f32
        %parallel_loop3A_501 = vector.broadcast %parallel_loop3A_500 : f32 to vector<16xf32>
        %parallel_loop3A_502 = arith.mulf %parallel_loop3A_499, %parallel_loop3A_501 : vector<16xf32>
        %parallel_loop3A_503 = arith.index_cast %parallel_loop3A_425 : i32 to index
        %parallel_loop3A_504 = arith.index_cast %parallel_loop3A_428 : i32 to index
        %parallel_loop3A_505 = arith.constant 96 : index
        %parallel_loop3A_506 = tpu.vector_load %arg10[%parallel_loop3A_503, %parallel_loop3A_504, %parallel_loop3A_505] {strides = array<i32>} : memref<8x8x128xf32, #tpu.memory_space<vmem>>, vector<16xf32>,
        tpu.vector_store %arg10[%parallel_loop3A_503, %parallel_loop3A_504, %parallel_loop3A_505], %parallel_loop3A_502 {strides = array<i32>} : memref<8x8x128xf32, #tpu.memory_space<vmem>>, vector<16xf32>,
        %parallel_loop3A_507 = arith.constant 112 : i32
        %parallel_loop3A_508 = vector.broadcast %parallel_loop3A_507 : i32 to vector<16xi32>
        %parallel_loop3A_509 = arith.addi %iota3A, %parallel_loop3A_508 : vector<16xi32>
        %parallel_loop3A_510 = tpu.vector_load_idx %arg8[%parallel_loop3A_509, %parallel_loop3A_429] : memref<128x64xf32, #tpu.memory_space<vmem>>[vector<16xi32>, vector<16xi32>], vector<16xf32>,
        %parallel_loop3A_511 = arith.constant 8.000000e+00 : f32
        %parallel_loop3A_512 = vector.broadcast %parallel_loop3A_511 : f32 to vector<16xf32>
        %parallel_loop3A_513 = arith.mulf %parallel_loop3A_510, %parallel_loop3A_512 : vector<16xf32>
        %parallel_loop3A_514 = arith.index_cast %parallel_loop3A_425 : i32 to index
        %parallel_loop3A_515 = arith.index_cast %parallel_loop3A_428 : i32 to index
        %parallel_loop3A_516 = arith.constant 112 : index
        %parallel_loop3A_517 = tpu.vector_load %arg10[%parallel_loop3A_514, %parallel_loop3A_515, %parallel_loop3A_516] {strides = array<i32>} : memref<8x8x128xf32, #tpu.memory_space<vmem>>, vector<16xf32>,
        tpu.vector_store %arg10[%parallel_loop3A_514, %parallel_loop3A_515, %parallel_loop3A_516], %parallel_loop3A_513 {strides = array<i32>} : memref<8x8x128xf32, #tpu.memory_space<vmem>>, vector<16xf32>,
      } {sc.loop_unroll_factor = 4 : i64, sc.parallel_access}
      %add3A_233 = arith.addi %mul3A_2, %add3A_219 : i32
      %jit3A_234 = arith.constant 256 : i32
      %div3A_235 = arith.divsi %add3A_233, %jit3A_234 : i32
      %sign3A_236 = arith.constant 0 : i32
      %sign3A_237 = arith.cmpi sgt, %add3A_233, %sign3A_236 : i32
      %sign3A_238 = arith.extui %sign3A_237 : i1 to i32
      %sign3A_239 = arith.constant 0 : i32
      %sign3A_240 = arith.cmpi slt, %add3A_233, %sign3A_239 : i32
      %sign3A_241 = arith.extui %sign3A_240 : i1 to i32
      %sign3A_242 = arith.subi %sign3A_238, %sign3A_241 : i32
      %sign3A_243 = arith.constant 0 : i32
      %sign3A_244 = arith.cmpi sgt, %jit3A_234, %sign3A_243 : i32
      %sign3A_245 = arith.extui %sign3A_244 : i1 to i32
      %sign3A_246 = arith.constant 0 : i32
      %sign3A_247 = arith.cmpi slt, %jit3A_234, %sign3A_246 : i32
      %sign3A_248 = arith.extui %sign3A_247 : i1 to i32
      %sign3A_249 = arith.subi %sign3A_245, %sign3A_248 : i32
      %ne3A_250 = arith.cmpi ne, %sign3A_242, %sign3A_249 : i32
      %rem3A_251 = arith.remsi %add3A_233, %jit3A_234 : i32
      %ne3A_252 = arith.constant 0 : i32
      %ne3A_253 = arith.cmpi ne, %rem3A_251, %ne3A_252 : i32
      %and3A_254 = arith.andi %ne3A_250, %ne3A_253 : i1
      %sub3A_255 = arith.constant 1 : i32
      %sub3A_256 = arith.subi %div3A_235, %sub3A_255 : i32
      %select_n3A_257 = arith.select %and3A_254, %sub3A_256, %div3A_235 : i32
      %mul3A_258 = arith.constant 256 : i32
      %mul3A_259 = arith.muli %select_n3A_257, %mul3A_258 : i32
      %sub3A_260 = arith.subi %add3A_233, %mul3A_259 : i32
      %jit3A_261 = arith.constant 8 : i32
      %div3A_262 = arith.divsi %sub3A_260, %jit3A_261 : i32
      %sign3A_263 = arith.constant 0 : i32
      %sign3A_264 = arith.cmpi sgt, %sub3A_260, %sign3A_263 : i32
      %sign3A_265 = arith.extui %sign3A_264 : i1 to i32
      %sign3A_266 = arith.constant 0 : i32
      %sign3A_267 = arith.cmpi slt, %sub3A_260, %sign3A_266 : i32
      %sign3A_268 = arith.extui %sign3A_267 : i1 to i32
      %sign3A_269 = arith.subi %sign3A_265, %sign3A_268 : i32
      %sign3A_270 = arith.constant 0 : i32
      %sign3A_271 = arith.cmpi sgt, %jit3A_261, %sign3A_270 : i32
      %sign3A_272 = arith.extui %sign3A_271 : i1 to i32
      %sign3A_273 = arith.constant 0 : i32
      %sign3A_274 = arith.cmpi slt, %jit3A_261, %sign3A_273 : i32
      %sign3A_275 = arith.extui %sign3A_274 : i1 to i32
      %sign3A_276 = arith.subi %sign3A_272, %sign3A_275 : i32
      %ne3A_277 = arith.cmpi ne, %sign3A_269, %sign3A_276 : i32
      %rem3A_278 = arith.remsi %sub3A_260, %jit3A_261 : i32
      %ne3A_279 = arith.constant 0 : i32
      %ne3A_280 = arith.cmpi ne, %rem3A_278, %ne3A_279 : i32
      %and3A_281 = arith.andi %ne3A_277, %ne3A_280 : i1
      %sub3A_282 = arith.constant 1 : i32
      %sub3A_283 = arith.subi %div3A_262, %sub3A_282 : i32
      %select_n3A_284 = arith.select %and3A_281, %sub3A_283, %div3A_262 : i32
      %mul3A_285 = arith.constant 8 : i32
      %mul3A_286 = arith.muli %select_n3A_284, %mul3A_285 : i32
      %sub3A_287 = arith.subi %sub3A_260, %mul3A_286 : i32
      %mul3A_288 = arith.constant 8 : i32
      %mul3A_289 = arith.muli %select_n3A_257, %mul3A_288 : i32
      %add3A_290 = arith.addi %mul3A_289, %sub3A_287 : i32
      %dma_start3A_291 = arith.constant 0 : i32
      %dma_start3A_292 = arith.constant 0 : i32
      %dma_start3A_293 = arith.constant 0 : i32
      %dma_start3A_294 = tpu.memref_slice %arg4[%add3A_290, %dma_start3A_291, %select_n3A_284, %dma_start3A_292, %dma_start3A_293] : memref<200x8x32x8x128xf32, #tpu.memory_space<hbm>> -> memref<1x8x1x8x128xf32, #tpu.memory_space<hbm>>
      %dma_start3A_295 = tpu.memref_squeeze %dma_start3A_294 : memref<1x8x1x8x128xf32, #tpu.memory_space<hbm>> -> memref<8x8x128xf32, #tpu.memory_space<hbm>>
      %dma_start3A_296 = arith.constant 0 : i32
      %dma_start3A_297 = arith.constant 0 : i32
      %dma_start3A_298 = arith.constant 0 : i32
      %dma_start3A_299 = tpu.memref_slice %arg4[%add3A_290, %dma_start3A_296, %select_n3A_284, %dma_start3A_297, %dma_start3A_298] : memref<200x8x32x8x128xf32, #tpu.memory_space<hbm>> -> memref<1x8x1x8x128xf32, #tpu.memory_space<hbm>>
      %dma_start3A_300 = tpu.memref_squeeze %dma_start3A_299 : memref<1x8x1x8x128xf32, #tpu.memory_space<hbm>> -> memref<8x8x128xf32, #tpu.memory_space<hbm>>
      tpu.enqueue_dma source(%arg10 : memref<8x8x128xf32, #tpu.memory_space<vmem>>) target(%dma_start3A_300 : memref<8x8x128xf32, #tpu.memory_space<hbm>>) target_semaphore(%arg16 : memref<!tpu.dma_semaphore, #tpu.memory_space<semaphore_mem>>)
      %add3A_301 = arith.constant 2 : i32
      %add3A_302 = arith.addi %add3A_219, %add3A_301 : i32
      %lt3A_303 = arith.constant 200 : i32
      %lt3A_304 = arith.cmpi slt, %add3A_302, %lt3A_303 : i32
      %convert_element_type3A_305 = arith.extui %lt3A_304 : i1 to i32
      %cond3A_306 = arith.constant 0 : i32
      %cond3A_307 = arith.cmpi ne, %convert_element_type3A_305, %cond3A_306 : i32
      scf.if %cond3A_307 {
        %mul3A_401 = arith.constant 128 : i32
        %mul3A_402 = arith.muli %add3A_302, %mul3A_401 : i32
        %dma_start3A_403 = tpu.memref_slice %arg5[%mul3A_402] : memref<25600xi32, #tpu.memory_space<vmem>> -> memref<128xi32, #tpu.memory_space<vmem>>
        %dma_start3A_404 = arith.constant 0 : i32
        %dma_start3A_405 = arith.constant 0 : i32
        %dma_start3A_406 = tpu.memref_slice %arg3[%dma_start3A_404, %dma_start3A_405] : memref<1000000x64xf32, #tpu.memory_space<hbm>> -> memref<1000000x64xf32, #tpu.memory_space<hbm>>
        tpu.enqueue_indirect_dma source(%dma_start3A_406 : memref<1000000x64xf32, #tpu.memory_space<hbm>>) target(%arg6 : memref<128x64xf32, #tpu.memory_space<vmem>>) offsets(%dma_start3A_403 : memref<128xi32, #tpu.memory_space<vmem>>) semaphore(%arg12 : memref<!tpu.dma_semaphore, #tpu.memory_space<semaphore_mem>>)
      } else {
      }
      %mul3A_308 = arith.constant 4 : i32
      %mul3A_309 = arith.muli %scan3A_43, %mul3A_308 : i32
      %add3A_310 = arith.constant 3 : i32
      %add3A_311 = arith.addi %mul3A_309, %add3A_310 : i32
      %dma_wait3A_312 = arith.constant 0 : i32
      %dma_wait3A_313 = tpu.memref_slice %arg5[%dma_wait3A_312] : memref<25600xi32, #tpu.memory_space<vmem>> -> memref<128xi32, #tpu.memory_space<vmem>>
      %dma_wait3A_314 = arith.constant 0 : i32
      %dma_wait3A_315 = arith.constant 0 : i32
      %dma_wait3A_316 = tpu.memref_slice %arg3[%dma_wait3A_314, %dma_wait3A_315] : memref<1000000x64xf32, #tpu.memory_space<hbm>> -> memref<1000000x64xf32, #tpu.memory_space<hbm>>
      tpu.wait_indirect_dma semaphore(%arg15 : memref<!tpu.dma_semaphore, #tpu.memory_space<semaphore_mem>>) src(%dma_wait3A_316 : memref<1000000x64xf32, #tpu.memory_space<hbm>>) dst(%arg9 : memref<128x64xf32, #tpu.memory_space<vmem>>)
      %ge3A_317 = arith.constant 2 : i32
      %ge3A_318 = arith.cmpi sge, %add3A_311, %ge3A_317 : i32
      %convert_element_type3A_319 = arith.extui %ge3A_318 : i1 to i32
      %cond3A_320 = arith.constant 0 : i32
      %cond3A_321 = arith.cmpi ne, %convert_element_type3A_319, %cond3A_320 : i32
      scf.if %cond3A_321 {
        %dma_wait3A_401 = arith.constant 0 : i32
        %dma_wait3A_402 = arith.constant 0 : i32
        %dma_wait3A_403 = arith.constant 0 : i32
        %dma_wait3A_404 = arith.constant 0 : i32
        %dma_wait3A_405 = arith.constant 0 : i32
        %dma_wait3A_406 = tpu.memref_slice %arg4[%dma_wait3A_401, %dma_wait3A_403, %dma_wait3A_402, %dma_wait3A_404, %dma_wait3A_405] : memref<200x8x32x8x128xf32, #tpu.memory_space<hbm>> -> memref<1x8x1x8x128xf32, #tpu.memory_space<hbm>>
        %dma_wait3A_407 = tpu.memref_squeeze %dma_wait3A_406 : memref<1x8x1x8x128xf32, #tpu.memory_space<hbm>> -> memref<8x8x128xf32, #tpu.memory_space<hbm>>
        %dma_wait3A_408 = arith.constant 0 : i32
        %dma_wait3A_409 = arith.constant 0 : i32
        %dma_wait3A_410 = arith.constant 0 : i32
        %dma_wait3A_411 = tpu.memref_slice %arg4[%dma_wait3A_401, %dma_wait3A_408, %dma_wait3A_402, %dma_wait3A_409, %dma_wait3A_410] : memref<200x8x32x8x128xf32, #tpu.memory_space<hbm>> -> memref<1x8x1x8x128xf32, #tpu.memory_space<hbm>>
        %dma_wait3A_412 = tpu.memref_squeeze %dma_wait3A_411 : memref<1x8x1x8x128xf32, #tpu.memory_space<hbm>> -> memref<8x8x128xf32, #tpu.memory_space<hbm>>
        tpu.wait_dma2 semaphore(%arg17 : memref<!tpu.dma_semaphore, #tpu.memory_space<semaphore_mem>>) src(%arg11 : memref<8x8x128xf32, #tpu.memory_space<vmem>>) dst(%dma_wait3A_412 : memref<8x8x128xf32, #tpu.memory_space<hbm>>)
      } else {
      }
      %parallel_loop3A_322 = arith.constant 0 : i32
      %parallel_loop3A_323 = arith.constant 64 : i32
      %parallel_loop3A_324 = arith.constant 1 : i32
      scf.for %parallel_loop3A_401 = %parallel_loop3A_322 to %parallel_loop3A_323 step %parallel_loop3A_324  : i32 {
        %parallel_loop3A_402 = arith.constant 8 : i32
        %parallel_loop3A_403 = arith.divsi %parallel_loop3A_401, %parallel_loop3A_402 : i32
        %parallel_loop3A_404 = arith.constant 0 : i32
        %parallel_loop3A_405 = arith.cmpi sgt, %parallel_loop3A_401, %parallel_loop3A_404 : i32
        %parallel_loop3A_406 = arith.extui %parallel_loop3A_405 : i1 to i32
        %parallel_loop3A_407 = arith.constant 0 : i32
        %parallel_loop3A_408 = arith.cmpi slt, %parallel_loop3A_401, %parallel_loop3A_407 : i32
        %parallel_loop3A_409 = arith.extui %parallel_loop3A_408 : i1 to i32
        %parallel_loop3A_410 = arith.subi %parallel_loop3A_406, %parallel_loop3A_409 : i32
        %parallel_loop3A_411 = arith.constant 0 : i32
        %parallel_loop3A_412 = arith.cmpi sgt, %parallel_loop3A_402, %parallel_loop3A_411 : i32
        %parallel_loop3A_413 = arith.extui %parallel_loop3A_412 : i1 to i32
        %parallel_loop3A_414 = arith.constant 0 : i32
        %parallel_loop3A_415 = arith.cmpi slt, %parallel_loop3A_402, %parallel_loop3A_414 : i32
        %parallel_loop3A_416 = arith.extui %parallel_loop3A_415 : i1 to i32
        %parallel_loop3A_417 = arith.subi %parallel_loop3A_413, %parallel_loop3A_416 : i32
        %parallel_loop3A_418 = arith.cmpi ne, %parallel_loop3A_410, %parallel_loop3A_417 : i32
        %parallel_loop3A_419 = arith.remsi %parallel_loop3A_401, %parallel_loop3A_402 : i32
        %parallel_loop3A_420 = arith.constant 0 : i32
        %parallel_loop3A_421 = arith.cmpi ne, %parallel_loop3A_419, %parallel_loop3A_420 : i32
        %parallel_loop3A_422 = arith.andi %parallel_loop3A_418, %parallel_loop3A_421 : i1
        %parallel_loop3A_423 = arith.constant 1 : i32
        %parallel_loop3A_424 = arith.subi %parallel_loop3A_403, %parallel_loop3A_423 : i32
        %parallel_loop3A_425 = arith.select %parallel_loop3A_422, %parallel_loop3A_424, %parallel_loop3A_403 : i32
        %parallel_loop3A_426 = arith.constant 8 : i32
        %parallel_loop3A_427 = arith.muli %parallel_loop3A_425, %parallel_loop3A_426 : i32
        %parallel_loop3A_428 = arith.subi %parallel_loop3A_401, %parallel_loop3A_427 : i32
        %parallel_loop3A_429 = vector.broadcast %parallel_loop3A_401 : i32 to vector<16xi32>
        %parallel_loop3A_430 = arith.constant 0 : i32
        %parallel_loop3A_431 = vector.broadcast %parallel_loop3A_430 : i32 to vector<16xi32>
        %parallel_loop3A_432 = arith.addi %iota3A, %parallel_loop3A_431 : vector<16xi32>
        %parallel_loop3A_433 = tpu.vector_load_idx %arg9[%parallel_loop3A_432, %parallel_loop3A_429] : memref<128x64xf32, #tpu.memory_space<vmem>>[vector<16xi32>, vector<16xi32>], vector<16xf32>,
        %parallel_loop3A_434 = arith.constant 8.000000e+00 : f32
        %parallel_loop3A_435 = vector.broadcast %parallel_loop3A_434 : f32 to vector<16xf32>
        %parallel_loop3A_436 = arith.mulf %parallel_loop3A_433, %parallel_loop3A_435 : vector<16xf32>
        %parallel_loop3A_437 = arith.index_cast %parallel_loop3A_425 : i32 to index
        %parallel_loop3A_438 = arith.index_cast %parallel_loop3A_428 : i32 to index
        %parallel_loop3A_439 = arith.constant 0 : index
        %parallel_loop3A_440 = tpu.vector_load %arg11[%parallel_loop3A_437, %parallel_loop3A_438, %parallel_loop3A_439] {strides = array<i32>} : memref<8x8x128xf32, #tpu.memory_space<vmem>>, vector<16xf32>,
        tpu.vector_store %arg11[%parallel_loop3A_437, %parallel_loop3A_438, %parallel_loop3A_439], %parallel_loop3A_436 {strides = array<i32>} : memref<8x8x128xf32, #tpu.memory_space<vmem>>, vector<16xf32>,
        %parallel_loop3A_441 = arith.constant 16 : i32
        %parallel_loop3A_442 = vector.broadcast %parallel_loop3A_441 : i32 to vector<16xi32>
        %parallel_loop3A_443 = arith.addi %iota3A, %parallel_loop3A_442 : vector<16xi32>
        %parallel_loop3A_444 = tpu.vector_load_idx %arg9[%parallel_loop3A_443, %parallel_loop3A_429] : memref<128x64xf32, #tpu.memory_space<vmem>>[vector<16xi32>, vector<16xi32>], vector<16xf32>,
        %parallel_loop3A_445 = arith.constant 8.000000e+00 : f32
        %parallel_loop3A_446 = vector.broadcast %parallel_loop3A_445 : f32 to vector<16xf32>
        %parallel_loop3A_447 = arith.mulf %parallel_loop3A_444, %parallel_loop3A_446 : vector<16xf32>
        %parallel_loop3A_448 = arith.index_cast %parallel_loop3A_425 : i32 to index
        %parallel_loop3A_449 = arith.index_cast %parallel_loop3A_428 : i32 to index
        %parallel_loop3A_450 = arith.constant 16 : index
        %parallel_loop3A_451 = tpu.vector_load %arg11[%parallel_loop3A_448, %parallel_loop3A_449, %parallel_loop3A_450] {strides = array<i32>} : memref<8x8x128xf32, #tpu.memory_space<vmem>>, vector<16xf32>,
        tpu.vector_store %arg11[%parallel_loop3A_448, %parallel_loop3A_449, %parallel_loop3A_450], %parallel_loop3A_447 {strides = array<i32>} : memref<8x8x128xf32, #tpu.memory_space<vmem>>, vector<16xf32>,
        %parallel_loop3A_452 = arith.constant 32 : i32
        %parallel_loop3A_453 = vector.broadcast %parallel_loop3A_452 : i32 to vector<16xi32>
        %parallel_loop3A_454 = arith.addi %iota3A, %parallel_loop3A_453 : vector<16xi32>
        %parallel_loop3A_455 = tpu.vector_load_idx %arg9[%parallel_loop3A_454, %parallel_loop3A_429] : memref<128x64xf32, #tpu.memory_space<vmem>>[vector<16xi32>, vector<16xi32>], vector<16xf32>,
        %parallel_loop3A_456 = arith.constant 8.000000e+00 : f32
        %parallel_loop3A_457 = vector.broadcast %parallel_loop3A_456 : f32 to vector<16xf32>
        %parallel_loop3A_458 = arith.mulf %parallel_loop3A_455, %parallel_loop3A_457 : vector<16xf32>
        %parallel_loop3A_459 = arith.index_cast %parallel_loop3A_425 : i32 to index
        %parallel_loop3A_460 = arith.index_cast %parallel_loop3A_428 : i32 to index
        %parallel_loop3A_461 = arith.constant 32 : index
        %parallel_loop3A_462 = tpu.vector_load %arg11[%parallel_loop3A_459, %parallel_loop3A_460, %parallel_loop3A_461] {strides = array<i32>} : memref<8x8x128xf32, #tpu.memory_space<vmem>>, vector<16xf32>,
        tpu.vector_store %arg11[%parallel_loop3A_459, %parallel_loop3A_460, %parallel_loop3A_461], %parallel_loop3A_458 {strides = array<i32>} : memref<8x8x128xf32, #tpu.memory_space<vmem>>, vector<16xf32>,
        %parallel_loop3A_463 = arith.constant 48 : i32
        %parallel_loop3A_464 = vector.broadcast %parallel_loop3A_463 : i32 to vector<16xi32>
        %parallel_loop3A_465 = arith.addi %iota3A, %parallel_loop3A_464 : vector<16xi32>
        %parallel_loop3A_466 = tpu.vector_load_idx %arg9[%parallel_loop3A_465, %parallel_loop3A_429] : memref<128x64xf32, #tpu.memory_space<vmem>>[vector<16xi32>, vector<16xi32>], vector<16xf32>,
        %parallel_loop3A_467 = arith.constant 8.000000e+00 : f32
        %parallel_loop3A_468 = vector.broadcast %parallel_loop3A_467 : f32 to vector<16xf32>
        %parallel_loop3A_469 = arith.mulf %parallel_loop3A_466, %parallel_loop3A_468 : vector<16xf32>
        %parallel_loop3A_470 = arith.index_cast %parallel_loop3A_425 : i32 to index
        %parallel_loop3A_471 = arith.index_cast %parallel_loop3A_428 : i32 to index
        %parallel_loop3A_472 = arith.constant 48 : index
        %parallel_loop3A_473 = tpu.vector_load %arg11[%parallel_loop3A_470, %parallel_loop3A_471, %parallel_loop3A_472] {strides = array<i32>} : memref<8x8x128xf32, #tpu.memory_space<vmem>>, vector<16xf32>,
        tpu.vector_store %arg11[%parallel_loop3A_470, %parallel_loop3A_471, %parallel_loop3A_472], %parallel_loop3A_469 {strides = array<i32>} : memref<8x8x128xf32, #tpu.memory_space<vmem>>, vector<16xf32>,
        %parallel_loop3A_474 = arith.constant 64 : i32
        %parallel_loop3A_475 = vector.broadcast %parallel_loop3A_474 : i32 to vector<16xi32>
        %parallel_loop3A_476 = arith.addi %iota3A, %parallel_loop3A_475 : vector<16xi32>
        %parallel_loop3A_477 = tpu.vector_load_idx %arg9[%parallel_loop3A_476, %parallel_loop3A_429] : memref<128x64xf32, #tpu.memory_space<vmem>>[vector<16xi32>, vector<16xi32>], vector<16xf32>,
        %parallel_loop3A_478 = arith.constant 8.000000e+00 : f32
        %parallel_loop3A_479 = vector.broadcast %parallel_loop3A_478 : f32 to vector<16xf32>
        %parallel_loop3A_480 = arith.mulf %parallel_loop3A_477, %parallel_loop3A_479 : vector<16xf32>
        %parallel_loop3A_481 = arith.index_cast %parallel_loop3A_425 : i32 to index
        %parallel_loop3A_482 = arith.index_cast %parallel_loop3A_428 : i32 to index
        %parallel_loop3A_483 = arith.constant 64 : index
        %parallel_loop3A_484 = tpu.vector_load %arg11[%parallel_loop3A_481, %parallel_loop3A_482, %parallel_loop3A_483] {strides = array<i32>} : memref<8x8x128xf32, #tpu.memory_space<vmem>>, vector<16xf32>,
        tpu.vector_store %arg11[%parallel_loop3A_481, %parallel_loop3A_482, %parallel_loop3A_483], %parallel_loop3A_480 {strides = array<i32>} : memref<8x8x128xf32, #tpu.memory_space<vmem>>, vector<16xf32>,
        %parallel_loop3A_485 = arith.constant 80 : i32
        %parallel_loop3A_486 = vector.broadcast %parallel_loop3A_485 : i32 to vector<16xi32>
        %parallel_loop3A_487 = arith.addi %iota3A, %parallel_loop3A_486 : vector<16xi32>
        %parallel_loop3A_488 = tpu.vector_load_idx %arg9[%parallel_loop3A_487, %parallel_loop3A_429] : memref<128x64xf32, #tpu.memory_space<vmem>>[vector<16xi32>, vector<16xi32>], vector<16xf32>,
        %parallel_loop3A_489 = arith.constant 8.000000e+00 : f32
        %parallel_loop3A_490 = vector.broadcast %parallel_loop3A_489 : f32 to vector<16xf32>
        %parallel_loop3A_491 = arith.mulf %parallel_loop3A_488, %parallel_loop3A_490 : vector<16xf32>
        %parallel_loop3A_492 = arith.index_cast %parallel_loop3A_425 : i32 to index
        %parallel_loop3A_493 = arith.index_cast %parallel_loop3A_428 : i32 to index
        %parallel_loop3A_494 = arith.constant 80 : index
        %parallel_loop3A_495 = tpu.vector_load %arg11[%parallel_loop3A_492, %parallel_loop3A_493, %parallel_loop3A_494] {strides = array<i32>} : memref<8x8x128xf32, #tpu.memory_space<vmem>>, vector<16xf32>,
        tpu.vector_store %arg11[%parallel_loop3A_492, %parallel_loop3A_493, %parallel_loop3A_494], %parallel_loop3A_491 {strides = array<i32>} : memref<8x8x128xf32, #tpu.memory_space<vmem>>, vector<16xf32>,
        %parallel_loop3A_496 = arith.constant 96 : i32
        %parallel_loop3A_497 = vector.broadcast %parallel_loop3A_496 : i32 to vector<16xi32>
        %parallel_loop3A_498 = arith.addi %iota3A, %parallel_loop3A_497 : vector<16xi32>
        %parallel_loop3A_499 = tpu.vector_load_idx %arg9[%parallel_loop3A_498, %parallel_loop3A_429] : memref<128x64xf32, #tpu.memory_space<vmem>>[vector<16xi32>, vector<16xi32>], vector<16xf32>,
        %parallel_loop3A_500 = arith.constant 8.000000e+00 : f32
        %parallel_loop3A_501 = vector.broadcast %parallel_loop3A_500 : f32 to vector<16xf32>
        %parallel_loop3A_502 = arith.mulf %parallel_loop3A_499, %parallel_loop3A_501 : vector<16xf32>
        %parallel_loop3A_503 = arith.index_cast %parallel_loop3A_425 : i32 to index
        %parallel_loop3A_504 = arith.index_cast %parallel_loop3A_428 : i32 to index
        %parallel_loop3A_505 = arith.constant 96 : index
        %parallel_loop3A_506 = tpu.vector_load %arg11[%parallel_loop3A_503, %parallel_loop3A_504, %parallel_loop3A_505] {strides = array<i32>} : memref<8x8x128xf32, #tpu.memory_space<vmem>>, vector<16xf32>,
        tpu.vector_store %arg11[%parallel_loop3A_503, %parallel_loop3A_504, %parallel_loop3A_505], %parallel_loop3A_502 {strides = array<i32>} : memref<8x8x128xf32, #tpu.memory_space<vmem>>, vector<16xf32>,
        %parallel_loop3A_507 = arith.constant 112 : i32
        %parallel_loop3A_508 = vector.broadcast %parallel_loop3A_507 : i32 to vector<16xi32>
        %parallel_loop3A_509 = arith.addi %iota3A, %parallel_loop3A_508 : vector<16xi32>
        %parallel_loop3A_510 = tpu.vector_load_idx %arg9[%parallel_loop3A_509, %parallel_loop3A_429] : memref<128x64xf32, #tpu.memory_space<vmem>>[vector<16xi32>, vector<16xi32>], vector<16xf32>,
        %parallel_loop3A_511 = arith.constant 8.000000e+00 : f32
        %parallel_loop3A_512 = vector.broadcast %parallel_loop3A_511 : f32 to vector<16xf32>
        %parallel_loop3A_513 = arith.mulf %parallel_loop3A_510, %parallel_loop3A_512 : vector<16xf32>
        %parallel_loop3A_514 = arith.index_cast %parallel_loop3A_425 : i32 to index
        %parallel_loop3A_515 = arith.index_cast %parallel_loop3A_428 : i32 to index
        %parallel_loop3A_516 = arith.constant 112 : index
        %parallel_loop3A_517 = tpu.vector_load %arg11[%parallel_loop3A_514, %parallel_loop3A_515, %parallel_loop3A_516] {strides = array<i32>} : memref<8x8x128xf32, #tpu.memory_space<vmem>>, vector<16xf32>,
        tpu.vector_store %arg11[%parallel_loop3A_514, %parallel_loop3A_515, %parallel_loop3A_516], %parallel_loop3A_513 {strides = array<i32>} : memref<8x8x128xf32, #tpu.memory_space<vmem>>, vector<16xf32>,
      } {sc.loop_unroll_factor = 4 : i64, sc.parallel_access}
      %add3A_325 = arith.addi %mul3A_2, %add3A_311 : i32
      %jit3A_326 = arith.constant 256 : i32
      %div3A_327 = arith.divsi %add3A_325, %jit3A_326 : i32
      %sign3A_328 = arith.constant 0 : i32
      %sign3A_329 = arith.cmpi sgt, %add3A_325, %sign3A_328 : i32
      %sign3A_330 = arith.extui %sign3A_329 : i1 to i32
      %sign3A_331 = arith.constant 0 : i32
      %sign3A_332 = arith.cmpi slt, %add3A_325, %sign3A_331 : i32
      %sign3A_333 = arith.extui %sign3A_332 : i1 to i32
      %sign3A_334 = arith.subi %sign3A_330, %sign3A_333 : i32
      %sign3A_335 = arith.constant 0 : i32
      %sign3A_336 = arith.cmpi sgt, %jit3A_326, %sign3A_335 : i32
      %sign3A_337 = arith.extui %sign3A_336 : i1 to i32
      %sign3A_338 = arith.constant 0 : i32
      %sign3A_339 = arith.cmpi slt, %jit3A_326, %sign3A_338 : i32
      %sign3A_340 = arith.extui %sign3A_339 : i1 to i32
      %sign3A_341 = arith.subi %sign3A_337, %sign3A_340 : i32
      %ne3A_342 = arith.cmpi ne, %sign3A_334, %sign3A_341 : i32
      %rem3A_343 = arith.remsi %add3A_325, %jit3A_326 : i32
      %ne3A_344 = arith.constant 0 : i32
      %ne3A_345 = arith.cmpi ne, %rem3A_343, %ne3A_344 : i32
      %and3A_346 = arith.andi %ne3A_342, %ne3A_345 : i1
      %sub3A_347 = arith.constant 1 : i32
      %sub3A_348 = arith.subi %div3A_327, %sub3A_347 : i32
      %select_n3A_349 = arith.select %and3A_346, %sub3A_348, %div3A_327 : i32
      %mul3A_350 = arith.constant 256 : i32
      %mul3A_351 = arith.muli %select_n3A_349, %mul3A_350 : i32
      %sub3A_352 = arith.subi %add3A_325, %mul3A_351 : i32
      %jit3A_353 = arith.constant 8 : i32
      %div3A_354 = arith.divsi %sub3A_352, %jit3A_353 : i32
      %sign3A_355 = arith.constant 0 : i32
      %sign3A_356 = arith.cmpi sgt, %sub3A_352, %sign3A_355 : i32
      %sign3A_357 = arith.extui %sign3A_356 : i1 to i32
      %sign3A_358 = arith.constant 0 : i32
      %sign3A_359 = arith.cmpi slt, %sub3A_352, %sign3A_358 : i32
      %sign3A_360 = arith.extui %sign3A_359 : i1 to i32
      %sign3A_361 = arith.subi %sign3A_357, %sign3A_360 : i32
      %sign3A_362 = arith.constant 0 : i32
      %sign3A_363 = arith.cmpi sgt, %jit3A_353, %sign3A_362 : i32
      %sign3A_364 = arith.extui %sign3A_363 : i1 to i32
      %sign3A_365 = arith.constant 0 : i32
      %sign3A_366 = arith.cmpi slt, %jit3A_353, %sign3A_365 : i32
      %sign3A_367 = arith.extui %sign3A_366 : i1 to i32
      %sign3A_368 = arith.subi %sign3A_364, %sign3A_367 : i32
      %ne3A_369 = arith.cmpi ne, %sign3A_361, %sign3A_368 : i32
      %rem3A_370 = arith.remsi %sub3A_352, %jit3A_353 : i32
      %ne3A_371 = arith.constant 0 : i32
      %ne3A_372 = arith.cmpi ne, %rem3A_370, %ne3A_371 : i32
      %and3A_373 = arith.andi %ne3A_369, %ne3A_372 : i1
      %sub3A_374 = arith.constant 1 : i32
      %sub3A_375 = arith.subi %div3A_354, %sub3A_374 : i32
      %select_n3A_376 = arith.select %and3A_373, %sub3A_375, %div3A_354 : i32
      %mul3A_377 = arith.constant 8 : i32
      %mul3A_378 = arith.muli %select_n3A_376, %mul3A_377 : i32
      %sub3A_379 = arith.subi %sub3A_352, %mul3A_378 : i32
      %mul3A_380 = arith.constant 8 : i32
      %mul3A_381 = arith.muli %select_n3A_349, %mul3A_380 : i32
      %add3A_382 = arith.addi %mul3A_381, %sub3A_379 : i32
      %dma_start3A_383 = arith.constant 0 : i32
      %dma_start3A_384 = arith.constant 0 : i32
      %dma_start3A_385 = arith.constant 0 : i32
      %dma_start3A_386 = tpu.memref_slice %arg4[%add3A_382, %dma_start3A_383, %select_n3A_376, %dma_start3A_384, %dma_start3A_385] : memref<200x8x32x8x128xf32, #tpu.memory_space<hbm>> -> memref<1x8x1x8x128xf32, #tpu.memory_space<hbm>>
      %dma_start3A_387 = tpu.memref_squeeze %dma_start3A_386 : memref<1x8x1x8x128xf32, #tpu.memory_space<hbm>> -> memref<8x8x128xf32, #tpu.memory_space<hbm>>
      %dma_start3A_388 = arith.constant 0 : i32
      %dma_start3A_389 = arith.constant 0 : i32
      %dma_start3A_390 = arith.constant 0 : i32
      %dma_start3A_391 = tpu.memref_slice %arg4[%add3A_382, %dma_start3A_388, %select_n3A_376, %dma_start3A_389, %dma_start3A_390] : memref<200x8x32x8x128xf32, #tpu.memory_space<hbm>> -> memref<1x8x1x8x128xf32, #tpu.memory_space<hbm>>
      %dma_start3A_392 = tpu.memref_squeeze %dma_start3A_391 : memref<1x8x1x8x128xf32, #tpu.memory_space<hbm>> -> memref<8x8x128xf32, #tpu.memory_space<hbm>>
      tpu.enqueue_dma source(%arg11 : memref<8x8x128xf32, #tpu.memory_space<vmem>>) target(%dma_start3A_392 : memref<8x8x128xf32, #tpu.memory_space<hbm>>) target_semaphore(%arg17 : memref<!tpu.dma_semaphore, #tpu.memory_space<semaphore_mem>>)
      %add3A_393 = arith.constant 2 : i32
      %add3A_394 = arith.addi %add3A_311, %add3A_393 : i32
      %lt3A_395 = arith.constant 200 : i32
      %lt3A_396 = arith.cmpi slt, %add3A_394, %lt3A_395 : i32
      %convert_element_type3A_397 = arith.extui %lt3A_396 : i1 to i32
      %cond3A_398 = arith.constant 0 : i32
      %cond3A_399 = arith.cmpi ne, %convert_element_type3A_397, %cond3A_398 : i32
      scf.if %cond3A_399 {
        %mul3A_401 = arith.constant 128 : i32
        %mul3A_402 = arith.muli %add3A_394, %mul3A_401 : i32
        %dma_start3A_403 = tpu.memref_slice %arg5[%mul3A_402] : memref<25600xi32, #tpu.memory_space<vmem>> -> memref<128xi32, #tpu.memory_space<vmem>>
        %dma_start3A_404 = arith.constant 0 : i32
        %dma_start3A_405 = arith.constant 0 : i32
        %dma_start3A_406 = tpu.memref_slice %arg3[%dma_start3A_404, %dma_start3A_405] : memref<1000000x64xf32, #tpu.memory_space<hbm>> -> memref<1000000x64xf32, #tpu.memory_space<hbm>>
        tpu.enqueue_indirect_dma source(%dma_start3A_406 : memref<1000000x64xf32, #tpu.memory_space<hbm>>) target(%arg7 : memref<128x64xf32, #tpu.memory_space<vmem>>) offsets(%dma_start3A_403 : memref<128xi32, #tpu.memory_space<vmem>>) semaphore(%arg13 : memref<!tpu.dma_semaphore, #tpu.memory_space<semaphore_mem>>)
      } else {
      }
      %scan3A_400 = arith.constant 0 : i32
      scf.yield %scan3A_400 : i32
    }
    %scan3A_19 = arith.constant 50 : i32
    %dma_wait3A = arith.constant 0 : i32
    %dma_wait3A_20 = arith.constant 0 : i32
    %dma_wait3A_21 = arith.constant 0 : i32
    %dma_wait3A_22 = arith.constant 0 : i32
    %dma_wait3A_23 = arith.constant 0 : i32
    %dma_wait3A_24 = tpu.memref_slice %arg4[%dma_wait3A, %dma_wait3A_21, %dma_wait3A_20, %dma_wait3A_22, %dma_wait3A_23] : memref<200x8x32x8x128xf32, #tpu.memory_space<hbm>> -> memref<1x8x1x8x128xf32, #tpu.memory_space<hbm>>
    %dma_wait3A_25 = tpu.memref_squeeze %dma_wait3A_24 : memref<1x8x1x8x128xf32, #tpu.memory_space<hbm>> -> memref<8x8x128xf32, #tpu.memory_space<hbm>>
    %dma_wait3A_26 = arith.constant 0 : i32
    %dma_wait3A_27 = arith.constant 0 : i32
    %dma_wait3A_28 = arith.constant 0 : i32
    %dma_wait3A_29 = tpu.memref_slice %arg4[%dma_wait3A, %dma_wait3A_26, %dma_wait3A_20, %dma_wait3A_27, %dma_wait3A_28] : memref<200x8x32x8x128xf32, #tpu.memory_space<hbm>> -> memref<1x8x1x8x128xf32, #tpu.memory_space<hbm>>
    %dma_wait3A_30 = tpu.memref_squeeze %dma_wait3A_29 : memref<1x8x1x8x128xf32, #tpu.memory_space<hbm>> -> memref<8x8x128xf32, #tpu.memory_space<hbm>>
    tpu.wait_dma2 semaphore(%arg16 : memref<!tpu.dma_semaphore, #tpu.memory_space<semaphore_mem>>) src(%arg10 : memref<8x8x128xf32, #tpu.memory_space<vmem>>) dst(%dma_wait3A_30 : memref<8x8x128xf32, #tpu.memory_space<hbm>>)
    %dma_wait3A_31 = arith.constant 0 : i32
    %dma_wait3A_32 = arith.constant 0 : i32
    %dma_wait3A_33 = arith.constant 0 : i32
    %dma_wait3A_34 = arith.constant 0 : i32
    %dma_wait3A_35 = arith.constant 0 : i32
    %dma_wait3A_36 = tpu.memref_slice %arg4[%dma_wait3A_31, %dma_wait3A_33, %dma_wait3A_32, %dma_wait3A_34, %dma_wait3A_35] : memref<200x8x32x8x128xf32, #tpu.memory_space<hbm>> -> memref<1x8x1x8x128xf32, #tpu.memory_space<hbm>>
    %dma_wait3A_37 = tpu.memref_squeeze %dma_wait3A_36 : memref<1x8x1x8x128xf32, #tpu.memory_space<hbm>> -> memref<8x8x128xf32, #tpu.memory_space<hbm>>
    %dma_wait3A_38 = arith.constant 0 : i32
    %dma_wait3A_39 = arith.constant 0 : i32
    %dma_wait3A_40 = arith.constant 0 : i32
    %dma_wait3A_41 = tpu.memref_slice %arg4[%dma_wait3A_31, %dma_wait3A_38, %dma_wait3A_32, %dma_wait3A_39, %dma_wait3A_40] : memref<200x8x32x8x128xf32, #tpu.memory_space<hbm>> -> memref<1x8x1x8x128xf32, #tpu.memory_space<hbm>>
    %dma_wait3A_42 = tpu.memref_squeeze %dma_wait3A_41 : memref<1x8x1x8x128xf32, #tpu.memory_space<hbm>> -> memref<8x8x128xf32, #tpu.memory_space<hbm>>
    tpu.wait_dma2 semaphore(%arg17 : memref<!tpu.dma_semaphore, #tpu.memory_space<semaphore_mem>>) src(%arg11 : memref<8x8x128xf32, #tpu.memory_space<vmem>>) dst(%dma_wait3A_42 : memref<8x8x128xf32, #tpu.memory_space<hbm>>)
    return
  }
}

</mosaic_0001>

<sc_bundles>
// kernel: kernel.3.cloned.1.call-start
scs
__scs_entry_jumppad:
0x0: {  	(pc) =	sbr.rel $0x88, $3  }
0x1: {  	(tag) =	ssettag $0x0;
	lr =	simm.s32 $0x1  }
0x2: {  	[smem:$0x3F9F] =	sst lr;
	_ =	strace $0xD0000000  }
0x3: {  	_ = 	snop  }
0x4: {  	_ = 	snop  }
0x5: {  	_ = 	snop  }
0x6: {  	_ = 	snop  }
0x7: {  	_ = 	snop  }
__scs_overlays_trampoline_lowered:
0x8: {  	[smem:$0x3FAE] =	sst s0  }
0x9: {  	[smem:$0x3FAF] =	sst s1  }
0xa: {  	[smem:$0x3FB0] =	sst s2  }
0xb: {  	[smem:$0x3FB1] =	sst s3  }
0xc: {  	[smem:$0x3FB2] =	sst s4  }
0xd: {  	[smem:$0x3FB3] =	sst s5  }
0xe: {  	[smem:$0x3FB4] =	sst s6  }
0xf: {  	[smem:$0x3FB5] =	sst s7  }
0x10: {  	[smem:$0x3FB6] =	sst s8  }
0x11: {  	[smem:$0x3FB7] =	sst s9;
	s0 =	simm.s32 @!p0 $0x0  }
0x12: {  	s1 =	sld [smem:$0x3F9D];
	s0 =	simm.s32 @p0 $0x1  }
0x13: {  	[smem:$0x3FB8] =	sst s0;
	s0 =	simm.s32 @!p1 $0x0  }
0x14: {  	s2 =	sld [smem:$0x3F9C];
	s0 =	simm.s32 @p1 $0x1  }
0x15: {  	[smem:$0x3FB9] =	sst s0;
	s0 =	simm.s32 @!p2 $0x0  }
0x16: {  	s3 =	sld [smem:$0x3FDB];
	s0 =	simm.s32 @p2 $0x1  }
0x17: {  	s4 =	simm.s32 $0x1BF5;
	[smem:$0x3FBB] =	sst s0  }
0x18: {  	s0 =	sld [smem:$0x3F9E];
	_ =	swait.ge [sflag:s4], $0x0  }
0x19: {  	s7 =	sld [smem:$0x3F9F]  }
0x1a: {  	s8 =	sadd.s32 $0xFFFFE003, lr  }
0x1b: {  	s9 =	sadd.s32 $0xFFFFFEF7, lr;
	s5 =	simm.s32 $0xFFFFFFFF;
	p2 =	slt.u32 s8, $0xFFFFF086  }
0x1c: {  	p1 =	slt.u32 s9, $0xF7A;
	s5 =	simm.s32 @!p2 $0x0  }
0x1d: {  	s5 =	simm.s32 @p1 $0x1;
	p0 =	seq.s32 s7, s2  }
0x1e: {  	s7 =	smul.u32 @!p0 $0xF7A, s2;
	p2 =	seq.s32 @!p0 s5, $0x0  }
0x1f: {  	s9 =	smul.u32 $0xF7A, s1;
	s8 =	simm.s32 @!p0 $0x1BF5;
	p2 =	por !p2, p0  }
0x20: {  	[sflag:s8] =	ssyncset.s32 @!p0 $0xFFFFF086;
	s6 =	sadd.s32 @!p0 s3, s7;
	s7 =	simm.s32 @!p0 $0x108  }
0x21: {  	s3 =	sadd.s32 s3, s9;
	s6 =	sadd.s32 @!p0 $0x88, s6;
	s7 =	simm.s32 @p2 $0x1082  }
0x22: {  	[simem:s7], [sflag:s8] =	dma.local @!p0 [hbm:s6], $0xF7A  }
0x23: {  	s9 =	sor.u32 $0xD0000000, s2;
	s6 =	simm.s32 $0x108;
	_ =	swait.ge @!p0 [sflag:s8], $0x0  }
0x24: {  	s3 =	sadd.s32 $0x88, s3;
	s6 =	simm.s32 @!p1 $0x1082;
	[sflag:s4] =	ssyncset.s32 $0xFFFFF086  }
0x25: {  	[simem:s6], [sflag:s4] =	dma.local [hbm:s3], $0xF7A  }
0x26: {  	[smem:$0x3F9F] =	sst s1;
	(tag) =	ssettag s2;
	_ =	strace s9  }
0x27: {  	s1 =	sld [smem:$0x3FAF]  }
0x28: {  	s2 =	sld [smem:$0x3FB0]  }
0x29: {  	s4 =	sld [smem:$0x3FB2]  }
0x2a: {  	p0 =	seq.s32 s5, $0x0;
	s5 =	sld [smem:$0x3FB3]  }
0x2b: {  	s6 =	sld [smem:$0x3FB4]  }
0x2c: {  	s7 =	sld [smem:$0x3FB5]  }
0x2d: {  	s3 =	simm.s32 $0x108;
	s8 =	sld [smem:$0x3FB6]  }
0x2e: {  	s3 =	simm.s32 @!p0 $0x1082;
	s9 =	sld [smem:$0x3FB7]  }
0x2f: {  	lr =	sadd.s32 s0, s3;
	s0 =	sld [smem:$0x3FAE]  }
0x30: {  	s3 =	sld [smem:$0x3FB1]  }
0x31: {  	[smem:$0x3FBA] =	sst s10  }
0x32: {  	s10 =	sld [smem:$0x3FB8];
	_ =	sdelay $0x3  }
0x33: {  	p0 =	seq.s32 s10, $0x1;
	s10 =	sld [smem:$0x3FBA];
	_ =	sdelay $0x3  }
0x34: {  	[smem:$0x3FBA] =	sst s10  }
0x35: {  	s10 =	sld [smem:$0x3FB9];
	_ =	sdelay $0x3  }
0x36: {  	p1 =	seq.s32 s10, $0x1;
	s10 =	sld [smem:$0x3FBA];
	_ =	sdelay $0x3  }
0x37: {  	[smem:$0x3FBA] =	sst s10  }
0x38: {  	s10 =	sld [smem:$0x3FBB]  }
0x39: {  	_ = 	snop;
	(pc) =	sbr.ind lr, $3  }
0x3a: {  	_ = 	snop  }
0x3b: {  	_ = 	snop  }
0x3c: {  	p2 =	seq.s32 s10, $0x1;
	s10 =	sld [smem:$0x3FBA]  }
0x3d: {  	_ =	shalt  }
0x3e: {  	_ =	shalt  }
0x3f: {  	_ =	shalt  }
0x40: {  	_ =	shalt  }
0x41: {  	_ =	shalt  }
0x42: {  	_ =	shalt  }
0x43: {  	_ =	shalt  }
0x44: {  	_ =	shalt  }
0x45: {  	_ =	shalt  }
0x46: {  	_ =	shalt  }
0x47: {  	_ =	shalt  }
0x48: {  	_ =	shalt  }
0x49: {  	_ =	shalt  }
0x4a: {  	_ =	shalt  }
0x4b: {  	_ =	shalt  }
0x4c: {  	_ =	shalt  }
0x4d: {  	_ =	shalt  }
0x4e: {  	_ =	shalt  }
0x4f: {  	_ =	shalt  }
0x50: {  	_ =	shalt  }
0x51: {  	_ =	shalt  }
0x52: {  	_ =	shalt  }
0x53: {  	_ =	shalt  }
0x54: {  	_ =	shalt  }
0x55: {  	_ =	shalt  }
0x56: {  	_ =	shalt  }
0x57: {  	_ =	shalt  }
0x58: {  	_ =	shalt  }
0x59: {  	_ =	shalt  }
0x5a: {  	_ =	shalt  }
0x5b: {  	_ =	shalt  }
0x5c: {  	_ =	shalt  }
0x5d: {  	_ =	shalt  }
0x5e: {  	_ =	shalt  }
0x5f: {  	_ =	shalt  }
0x60: {  	_ =	shalt  }
0x61: {  	_ =	shalt  }
0x62: {  	_ =	shalt  }
0x63: {  	_ =	shalt  }
0x64: {  	_ =	shalt  }
0x65: {  	_ =	shalt  }
0x66: {  	_ =	shalt  }
0x67: {  	_ =	shalt  }
0x68: {  	_ =	shalt  }
0x69: {  	_ =	shalt  }
0x6a: {  	_ =	shalt  }
0x6b: {  	_ =	shalt  }
0x6c: {  	_ =	shalt  }
0x6d: {  	_ =	shalt  }
0x6e: {  	_ =	shalt  }
0x6f: {  	_ =	shalt  }
0x70: {  	_ =	shalt  }
0x71: {  	_ =	shalt  }
0x72: {  	_ =	shalt  }
0x73: {  	_ =	shalt  }
0x74: {  	_ =	shalt  }
0x75: {  	_ =	shalt  }
0x76: {  	_ =	shalt  }
0x77: {  	_ =	shalt  }
0x78: {  	_ =	shalt  }
0x79: {  	_ =	shalt  }
0x7a: {  	_ =	shalt  }
0x7b: {  	_ =	shalt  }
0x7c: {  	_ =	shalt  }
0x7d: {  	_ =	shalt  }
0x7e: {  	_ =	shalt  }
0x7f: {  	_ =	shalt  }
0x80: {  	_ =	shalt  }
0x81: {  	_ =	shalt  }
0x82: {  	_ =	shalt  }
0x83: {  	_ =	shalt  }
0x84: {  	_ =	shalt  }
0x85: {  	_ =	shalt  }
0x86: {  	_ =	shalt  }
0x87: {  	_ =	shalt  }
.Lfunc_end0:
.L_simem_size_0:
called_computation_lowered:
.L_overlay_start_0:
0x88: {  	s2 =	sld [smem:$0x3FD9]  }
0x89: {  	s3 =	sld [smem:$0x3FFE];
	_ =	sdelay $0x1  }
0x8a: {  	s1 =	srdreg.scid  }
0x8b: {  	s0 =	sand.u32 $0x1, s1  }
0x8c: {  	s17 =	sshll.u32 s0, $0xA;
	s2 =	sadd.s32 s3, s2  }
0x8d: {  	s2 =	sadd.s32 s2, s17  }
0x8e: {  	[smem:$0x3FC6] =	sst s2  }
0x8f: {  	_ = 	snop  }
0x90: {  	s2 =	sld [smem:$0x3FC9]  }
0x91: {  	s18 =	sld [smem:$0x3FD0];
	(tm) =	ssettm $0x1  }
0x92: {  	s4 =	sld [smem:$0x3FFB];
	_ =	sdelay $0x3  }
0x93: {  	_ =	strace s4  }
0x94: {  	s4 =	sld [smem:$0x3FFC];
	_ =	sdelay $0x3  }
0x95: {  	_ =	strace s4  }
0x96: {  	s4 =	sld [smem:$0x3FFD];
	_ =	sdelay $0x3  }
0x97: {  	_ =	strace s4  }
0x98: {  	_ =	strace $0x8FFFFFFF  }
0x99: {  	s19 =	sld [smem:$0x3FDB];
	_ =	sdelay $0x1  }
0x9a: {  	s5 =	simm.s32 $_scs_section_size  }
0x9b: {  	s6 =	simm.s32 $_size__tile_overlayer_lowered;
	s7 =	simm.s32 $_tile_overlayer_lowered  }
0x9c: {  	s22 =	simm.s32 $0x1BFF;
	s21 =	sshll.u32 s7, $0x1;
	s4 =	sadd.s32 s5, s19  }
0x9d: {  	s8 =	simm.s32 $0x0;
	s20 =	sshll.u32 s6, $0x1;
	s6 =	sadd.s32 s21, s4  }
0x9e: {  	[timem:s8], [sflag:s22] =	dma.local [hbm:s6], s20  }
0x9f: {  	_ =	swait.ge [sflag:s22], s20  }
0xa0: {  	s5 =	ssub.s32 $0x0, s20;
	[sflag:s22] =	ssyncset.done $0x0  }
0xa1: {  	[sflag:s22] =	ssyncadd.s32 s5;
	_ =	sdelay $0x1  }
0xa2: {  	s23 =	simm.s32 $0x1B8B  }
0xa3: {  	_ =	swait.ge [sflag:s23], $0x1  }
0xa4: {  	[sflag:s23] =	ssyncset.done $0x0  }
0xa5: {  	s25 =	simm.s32 $0x1B8E;
	s24 =	sld [smem:$0x3FFE];
	[sflag:s23] =	ssyncadd.s32 $0xFFFFFFFF  }
0xa6: {  	s26 =	simm.s32 $execute0_lowered;
	[smem:$0x3FD2] =	sst s25  }
0xa7: {  	s6 =	sshll.u32 s26, $0x1;
	_ =	strace $0x80000046;
	[dreg:$0x1] =	wrdreg $0xFFFFFFFF  }
0xa8: {  	s28 =	simm.s32 $_size_execute0_lowered;
	s4 =	sadd.s32 s4, s6;
	[dreg:$0x0] =	wrdreg $0x0  }
0xa9: {  	s6 =	sshll.u32 s28, $0x1;
	[dreg:$0x2] =	wrdreg s4  }
0xaa: {  	[dreg:$0x3] =	wrdreg s6  }
0xab: {  	[dreg:$0x4] =	wrdreg $0xC0  }
0xac: {  	_ =	task [dreg:s8], $0x5FFFF  }
0xad: {  	[dreg:$0x1] =	wrdreg $0xFFFFFFFF  }
0xae: {  	[dreg:$0x0] =	wrdreg $0x60  }
0xaf: {  	[dreg:$0x2] =	wrdreg s2  }
0xb0: {  	[dreg:$0x3] =	wrdreg s24  }
0xb1: {  	[dreg:$0x4] =	wrdreg s18  }
0xb2: {  	[dreg:$0x5] =	wrdreg $0x9  }
0xb3: {  	_ =	task.clear_ibuf [dreg:s8], $0x6FFFF;
	_ =	strace $0x90000046  }
0xb4: {  	s29 =	simm.s32 $0x9;
	_ =	strace $0x80000048  }
0xb5: {  	_ =	swait.ge [sflag:s29], $0x1  }
0xb6: {  	[sflag:s29] =	ssyncadd.s32 $0xFFFFFFFF  }
0xb7: {  	_ =	strace $0x90000048  }
0xb8: {  	_ =	sfence  }
0xb9: {  	s30 =	sld [smem:$0x0];
	_ =	sdelay $0x2  }
0xba: {  	s31 =	sshll.u32 s1, $0xD;
	s1 =	sshrl.u32 s1, $0x2  }
0xbb: {  	s3 =	sand.u32 $0x4000, s31;
	s1 =	sadd.s32 s1, s30  }
0xbc: {  	s0 =	sor.u32 s3, s0;
	s1 =	sshll.u32 s1, $0x11  }
0xbd: {  	s0 =	sor.u32 s1, s0  }
0xbe: {  	s0 =	sadd.s32 $0x8F2B, s0  }
0xbf: {  	[sflag:s0] =	ssyncadd.remote.s32 $0x1  }
0xc0: {  	_ =	sfence.sel $0xFFFF  }
0xc1: {  	[dreg:$0x0] =	wrdreg $0xFFFFFFFF;
	(pc) =	sbr.abs _section_cstart, $3  }
0xc2: {  	[dreg:$0x1] =	wrdreg $0xFFFFFFFF  }
0xc3: {  	_ =	task.clear_ibuf [dreg:s8], $0x2FFFF;
	_ =	strace $0x9FFFFFFF  }
0xc4: {  	(tm) =	ssettm $0x7FFFFFFF  }
0xc5: {  	_ =	shalt  }
tec
execute0_lowered:
.L_overlay_start_1:
0x0: {  	(tag) =	ssettag $0x1  }
0x1: {  	s0 =	rddreg [dreg:$0x0]  }
0x2: {  	s1 =	rddreg [dreg:$0x1]  }
0x3: {  	s3 =	srdreg.scid;
	s4 =	stileid.u32  }
0x4: {  	s2 =	rddreg [dreg:$0x2];
	s6 =	simm.s32 $0x0;
	s8 =	simm.s32 $0x7  }
0x5: {  	s9 =	simm.s32 $0x80;
	s10 =	simm.s32 $0x6400;
	s11 =	simm.s32 $0x8400  }
0x6: {  	s12 =	simm.s32 $0x1;
	s13 =	simm.s32 $0x400;
	s14 =	simm.s32 $0x8000  }
0x7: {  	s15 =	simm.s32 $0xE400;
	s16 =	simm.s32 $0xA400;
	s17 =	simm.s32 $0x2  }
0x8: {  	s18 =	simm.s32 $0x10400;
	s19 =	simm.s32 $0xC400;
	s20 =	simm.s32 $0x3  }
0x9: {  	v0 =	vlaneseq.u32;
	s21 =	simm.s32 $0x5;
	s22 =	simm.s32 $0x4;
	s23 =	simm.s32 $0x6  }
.Ltmp0:
0xa: {  	s3 =	sand.u32 $0x1, s3;
	s4 =	sshll.u32 s4, $0x1;
	v0 =	vmul.u32 $0x40, v0;
	(pc) =	sbr.rel .LBB2_1-.Ltmp0, $4  }
0xb: {  	[smem:$0x7FF] =	sst s6;
	s5 =	sor.u32 s3, s4;
	s3 =	ssub.s32 $0x2, s3  }
0xc: {  	_ =	strace $0x80000047;
	s30 =	smul.u32 $0xC80, s5;
	s31 =	sshrl.u32 s3, $0x1;
	v1 =	vor.u32 $0x400, v0  }
0xd: {  	s24 =	simm.s32 $0x0;
	s4 =	sadd.s32 $0xF42800, s1;
	v2 =	vor.u32 $0x800, v0;
	v3 =	vor.u32 $0xC00, v0;
	v4 =	vor.u32 $0x1000, v0;
	s1 =	ssub.s32 s3, s31  }
0xe: {  	s5 =	smul.u32 $0xC8, s5;
	v5 =	vor.u32 $0x1400, v0;
	v6 =	vor.u32 $0x1800, v0;
	v7 =	vor.u32 $0x1C00, v0;
	s6 =	sadd.s32 s0, s30;
	s7 =	smax.u32 s1, $0x1  }
.LBB2_12:
0xf: {  	s24 =	sadd.s32 $0x1, s24  }
0x10: {  	_ =	swait.ge [sflag:s21], $0x2000;
	p0 =	sne.s32 s24, s7  }
.Ltmp1:
0x11: {  	[sflag:s21] =	ssyncset.done $0x0;
	(pc) =	sbr.rel @!p0 .LBB2_13-.Ltmp1, $4  }
0x12: {  	[sflag:s21] =	ssyncadd.s32 $0xFFFFE000  }
0x13: {  	_ =	swait.ge [sflag:s23], $0x2000  }
0x14: {  	[sflag:s23] =	ssyncset.done $0x0  }
0x15: {  	[sflag:s23] =	ssyncadd.s32 $0xFFFFE000  }
.LBB2_1:
0x16: {  	s0 =	simm.s32 $0x0  }
0x17: {  	[tilespmem:s0], [sflag:$0x7] =	stream.linear.gather [hbm4b:s6+s0], $0x6400, $0x38;
	[tilespmem:$0x12400] =	vst v63  }
0x18: {  	_ =	swait.ge [sflag:s8], $0x6400  }
0x19: {  	[sflag:s8] =	ssyncset.done $0x0  }
0x1a: {  	[sflag:s8] =	ssyncadd.s32 $0xFFFF9C00  }
0x1b: {  	[tilespmem:s10], [sflag:$0x1] =	stream.indirect.gather [hbm4b:s4+s9], $0x40, s0, s9, $0xb8;
	[tilespmem:$0x12400] =	vst v63  }
0x1c: {  	s25 =	simm.s32 $0x0  }
0x1d: {  	[tilespmem:s11], [sflag:$0x2] =	stream.indirect.gather [hbm4b:s4+s9], $0x40, s9, s9, $0xb8;
	[tilespmem:$0x12400] =	vst v63  }
.LBB2_2:
0x1e: {  	s0 =	simm.s32 $0x3  }
0x1f: {  	s1 =	simm.s32 $0x1;
	v8 =	vmov s0  }
0x20: {  	s26 =	simm.s32 $0x2;
	v9 =	vmov s1;
	v8 =	vand.u32 $0x3F, v8  }
0x21: {  	s31 =	simm.s32 $0x0;
	v10 =	vmov s26;
	v9 =	vand.u32 $0x3D, v9;
	v19 =	vbroadcast v8, $0x0  }
0x22: {  	_ =	swait.ge [sflag:s12], $0x2000;
	v8 =	vmov s31;
	v16 =	vbroadcast v9, $0x0;
	v9 =	vand.u32 $0x3E, v10  }
0x23: {  	p0 =	seq.s32 s25, $0x0;
	[sflag:s12] =	ssyncset.done $0x0;
	v8 =	vand.u32 $0x3C, v8;
	v18 =	vbroadcast v9, $0x0;
	v9 =	vor.u32 v0, v19  }
0x24: {  	s0 =	simm.s32 @!p0 $0x5;
	[sflag:s12] =	ssyncadd.s32 $0xFFFFE000;
	v17 =	vbroadcast v8, $0x0;
	v8 =	vor.u32 v0, v16  }
0x25: {  	_ =	swait.ge @!p0 [sflag:s0], $0x2000;
	v10 =	vor.u32 v0, v18  }
0x26: {  	[sflag:s0] =	ssyncset.done @!p0 $0x0;
	v11 =	vor.u32 v0, v17  }
0x27: {  	[sflag:s0] =	ssyncadd.s32 @!p0 $0xFFFFE000  }
0x28: {  	v9 =	vld.idx.msk [tilespmem:v9+s10+$0x0], $0xffff  }
0x29: {  	v8 =	vld.idx.msk [tilespmem:v8+s10+$0x0], $0xffff  }
0x2a: {  	v10 =	vld.idx.msk [tilespmem:v10+s10+$0x0], $0xffff  }
0x2b: {  	v12 =	vor.u32 v1, v19;
	v11 =	vld.idx.msk [tilespmem:v11+s10+$0x0], $0xffff  }
0x2c: {  	v13 =	vor.u32 v1, v16  }
0x2d: {  	v14 =	vor.u32 v1, v18;
	v9 =	vmul.f32 $8.000000000e+00, v9  }
0x2e: {  	s29 =	simm.s32 $0xE500;
	v15 =	vor.u32 v1, v17;
	v8 =	vmul.f32 $8.000000000e+00, v8  }
0x2f: {  	v10 =	vmul.f32 $8.000000000e+00, v10;
	[tilespmem:s29+$0x80] =	vst v9  }
0x30: {  	v9 =	vmul.f32 $8.000000000e+00, v11;
	[tilespmem:s29+$0xFFFFFF80] =	vst v8;
	v8 =	vld.idx.msk [tilespmem:v12+s10+$0x0], $0xffff  }
0x31: {  	v11 =	vld.idx.msk [tilespmem:v13+s10+$0x0], $0xffff;
	[tilespmem:s29+$0x0] =	vst v10  }
0x32: {  	[tilespmem:s29+$0xFFFFFF00] =	vst v9;
	v9 =	vld.idx.msk [tilespmem:v14+s10+$0x0], $0xffff  }
0x33: {  	v12 =	vor.u32 v2, v19;
	v10 =	vld.idx.msk [tilespmem:v15+s10+$0x0], $0xffff  }
0x34: {  	v13 =	vor.u32 v2, v16  }
0x35: {  	v14 =	vor.u32 v2, v18;
	v8 =	vmul.f32 $8.000000000e+00, v8  }
0x36: {  	v15 =	vor.u32 v2, v17;
	v11 =	vmul.f32 $8.000000000e+00, v11  }
0x37: {  	v9 =	vmul.f32 $8.000000000e+00, v9;
	[tilespmem:s29+$0x90] =	vst v8  }
0x38: {  	s1 =	simm.s32 $0x4;
	v10 =	vmul.f32 $8.000000000e+00, v10;
	[tilespmem:s29+$0xFFFFFF90] =	vst v11;
	v11 =	vld.idx.msk [tilespmem:v12+s10+$0x0], $0xffff  }
0x39: {  	s26 =	simm.s32 $0x6;
	v20 =	vmov s1;
	v12 =	vld.idx.msk [tilespmem:v13+s10+$0x0], $0xffff;
	[tilespmem:s29+$0x10] =	vst v9  }
0x3a: {  	v22 =	vmov s26;
	v21 =	vor.u32 v3, v19;
	v23 =	vor.u32 v3, v16;
	[tilespmem:s29+$0xFFFFFF10] =	vst v10;
	v10 =	vld.idx.msk [tilespmem:v14+s10+$0x0], $0xffff  }
0x3b: {  	s3 =	simm.s32 $0x5;
	s31 =	simm.s32 $0x7;
	v24 =	vor.u32 v3, v18;
	v25 =	vor.u32 v3, v17;
	v8 =	vand.u32 $0x3C, v20;
	v15 =	vld.idx.msk [tilespmem:v15+s10+$0x0], $0xffff  }
0x3c: {  	v8 =	vbroadcast v8, $0x0;
	v9 =	vmov s3;
	v13 =	vmov s31  }
0x3d: {  	v9 =	vand.u32 $0x3D, v9;
	v13 =	vand.u32 $0x3F, v13;
	v11 =	vmul.f32 $8.000000000e+00, v11  }
0x3e: {  	v20 =	vor.u32 v0, v8;
	v14 =	vbroadcast v13, $0x0;
	v12 =	vmul.f32 $8.000000000e+00, v12  }
0x3f: {  	v13 =	vbroadcast v9, $0x0;
	v9 =	vand.u32 $0x3E, v22;
	v10 =	vmul.f32 $8.000000000e+00, v10;
	[tilespmem:s29+$0xA0] =	vst v11  }
0x40: {  	v11 =	vbroadcast v9, $0x0;
	v9 =	vor.u32 v0, v14;
	v15 =	vmul.f32 $8.000000000e+00, v15;
	[tilespmem:s29+$0xFFFFFFA0] =	vst v12;
	v12 =	vld.idx.msk [tilespmem:v21+s10+$0x0], $0xffff  }
0x41: {  	v21 =	vor.u32 v0, v13;
	v22 =	vld.idx.msk [tilespmem:v23+s10+$0x0], $0xffff;
	[tilespmem:s29+$0x20] =	vst v10  }
0x42: {  	s3 =	simm.s32 $0x8;
	v10 =	vor.u32 v0, v11;
	[tilespmem:s29+$0xFFFFFF20] =	vst v15;
	v15 =	vld.idx.msk [tilespmem:v24+s10+$0x0], $0xffff  }
0x43: {  	v24 =	vmov s3;
	v23 =	vld.idx.msk [tilespmem:v25+s10+$0x0], $0xffff;
	v25 =	vor.u32 v4, v19  }
0x44: {  	v26 =	vld.idx.msk [tilespmem:v20+s10+$0x0], $0xffff;
	v20 =	vand.u32 $0x3C, v24;
	v24 =	vor.u32 v4, v16  }
0x45: {  	v27 =	vld.idx.msk [tilespmem:v9+s10+$0x0], $0xffff;
	v9 =	vbroadcast v20, $0x0;
	v20 =	vor.u32 v4, v18;
	v12 =	vmul.f32 $8.000000000e+00, v12  }
0x46: {  	v28 =	vor.u32 v4, v17;
	v21 =	vld.idx.msk [tilespmem:v21+s10+$0x0], $0xffff;
	v22 =	vmul.f32 $8.000000000e+00, v22  }
0x47: {  	v10 =	vld.idx.msk [tilespmem:v10+s10+$0x0], $0xffff;
	v29 =	vor.u32 v0, v9;
	v15 =	vmul.f32 $8.000000000e+00, v15;
	[tilespmem:s29+$0xB0] =	vst v12  }
0x48: {  	v30 =	vor.u32 v1, v8;
	v23 =	vmul.f32 $8.000000000e+00, v23;
	[tilespmem:s29+$0xFFFFFFB0] =	vst v22;
	v22 =	vld.idx.msk [tilespmem:v25+s10+$0x0], $0xffff  }
0x49: {  	v26 =	vmul.f32 $8.000000000e+00, v26;
	v12 =	vor.u32 v1, v14;
	v24 =	vld.idx.msk [tilespmem:v24+s10+$0x0], $0xffff;
	[tilespmem:s29+$0x30] =	vst v15  }
0x4a: {  	s28 =	simm.s32 $0xE700;
	v25 =	vor.u32 v1, v13;
	v27 =	vmul.f32 $8.000000000e+00, v27;
	[tilespmem:s29+$0xFFFFFF30] =	vst v23;
	v23 =	vld.idx.msk [tilespmem:v20+s10+$0x0], $0xffff  }
0x4b: {  	s26 =	simm.s32 $0x9;
	[tilespmem:s28+$0xFFFFFF00] =	vst v26;
	v15 =	vor.u32 v1, v11;
	v21 =	vmul.f32 $8.000000000e+00, v21;
	v28 =	vld.idx.msk [tilespmem:v28+s10+$0x0], $0xffff  }
0x4c: {  	v31 =	vmov s26;
	v20 =	vld.idx.msk [tilespmem:v29+s10+$0x0], $0xffff;
	v29 =	vmul.f32 $8.000000000e+00, v10;
	[tilespmem:s28+$0x80] =	vst v27;
	v27 =	vor.u32 v5, v19  }
0x4d: {  	v30 =	vld.idx.msk [tilespmem:v30+s10+$0x0], $0xffff;
	v10 =	vand.u32 $0x3D, v31;
	[tilespmem:s28+$0xFFFFFF80] =	vst v21;
	v21 =	vor.u32 v5, v16  }
0x4e: {  	v12 =	vld.idx.msk [tilespmem:v12+s10+$0x0], $0xffff;
	v10 =	vbroadcast v10, $0x0;
	[tilespmem:s28+$0x0] =	vst v29;
	v29 =	vor.u32 v5, v18;
	v22 =	vmul.f32 $8.000000000e+00, v22  }
0x4f: {  	v26 =	vor.u32 v5, v17;
	v25 =	vld.idx.msk [tilespmem:v25+s10+$0x0], $0xffff;
	v24 =	vmul.f32 $8.000000000e+00, v24  }
0x50: {  	v15 =	vld.idx.msk [tilespmem:v15+s10+$0x0], $0xffff;
	v31 =	vor.u32 v0, v10;
	v23 =	vmul.f32 $8.000000000e+00, v23;
	[tilespmem:s29+$0xC0] =	vst v22  }
0x51: {  	v22 =	vor.u32 v2, v14;
	v28 =	vmul.f32 $8.000000000e+00, v28;
	[tilespmem:s29+$0xFFFFFFC0] =	vst v24;
	v24 =	vld.idx.msk [tilespmem:v27+s10+$0x0], $0xffff  }
0x52: {  	v27 =	vor.u32 v2, v13;
	[tilespmem:s29+$0x40] =	vst v23;
	v21 =	vld.idx.msk [tilespmem:v21+s10+$0x0], $0xffff  }
0x53: {  	v23 =	vor.u32 v2, v11;
	v12 =	vmul.f32 $8.000000000e+00, v12;
	[tilespmem:s29+$0xFFFFFF40] =	vst v28;
	v28 =	vld.idx.msk [tilespmem:v29+s10+$0x0], $0xffff  }
0x54: {  	s31 =	simm.s32 $0xA;
	v29 =	vor.u32 v2, v8;
	v25 =	vmul.f32 $8.000000000e+00, v25;
	v26 =	vld.idx.msk [tilespmem:v26+s10+$0x0], $0xffff  }
0x55: {  	v33 =	vor.u32 v6, v19;
	v32 =	vmov s31;
	v31 =	vld.idx.msk [tilespmem:v31+s10+$0x0], $0xffff;
	v15 =	vmul.f32 $8.000000000e+00, v15;
	[tilespmem:s28+$0x90] =	vst v12  }
0x56: {  	v30 =	vmul.f32 $8.000000000e+00, v30;
	v12 =	vand.u32 $0x3E, v32;
	[tilespmem:s28+$0xFFFFFF90] =	vst v25;
	v22 =	vld.idx.msk [tilespmem:v22+s10+$0x0], $0xffff;
	v25 =	vor.u32 v6, v16  }
0x57: {  	v12 =	vbroadcast v12, $0x0;
	v27 =	vld.idx.msk [tilespmem:v27+s10+$0x0], $0xffff;
	[tilespmem:s28+$0x10] =	vst v15;
	v15 =	vor.u32 v6, v18;
	v24 =	vmul.f32 $8.000000000e+00, v24  }
0x58: {  	[tilespmem:s28+$0xFFFFFF10] =	vst v30;
	v30 =	vor.u32 v6, v17;
	v23 =	vld.idx.msk [tilespmem:v23+s10+$0x0], $0xffff;
	v21 =	vmul.f32 $8.000000000e+00, v21  }
0x59: {  	v54 =	vor.u32 v0, v12;
	v29 =	vld.idx.msk [tilespmem:v29+s10+$0x0], $0xffff;
	v28 =	vmul.f32 $8.000000000e+00, v28;
	[tilespmem:s29+$0xD0] =	vst v24  }
0x5a: {  	s1 =	simm.s32 $0xB;
	v24 =	vor.u32 v3, v14;
	v26 =	vmul.f32 $8.000000000e+00, v26;
	[tilespmem:s29+$0xFFFFFFD0] =	vst v21;
	v21 =	vld.idx.msk [tilespmem:v33+s10+$0x0], $0xffff  }
0x5b: {  	v55 =	vmov s1;
	v34 =	vor.u32 v3, v13;
	v25 =	vld.idx.msk [tilespmem:v25+s10+$0x0], $0xffff;
	[tilespmem:s29+$0x50] =	vst v28  }
0x5c: {  	v56 =	vor.u32 v3, v11;
	v28 =	vand.u32 $0x3F, v55;
	v22 =	vmul.f32 $8.000000000e+00, v22;
	[tilespmem:s29+$0xFFFFFF50] =	vst v26;
	v26 =	vld.idx.msk [tilespmem:v15+s10+$0x0], $0xffff  }
0x5d: {  	v15 =	vbroadcast v28, $0x0;
	v28 =	vor.u32 v3, v8;
	v27 =	vmul.f32 $8.000000000e+00, v27;
	v30 =	vld.idx.msk [tilespmem:v30+s10+$0x0], $0xffff  }
0x5e: {  	v19 =	vor.u32 v7, v19;
	v32 =	vld.idx.msk [tilespmem:v54+s10+$0x0], $0xffff;
	v23 =	vmul.f32 $8.000000000e+00, v23;
	[tilespmem:s28+$0xA0] =	vst v22  }
0x5f: {  	v22 =	vor.u32 v0, v15;
	v29 =	vmul.f32 $8.000000000e+00, v29;
	[tilespmem:s28+$0xFFFFFFA0] =	vst v27;
	v24 =	vld.idx.msk [tilespmem:v24+s10+$0x0], $0xffff  }
0x60: {  	v27 =	vld.idx.msk [tilespmem:v34+s10+$0x0], $0xffff;
	[tilespmem:s28+$0x20] =	vst v23;
	v23 =	vor.u32 v7, v16;
	v16 =	vmul.f32 $8.000000000e+00, v21  }
0x61: {  	v18 =	vor.u32 v7, v18;
	[tilespmem:s28+$0xFFFFFF20] =	vst v29;
	v21 =	vld.idx.msk [tilespmem:v56+s10+$0x0], $0xffff  }
0x62: {  	s3 =	simm.s32 $0xC;
	v17 =	vor.u32 v7, v17;
	v25 =	vmul.f32 $8.000000000e+00, v25;
	v28 =	vld.idx.msk [tilespmem:v28+s10+$0x0], $0xffff;
	[tilespmem:s29+$0xE0] =	vst v16  }
0x63: {  	v29 =	vor.u32 v4, v14;
	v16 =	vmul.f32 $8.000000000e+00, v26;
	v26 =	vmov s3;
	v19 =	vld.idx.msk [tilespmem:v19+s10+$0x0], $0xffff  }
0x64: {  	v30 =	vmul.f32 $8.000000000e+00, v30;
	[tilespmem:s29+$0xFFFFFFE0] =	vst v25;
	v25 =	vand.u32 $0x3C, v26;
	v26 =	vor.u32 v4, v13;
	v22 =	vld.idx.msk [tilespmem:v22+s10+$0x0], $0xffff  }
0x65: {  	[tilespmem:s29+$0x60] =	vst v16;
	v16 =	vbroadcast v25, $0x0;
	v25 =	vor.u32 v4, v11;
	v24 =	vmul.f32 $8.000000000e+00, v24;
	v23 =	vld.idx.msk [tilespmem:v23+s10+$0x0], $0xffff  }
0x66: {  	[tilespmem:s29+$0xFFFFFF60] =	vst v30;
	v30 =	vor.u32 v4, v8;
	v27 =	vmul.f32 $8.000000000e+00, v27;
	v18 =	vld.idx.msk [tilespmem:v18+s10+$0x0], $0xffff  }
0x67: {  	v57 =	vor.u32 v0, v16;
	v21 =	vmul.f32 $8.000000000e+00, v21;
	[tilespmem:s28+$0xB0] =	vst v24;
	v24 =	vld.idx.msk [tilespmem:v17+s10+$0x0], $0xffff  }
0x68: {  	v17 =	vor.u32 v1, v15;
	v28 =	vmul.f32 $8.000000000e+00, v28;
	[tilespmem:s28+$0xFFFFFFB0] =	vst v27;
	v27 =	vld.idx.msk [tilespmem:v29+s10+$0x0], $0xffff  }
0x69: {  	v29 =	vor.u32 v1, v10;
	v26 =	vld.idx.msk [tilespmem:v26+s10+$0x0], $0xffff;
	[tilespmem:s28+$0x30] =	vst v21;
	v19 =	vmul.f32 $8.000000000e+00, v19  }
0x6a: {  	v21 =	vor.u32 v1, v12;
	v22 =	vmul.f32 $8.000000000e+00, v22;
	[tilespmem:s28+$0xFFFFFF30] =	vst v28;
	v25 =	vld.idx.msk [tilespmem:v25+s10+$0x0], $0xffff  }
0x6b: {  	s30 =	simm.s32 $0xE900;
	s26 =	simm.s32 $0xD;
	v31 =	vmul.f32 $8.000000000e+00, v31;
	v28 =	vor.u32 v1, v9;
	v30 =	vld.idx.msk [tilespmem:v30+s10+$0x0], $0xffff;
	[tilespmem:s29+$0xF0] =	vst v19  }
0x6c: {  	v58 =	vmov s26;
	v32 =	vmul.f32 $8.000000000e+00, v32;
	v19 =	vld.idx.msk [tilespmem:v57+s10+$0x0], $0xffff;
	[tilespmem:s30+$0x80] =	vst v22;
	v22 =	vor.u32 v5, v14  }
0x6d: {  	v59 =	vand.u32 $0x3D, v58;
	v60 =	vor.u32 v5, v13;
	v20 =	vmul.f32 $8.000000000e+00, v20;
	[tilespmem:s30+$0xFFFFFF80] =	vst v31;
	v31 =	vld.idx.msk [tilespmem:v17+s10+$0x0], $0xffff  }
0x6e: {  	v61 =	vor.u32 v5, v11;
	[tilespmem:s30+$0x0] =	vst v32;
	v17 =	vbroadcast v59, $0x0;
	v29 =	vld.idx.msk [tilespmem:v29+s10+$0x0], $0xffff;
	v27 =	vmul.f32 $8.000000000e+00, v27  }
0x6f: {  	[tilespmem:s30+$0xFFFFFF00] =	vst v20;
	v20 =	vld.idx.msk [tilespmem:v21+s10+$0x0], $0xffff;
	v21 =	vor.u32 v5, v8;
	v26 =	vmul.f32 $8.000000000e+00, v26  }
0x70: {  	v33 =	vor.u32 v0, v17;
	v28 =	vld.idx.msk [tilespmem:v28+s10+$0x0], $0xffff;
	v25 =	vmul.f32 $8.000000000e+00, v25;
	[tilespmem:s28+$0xC0] =	vst v27  }
0x71: {  	v27 =	vor.u32 v2, v15;
	v30 =	vmul.f32 $8.000000000e+00, v30;
	[tilespmem:s28+$0xFFFFFFC0] =	vst v26;
	v26 =	vld.idx.msk [tilespmem:v22+s10+$0x0], $0xffff  }
0x72: {  	v35 =	vor.u32 v2, v10;
	v22 =	vmul.f32 $8.000000000e+00, v23;
	v34 =	vld.idx.msk [tilespmem:v60+s10+$0x0], $0xffff;
	[tilespmem:s28+$0x40] =	vst v25  }
0x73: {  	v36 =	vor.u32 v2, v12;
	v23 =	vmul.f32 $8.000000000e+00, v31;
	[tilespmem:s28+$0xFFFFFF40] =	vst v30;
	v32 =	vld.idx.msk [tilespmem:v61+s10+$0x0], $0xffff  }
0x74: {  	s31 =	simm.s32 $0xE;
	v37 =	vor.u32 v6, v14;
	v31 =	vor.u32 v2, v9;
	v25 =	vmul.f32 $8.000000000e+00, v29;
	v21 =	vld.idx.msk [tilespmem:v21+s10+$0x0], $0xffff;
	[tilespmem:s29+$0xFFFFFFF0] =	vst v22  }
0x75: {  	v29 =	vmov s31;
	v20 =	vmul.f32 $8.000000000e+00, v20;
	v22 =	vld.idx.msk [tilespmem:v33+s10+$0x0], $0xffff;
	[tilespmem:s30+$0x90] =	vst v23;
	v23 =	vmul.f32 $8.000000000e+00, v18  }
0x76: {  	v18 =	vand.u32 $0x3E, v29;
	v30 =	vmul.f32 $8.000000000e+00, v28;
	[tilespmem:s30+$0xFFFFFF90] =	vst v25;
	v28 =	vor.u32 v6, v13;
	v29 =	vld.idx.msk [tilespmem:v27+s10+$0x0], $0xffff  }
0x77: {  	v25 =	vor.u32 v6, v11;
	v18 =	vbroadcast v18, $0x0;
	v27 =	vld.idx.msk [tilespmem:v35+s10+$0x0], $0xffff;
	[tilespmem:s30+$0x10] =	vst v20;
	v62 =	vmul.f32 $8.000000000e+00, v26  }
0x78: {  	[tilespmem:s30+$0xFFFFFF10] =	vst v30;
	v30 =	vld.idx.msk [tilespmem:v36+s10+$0x0], $0xffff;
	v63 =	vmul.f32 $8.000000000e+00, v34;
	v26 =	vor.u32 v6, v8  }
0x79: {  	v33 =	vor.u32 v0, v18;
	v31 =	vld.idx.msk [tilespmem:v31+s10+$0x0], $0xffff;
	v34 =	vmul.f32 $8.000000000e+00, v32;
	[tilespmem:s28+$0xD0] =	vst v62  }
0x7a: {  	s1 =	simm.s32 $0xF;
	s26 =	sshll.u32 s25, $0x2;
	s0 =	simm.s32 $0x10;
	v20 =	vmul.f32 $8.000000000e+00, v24;
	v24 =	vor.u32 v3, v15;
	v35 =	vmul.f32 $8.000000000e+00, v21;
	[tilespmem:s28+$0xFFFFFFD0] =	vst v63;
	v32 =	vld.idx.msk [tilespmem:v37+s10+$0x0], $0xffff  }
.LBB2_3:
0x7b: {  	p1 =	slt.u32 s0, $0x3C;
	v21 =	vmov s1;
	v36 =	vor.u32 v3, v10;
	v28 =	vld.idx.msk [tilespmem:v28+s10+$0x0], $0xffff;
	[tilespmem:s28+$0x50] =	vst v34  }
0x7c: {  	v34 =	vor.u32 v3, v12;
	v29 =	vmul.f32 $8.000000000e+00, v29;
	v21 =	vand.u32 $0x3F, v21;
	[tilespmem:s28+$0xFFFFFF50] =	vst v35;
	v25 =	vld.idx.msk [tilespmem:v25+s10+$0x0], $0xffff  }
0x7d: {  	v35 =	vor.u32 v3, v9;
	v27 =	vmul.f32 $8.000000000e+00, v27;
	v21 =	vbroadcast v21, $0x0;
	v26 =	vld.idx.msk [tilespmem:v26+s10+$0x0], $0xffff;
	[tilespmem:s29+$0x70] =	vst v23  }
0x7e: {  	v30 =	vmul.f32 $8.000000000e+00, v30;
	v23 =	vld.idx.msk [tilespmem:v33+s10+$0x0], $0xffff;
	[tilespmem:s30+$0xA0] =	vst v29;
	v29 =	vor.u32 v7, v14;
	v14 =	vmov v15  }
0x7f: {  	v31 =	vmul.f32 $8.000000000e+00, v31;
	v33 =	vor.u32 v0, v21;
	[tilespmem:s30+$0xFFFFFFA0] =	vst v27;
	v24 =	vld.idx.msk [tilespmem:v24+s10+$0x0], $0xffff;
	v15 =	vmov v21  }
0x80: {  	v27 =	vor.u32 v7, v13;
	v13 =	vmovc v10;
	v10 =	vmov v17;
	v21 =	vld.idx.msk [tilespmem:v36+s10+$0x0], $0xffff;
	[tilespmem:s30+$0x20] =	vst v30;
	v30 =	vmul.f32 $8.000000000e+00, v32  }
0x81: {  	v28 =	vmul.f32 $8.000000000e+00, v28;
	[tilespmem:s30+$0xFFFFFF20] =	vst v31;
	v17 =	vld.idx.msk [tilespmem:v34+s10+$0x0], $0xffff;
	v31 =	vor.u32 v7, v11;
	v11 =	vmovc v12;
	v12 =	vmov v18  }
0x82: {  	v32 =	vor.u32 v7, v8;
	v8 =	vmovc v9;
	v9 =	vmov v16;
	v25 =	vmul.f32 $8.000000000e+00, v25;
	v18 =	vld.idx.msk [tilespmem:v35+s10+$0x0], $0xffff;
	[tilespmem:s28+$0xE0] =	vst v30  }
0x83: {  	v16 =	vmov s0;
	v30 =	vor.u32 v4, v14;
	v26 =	vmul.f32 $8.000000000e+00, v26;
	[tilespmem:s28+$0xFFFFFFE0] =	vst v28;
	v28 =	vld.idx.msk [tilespmem:v29+s10+$0x0], $0xffff  }
0x84: {  	v16 =	vand.u32 $0x3C, v16;
	v29 =	vld.idx.msk [tilespmem:v33+s10+$0x0], $0xffff;
	v33 =	vor.u32 v4, v13;
	[tilespmem:s28+$0x60] =	vst v25  }
0x85: {  	v16 =	vbroadcast v16, $0x0;
	v25 =	vor.u32 v4, v11;
	v24 =	vmul.f32 $8.000000000e+00, v24;
	[tilespmem:s28+$0xFFFFFF60] =	vst v26;
	v26 =	vld.idx.msk [tilespmem:v27+s10+$0x0], $0xffff  }
0x86: {  	v27 =	vor.u32 v4, v8;
	v21 =	vmul.f32 $8.000000000e+00, v21;
	v31 =	vld.idx.msk [tilespmem:v31+s10+$0x0], $0xffff;
	[tilespmem:s29+$0xFFFFFF70] =	vst v20;
	s29 =	smov.u32 s28;
	s28 =	smov.u32 s30  }
0x87: {  	v20 =	vor.u32 v0, v16;
	v17 =	vmul.f32 $8.000000000e+00, v17;
	[tilespmem:s30+$0xB0] =	vst v24;
	v24 =	vld.idx.msk [tilespmem:v32+s10+$0x0], $0xffff  }
0x88: {  	s1 =	sadd.s32 $0x1, s0;
	v32 =	vor.u32 v1, v15;
	v18 =	vmul.f32 $8.000000000e+00, v18;
	[tilespmem:s30+$0xFFFFFFB0] =	vst v21;
	v21 =	vld.idx.msk [tilespmem:v30+s10+$0x0], $0xffff  }
0x89: {  	v34 =	vor.u32 v1, v10;
	v30 =	vmov s1;
	v33 =	vld.idx.msk [tilespmem:v33+s10+$0x0], $0xffff;
	[tilespmem:s30+$0x30] =	vst v17;
	v17 =	vmul.f32 $8.000000000e+00, v28  }
0x8a: {  	v28 =	vand.u32 $0x3D, v30;
	v30 =	vor.u32 v1, v12;
	v29 =	vmul.f32 $8.000000000e+00, v29;
	[tilespmem:s30+$0xFFFFFF30] =	vst v18;
	v18 =	vld.idx.msk [tilespmem:v25+s10+$0x0], $0xffff  }
0x8b: {  	v22 =	vmul.f32 $8.000000000e+00, v22;
	v25 =	vor.u32 v1, v9;
	s30 =	sadd.s32 $0x200, s30;
	v26 =	vmul.f32 $8.000000000e+00, v26;
	v27 =	vld.idx.msk [tilespmem:v27+s10+$0x0], $0xffff;
	[tilespmem:s29+$0xF0] =	vst v17  }
0x8c: {  	v36 =	vmul.f32 $8.000000000e+00, v23;
	v23 =	vmul.f32 $8.000000000e+00, v31;
	v35 =	vld.idx.msk [tilespmem:v20+s10+$0x0], $0xffff;
	[tilespmem:s30+$0x80] =	vst v29;
	v29 =	vor.u32 v5, v14  }
0x8d: {  	v19 =	vmul.f32 $8.000000000e+00, v19;
	v31 =	vor.u32 v5, v13;
	v20 =	vmul.f32 $8.000000000e+00, v24;
	[tilespmem:s30+$0xFFFFFF80] =	vst v22;
	v22 =	vld.idx.msk [tilespmem:v32+s10+$0x0], $0xffff  }
0x8e: {  	v17 =	vbroadcast v28, $0x0;
	v28 =	vor.u32 v5, v11;
	v21 =	vmul.f32 $8.000000000e+00, v21;
	v24 =	vld.idx.msk [tilespmem:v34+s10+$0x0], $0xffff;
	[tilespmem:s30+$0x0] =	vst v36  }
0x8f: {  	v32 =	vor.u32 v5, v8;
	v37 =	vmul.f32 $8.000000000e+00, v33;
	[tilespmem:s30+$0xFFFFFF00] =	vst v19;
	v30 =	vld.idx.msk [tilespmem:v30+s10+$0x0], $0xffff  }
0x90: {  	v33 =	vor.u32 v0, v17;
	v18 =	vmul.f32 $8.000000000e+00, v18;
	v25 =	vld.idx.msk [tilespmem:v25+s10+$0x0], $0xffff;
	[tilespmem:s28+$0xC0] =	vst v21  }
0x91: {  	v21 =	vor.u32 v2, v15;
	v27 =	vmul.f32 $8.000000000e+00, v27;
	[tilespmem:s28+$0xFFFFFFC0] =	vst v37;
	v34 =	vld.idx.msk [tilespmem:v29+s10+$0x0], $0xffff  }
0x92: {  	v36 =	vor.u32 v2, v10;
	v19 =	vmov v35;
	v31 =	vld.idx.msk [tilespmem:v31+s10+$0x0], $0xffff;
	[tilespmem:s28+$0x40] =	vst v18  }
0x93: {  	v35 =	vor.u32 v2, v12;
	v18 =	vmul.f32 $8.000000000e+00, v22;
	[tilespmem:s28+$0xFFFFFF40] =	vst v27;
	v37 =	vld.idx.msk [tilespmem:v28+s10+$0x0], $0xffff  }
0x94: {  	v38 =	vor.u32 v2, v9;
	s1 =	sadd.s32 $0x2, s0;
	v24 =	vmul.f32 $8.000000000e+00, v24;
	v32 =	vld.idx.msk [tilespmem:v32+s10+$0x0], $0xffff;
	[tilespmem:s29+$0xFFFFFFF0] =	vst v26  }
0x95: {  	v39 =	vor.u32 v6, v14;
	v26 =	vmov s1;
	v30 =	vmul.f32 $8.000000000e+00, v30;
	v22 =	vld.idx.msk [tilespmem:v33+s10+$0x0], $0xffff;
	[tilespmem:s30+$0x90] =	vst v18  }
.Ltmp2:
0x96: {  	v28 =	vor.u32 v6, v13;
	v18 =	vand.u32 $0x3E, v26;
	v26 =	vmul.f32 $8.000000000e+00, v25;
	[tilespmem:s30+$0xFFFFFF90] =	vst v24;
	v29 =	vld.idx.msk [tilespmem:v21+s10+$0x0], $0xffff;
	(pc) =	sbr.rel @p1 .LBB2_3-.Ltmp2, $4  }
0x97: {  	v25 =	vor.u32 v6, v11;
	v18 =	vbroadcast v18, $0x0;
	v21 =	vmul.f32 $8.000000000e+00, v34;
	v27 =	vld.idx.msk [tilespmem:v36+s10+$0x0], $0xffff;
	[tilespmem:s30+$0x10] =	vst v30  }
0x98: {  	v36 =	vmul.f32 $8.000000000e+00, v31;
	[tilespmem:s30+$0xFFFFFF10] =	vst v26;
	v30 =	vld.idx.msk [tilespmem:v35+s10+$0x0], $0xffff;
	v26 =	vor.u32 v6, v8  }
0x99: {  	v33 =	vor.u32 v0, v18;
	v34 =	vmul.f32 $8.000000000e+00, v37;
	v31 =	vld.idx.msk [tilespmem:v38+s10+$0x0], $0xffff;
	[tilespmem:s28+$0xD0] =	vst v21  }
0x9a: {  	s1 =	sadd.s32 $0x3, s0;
	s0 =	sadd.s32 $0x4, s0;
	v24 =	vor.u32 v3, v15;
	v35 =	vmul.f32 $8.000000000e+00, v32;
	[tilespmem:s28+$0xFFFFFFD0] =	vst v36;
	v32 =	vld.idx.msk [tilespmem:v39+s10+$0x0], $0xffff  }
0x9b: {  	v21 =	vmov s1  }
0x9c: {  	v21 =	vand.u32 $0x3F, v21  }
0x9d: {  	v21 =	vbroadcast v21, $0x0;
	_ =	sdelay $0x1  }
0x9e: {  	v36 =	vor.u32 v0, v21;
	_ =	sdelay $0x3  }
0x9f: {  	[tilespmem:s28+$0x50] =	vst v34  }
0xa0: {  	v29 =	vmul.f32 $8.000000000e+00, v29;
	[tilespmem:s29+$0x70] =	vst v23;
	v47 =	vld.idx.msk [tilespmem:v36+s10+$0x0], $0xffff  }
0xa1: {  	[tilespmem:s28+$0xFFFFFF50] =	vst v35;
	v27 =	vmul.f32 $8.000000000e+00, v27  }
0xa2: {  	v23 =	vld.idx.msk [tilespmem:v33+s10+$0x0], $0xffff;
	v30 =	vmul.f32 $8.000000000e+00, v30;
	[tilespmem:s30+$0xA0] =	vst v29  }
0xa3: {  	v29 =	vmul.f32 $8.000000000e+00, v31;
	[tilespmem:s30+$0xFFFFFFA0] =	vst v27;
	v27 =	vor.u32 v1, v21  }
0xa4: {  	v28 =	vld.idx.msk [tilespmem:v28+s10+$0x0], $0xffff;
	v31 =	vor.u32 v1, v17;
	[tilespmem:s30+$0x20] =	vst v30;
	v30 =	vmul.f32 $8.000000000e+00, v32  }
0xa5: {  	v25 =	vld.idx.msk [tilespmem:v25+s10+$0x0], $0xffff;
	[tilespmem:s30+$0xFFFFFF20] =	vst v29;
	v29 =	vor.u32 v1, v18;
	v48 =	vmul.f32 $8.000000000e+00, v47  }
0xa6: {  	v22 =	vmul.f32 $8.000000000e+00, v22;
	s1 =	sadd.s32 $0x200, s30;
	v26 =	vld.idx.msk [tilespmem:v26+s10+$0x0], $0xffff;
	[tilespmem:s28+$0xE0] =	vst v30;
	v30 =	vor.u32 v1, v16  }
0xa7: {  	v23 =	vmul.f32 $8.000000000e+00, v23;
	[tilespmem:s1+$0x80] =	vst v48  }
0xa8: {  	v49 =	vor.u32 v3, v10;
	v19 =	vmul.f32 $8.000000000e+00, v19;
	[tilespmem:s1+$0xFFFFFF80] =	vst v22;
	v22 =	vld.idx.msk [tilespmem:v27+s10+$0x0], $0xffff  }
0xa9: {  	v28 =	vmul.f32 $8.000000000e+00, v28;
	[tilespmem:s1+$0x0] =	vst v23;
	v31 =	vld.idx.msk [tilespmem:v31+s10+$0x0], $0xffff;
	v27 =	vor.u32 v3, v12  }
0xaa: {  	[tilespmem:s1+$0xFFFFFF00] =	vst v19;
	v25 =	vmul.f32 $8.000000000e+00, v25;
	v23 =	vor.u32 v3, v9;
	v19 =	vld.idx.msk [tilespmem:v29+s10+$0x0], $0xffff  }
0xab: {  	v26 =	vmul.f32 $8.000000000e+00, v26;
	[tilespmem:s28+$0xFFFFFFE0] =	vst v28;
	v29 =	vor.u32 v2, v21;
	v28 =	vld.idx.msk [tilespmem:v30+s10+$0x0], $0xffff  }
0xac: {  	v24 =	vld.idx.msk [tilespmem:v24+s10+$0x0], $0xffff;
	[tilespmem:s28+$0x60] =	vst v25;
	v25 =	vor.u32 v2, v17  }
0xad: {  	[tilespmem:s28+$0xFFFFFF60] =	vst v26;
	v26 =	vor.u32 v2, v18;
	v30 =	vld.idx.msk [tilespmem:v49+s10+$0x0], $0xffff;
	v22 =	vmul.f32 $8.000000000e+00, v22  }
0xae: {  	[tilespmem:s29+$0xFFFFFF70] =	vst v20;
	v20 =	vor.u32 v2, v16;
	v31 =	vmul.f32 $8.000000000e+00, v31;
	v27 =	vld.idx.msk [tilespmem:v27+s10+$0x0], $0xffff  }
0xaf: {  	v14 =	vor.u32 v7, v14;
	v23 =	vld.idx.msk [tilespmem:v23+s10+$0x0], $0xffff;
	v19 =	vmul.f32 $8.000000000e+00, v19;
	[tilespmem:s1+$0x90] =	vst v22  }
0xb0: {  	[tilespmem:s1+$0xFFFFFF90] =	vst v31;
	v28 =	vmul.f32 $8.000000000e+00, v28;
	v22 =	vor.u32 v4, v15;
	v29 =	vld.idx.msk [tilespmem:v29+s10+$0x0], $0xffff  }
0xb1: {  	v24 =	vmul.f32 $8.000000000e+00, v24;
	v31 =	vor.u32 v4, v10;
	v25 =	vld.idx.msk [tilespmem:v25+s10+$0x0], $0xffff;
	[tilespmem:s1+$0x10] =	vst v19  }
0xb2: {  	v30 =	vmul.f32 $8.000000000e+00, v30;
	v19 =	vor.u32 v4, v12;
	[tilespmem:s1+$0xFFFFFF10] =	vst v28;
	v26 =	vld.idx.msk [tilespmem:v26+s10+$0x0], $0xffff  }
0xb3: {  	[tilespmem:s30+$0xB0] =	vst v24;
	v24 =	vor.u32 v3, v21;
	v20 =	vld.idx.msk [tilespmem:v20+s10+$0x0], $0xffff;
	v27 =	vmul.f32 $8.000000000e+00, v27  }
0xb4: {  	v14 =	vld.idx.msk [tilespmem:v14+s10+$0x0], $0xffff;
	v23 =	vmul.f32 $8.000000000e+00, v23;
	[tilespmem:s30+$0xFFFFFFB0] =	vst v30;
	v28 =	vor.u32 v3, v17  }
0xb5: {  	v22 =	vld.idx.msk [tilespmem:v22+s10+$0x0], $0xffff;
	[tilespmem:s30+$0x30] =	vst v27;
	v27 =	vor.u32 v3, v18;
	v29 =	vmul.f32 $8.000000000e+00, v29  }
0xb6: {  	[tilespmem:s30+$0xFFFFFF30] =	vst v23;
	v23 =	vor.u32 v3, v16;
	v30 =	vld.idx.msk [tilespmem:v31+s10+$0x0], $0xffff;
	v25 =	vmul.f32 $8.000000000e+00, v25  }
0xb7: {  	v13 =	vor.u32 v7, v13;
	v26 =	vmul.f32 $8.000000000e+00, v26;
	v19 =	vld.idx.msk [tilespmem:v19+s10+$0x0], $0xffff;
	[tilespmem:s1+$0xA0] =	vst v29  }
0xb8: {  	v31 =	vor.u32 v4, v9;
	[tilespmem:s1+$0xFFFFFFA0] =	vst v25;
	v20 =	vmul.f32 $8.000000000e+00, v20;
	v24 =	vld.idx.msk [tilespmem:v24+s10+$0x0], $0xffff  }
0xb9: {  	v14 =	vmul.f32 $8.000000000e+00, v14;
	v25 =	vor.u32 v5, v15;
	v28 =	vld.idx.msk [tilespmem:v28+s10+$0x0], $0xffff;
	[tilespmem:s1+$0x20] =	vst v26  }
0xba: {  	v26 =	vor.u32 v5, v10;
	[tilespmem:s1+$0xFFFFFF20] =	vst v20;
	v22 =	vmul.f32 $8.000000000e+00, v22;
	v20 =	vld.idx.msk [tilespmem:v27+s10+$0x0], $0xffff  }
0xbb: {  	[tilespmem:s28+$0xF0] =	vst v14;
	v14 =	vmul.f32 $8.000000000e+00, v30;
	v23 =	vld.idx.msk [tilespmem:v23+s10+$0x0], $0xffff;
	v27 =	vor.u32 v4, v21  }
0xbc: {  	v13 =	vld.idx.msk [tilespmem:v13+s10+$0x0], $0xffff;
	v19 =	vmul.f32 $8.000000000e+00, v19;
	[tilespmem:s30+$0xC0] =	vst v22;
	v22 =	vor.u32 v4, v17  }
0xbd: {  	[tilespmem:s30+$0xFFFFFFC0] =	vst v14;
	v14 =	vor.u32 v4, v18;
	v29 =	vld.idx.msk [tilespmem:v31+s10+$0x0], $0xffff;
	v24 =	vmul.f32 $8.000000000e+00, v24  }
0xbe: {  	v28 =	vmul.f32 $8.000000000e+00, v28;
	v25 =	vld.idx.msk [tilespmem:v25+s10+$0x0], $0xffff;
	[tilespmem:s30+$0x40] =	vst v19;
	v19 =	vor.u32 v4, v16  }
0xbf: {  	v30 =	vor.u32 v5, v12;
	v26 =	vld.idx.msk [tilespmem:v26+s10+$0x0], $0xffff;
	v20 =	vmul.f32 $8.000000000e+00, v20;
	[tilespmem:s1+$0xB0] =	vst v24  }
0xc0: {  	[tilespmem:s1+$0xFFFFFFB0] =	vst v28;
	v23 =	vmul.f32 $8.000000000e+00, v23;
	v24 =	vor.u32 v5, v9;
	v27 =	vld.idx.msk [tilespmem:v27+s10+$0x0], $0xffff  }
0xc1: {  	v11 =	vor.u32 v7, v11;
	v13 =	vmul.f32 $8.000000000e+00, v13;
	v22 =	vld.idx.msk [tilespmem:v22+s10+$0x0], $0xffff;
	[tilespmem:s1+$0x30] =	vst v20  }
0xc2: {  	[tilespmem:s1+$0xFFFFFF30] =	vst v23;
	v28 =	vmul.f32 $8.000000000e+00, v29;
	v20 =	vor.u32 v6, v15;
	v14 =	vld.idx.msk [tilespmem:v14+s10+$0x0], $0xffff  }
0xc3: {  	[tilespmem:s28+$0xFFFFFFF0] =	vst v13;
	v23 =	vmul.f32 $8.000000000e+00, v25;
	v19 =	vld.idx.msk [tilespmem:v19+s10+$0x0], $0xffff;
	v25 =	vor.u32 v5, v21  }
0xc4: {  	v13 =	vmul.f32 $8.000000000e+00, v26;
	v26 =	vor.u32 v5, v17;
	[tilespmem:s30+$0xFFFFFF40] =	vst v28;
	v28 =	vld.idx.msk [tilespmem:v30+s10+$0x0], $0xffff  }
0xc5: {  	[tilespmem:s30+$0xD0] =	vst v23;
	v23 =	vor.u32 v5, v18;
	v24 =	vld.idx.msk [tilespmem:v24+s10+$0x0], $0xffff;
	v27 =	vmul.f32 $8.000000000e+00, v27  }
0xc6: {  	v11 =	vld.idx.msk [tilespmem:v11+s10+$0x0], $0xffff;
	[tilespmem:s30+$0xFFFFFFD0] =	vst v13;
	v13 =	vor.u32 v5, v16;
	v22 =	vmul.f32 $8.000000000e+00, v22  }
0xc7: {  	v29 =	vor.u32 v6, v10;
	v20 =	vld.idx.msk [tilespmem:v20+s10+$0x0], $0xffff;
	v14 =	vmul.f32 $8.000000000e+00, v14;
	[tilespmem:s1+$0xC0] =	vst v27  }
0xc8: {  	v19 =	vmul.f32 $8.000000000e+00, v19;
	v27 =	vor.u32 v6, v12;
	[tilespmem:s1+$0xFFFFFFC0] =	vst v22;
	v22 =	vld.idx.msk [tilespmem:v25+s10+$0x0], $0xffff  }
0xc9: {  	v28 =	vmul.f32 $8.000000000e+00, v28;
	v25 =	vor.u32 v6, v9;
	v26 =	vld.idx.msk [tilespmem:v26+s10+$0x0], $0xffff;
	[tilespmem:s1+$0x40] =	vst v14  }
0xca: {  	v8 =	vor.u32 v7, v8;
	[tilespmem:s1+$0xFFFFFF40] =	vst v19;
	v14 =	vmul.f32 $8.000000000e+00, v24;
	v19 =	vld.idx.msk [tilespmem:v23+s10+$0x0], $0xffff  }
0xcb: {  	v11 =	vmul.f32 $8.000000000e+00, v11;
	[tilespmem:s30+$0x50] =	vst v28;
	v13 =	vld.idx.msk [tilespmem:v13+s10+$0x0], $0xffff;
	v23 =	vor.u32 v6, v21  }
0xcc: {  	v24 =	vld.idx.msk [tilespmem:v29+s10+$0x0], $0xffff;
	[tilespmem:s30+$0xFFFFFF50] =	vst v14;
	v14 =	vmul.f32 $8.000000000e+00, v20;
	v20 =	vor.u32 v6, v17  }
0xcd: {  	[tilespmem:s28+$0x70] =	vst v11;
	v11 =	vor.u32 v6, v18;
	v27 =	vld.idx.msk [tilespmem:v27+s10+$0x0], $0xffff;
	v22 =	vmul.f32 $8.000000000e+00, v22  }
0xce: {  	v25 =	vld.idx.msk [tilespmem:v25+s10+$0x0], $0xffff;
	[tilespmem:s30+$0xE0] =	vst v14;
	v14 =	vor.u32 v6, v16;
	v26 =	vmul.f32 $8.000000000e+00, v26  }
0xcf: {  	v8 =	vld.idx.msk [tilespmem:v8+s10+$0x0], $0xffff;
	v15 =	vor.u32 v7, v15;
	v19 =	vmul.f32 $8.000000000e+00, v19;
	[tilespmem:s1+$0xD0] =	vst v22  }
0xd0: {  	v10 =	vor.u32 v7, v10;
	v13 =	vmul.f32 $8.000000000e+00, v13;
	[tilespmem:s1+$0xFFFFFFD0] =	vst v26;
	v22 =	vld.idx.msk [tilespmem:v23+s10+$0x0], $0xffff  }
0xd1: {  	v12 =	vor.u32 v7, v12;
	v23 =	vmul.f32 $8.000000000e+00, v24;
	v20 =	vld.idx.msk [tilespmem:v20+s10+$0x0], $0xffff;
	[tilespmem:s1+$0x50] =	vst v19  }
0xd2: {  	v9 =	vor.u32 v7, v9;
	[tilespmem:s1+$0xFFFFFF50] =	vst v13;
	v19 =	vmul.f32 $8.000000000e+00, v27;
	v11 =	vld.idx.msk [tilespmem:v11+s10+$0x0], $0xffff  }
0xd3: {  	v21 =	vor.u32 v7, v21;
	v13 =	vmul.f32 $8.000000000e+00, v25;
	[tilespmem:s30+$0xFFFFFFE0] =	vst v23;
	v14 =	vld.idx.msk [tilespmem:v14+s10+$0x0], $0xffff  }
0xd4: {  	v8 =	vmul.f32 $8.000000000e+00, v8;
	v17 =	vor.u32 v7, v17;
	v15 =	vld.idx.msk [tilespmem:v15+s10+$0x0], $0xffff;
	[tilespmem:s30+$0x60] =	vst v19  }
0xd5: {  	v18 =	vor.u32 v7, v18;
	v10 =	vld.idx.msk [tilespmem:v10+s10+$0x0], $0xffff;
	[tilespmem:s30+$0xFFFFFF60] =	vst v13;
	v13 =	vmul.f32 $8.000000000e+00, v22  }
0xd6: {  	[tilespmem:s28+$0xFFFFFF70] =	vst v8;
	v16 =	vor.u32 v7, v16;
	v12 =	vld.idx.msk [tilespmem:v12+s10+$0x0], $0xffff;
	v8 =	vmul.f32 $8.000000000e+00, v20  }
0xd7: {  	s0 =	sadd.s32 s5, s26;
	v9 =	vld.idx.msk [tilespmem:v9+s10+$0x0], $0xffff;
	v11 =	vmul.f32 $8.000000000e+00, v11;
	[tilespmem:s1+$0xE0] =	vst v13  }
0xd8: {  	s3 =	sand.u32 $0xFC, s0;
	s28 =	sand.u32 $0x1, s25;
	v13 =	vmul.f32 $8.000000000e+00, v14;
	[tilespmem:s1+$0xFFFFFFE0] =	vst v8;
	v8 =	vld.idx.msk [tilespmem:v21+s10+$0x0], $0xffff  }
0xd9: {  	p1 =	seq.s32 s3, $0x0;
	p2 =	seq.s32 s28, $0x1;
	v14 =	vmul.f32 $8.000000000e+00, v15;
	[tilespmem:s1+$0x60] =	vst v11;
	v11 =	vld.idx.msk [tilespmem:v17+s10+$0x0], $0xffff  }
0xda: {  	p1 =	por !p1, !p2;
	v10 =	vmul.f32 $8.000000000e+00, v10;
	[tilespmem:s1+$0xFFFFFF60] =	vst v13;
	v13 =	vld.idx.msk [tilespmem:v18+s10+$0x0], $0xffff  }
0xdb: {  	s28 =	simm.s32 $0x1;
	p1 =	por !p1, !p1;
	[tilespmem:s30+$0xF0] =	vst v14;
	v12 =	vmul.f32 $8.000000000e+00, v12;
	v14 =	vld.idx.msk [tilespmem:v16+s10+$0x0], $0xffff  }
0xdc: {  	s0 =	sshll.u32 s0, $0xD;
	s29 =	sshrl.u32 s3, $0x3;
	s28 =	simm.s32 @!p1 $0x0;
	v9 =	vmul.f32 $8.000000000e+00, v9;
	[tilespmem:s30+$0xFFFFFFF0] =	vst v10  }
0xdd: {  	s0 =	sand.u32 $0x7FE00000, s0;
	s3 =	sshll.u32 s3, $0x12;
	s28 =	ssub.s32 s29, s28;
	[tilespmem:s30+$0x70] =	vst v12;
	v8 =	vmul.f32 $8.000000000e+00, v8  }
0xde: {  	s0 =	sadd.s32 s3, s0;
	s3 =	sshll.u32 s28, $0x15;
	[tilespmem:s30+$0xFFFFFF70] =	vst v9;
	v9 =	vmul.f32 $8.000000000e+00, v11  }
0xdf: {  	s28 =	sshll.u32 s28, $0xA;
	s0 =	ssub.s32 s0, s3;
	[tilespmem:s1+$0xF0] =	vst v8;
	v8 =	vmul.f32 $8.000000000e+00, v13  }
0xe0: {  	s0 =	sadd.s32 s28, s0;
	v10 =	vmul.f32 $8.000000000e+00, v14;
	[tilespmem:s1+$0xFFFFFFF0] =	vst v9  }
0xe1: {  	s28 =	sor.u32 $0x2, s26;
	s0 =	sshrl.u32 s0, $0x3;
	[tilespmem:s1+$0x70] =	vst v8  }
0xe2: {  	s3 =	sshll.u32 s28, $0x7;
	s0 =	sadd.s32 s2, s0;
	[tilespmem:s1+$0xFFFFFF70] =	vst v10;
	s1 =	simm.s32 $0x3  }
0xe3: {  	[hbm4b:s0+s13] =	stream.strided.scatter [tilespmem:s15], [sflag:$0x5], $0x2000, s14, s13, $0x38;
	[tilespmem:$0x12400] =	vst v63  }
0xe4: {  	s0 =	sand.u32 $0x3FFFFF80, s3;
	s3 =	simm.s32 $0x1;
	v8 =	vmov s1  }
0xe5: {  	s1 =	simm.s32 $0x2;
	v9 =	vmov s3;
	v8 =	vand.u32 $0x3F, v8;
	s3 =	simm.s32 $0x0  }
0xe6: {  	v10 =	vmov s1;
	[tilespmem:s16], [sflag:$0x3] =	stream.indirect.gather [hbm4b:s4+s9], $0x40, s0, s9, $0xb8;
	v9 =	vand.u32 $0x3D, v9;
	v19 =	vbroadcast v8, $0x0;
	[tilespmem:$0x12400] =	vst v63  }
0xe7: {  	v8 =	vmov s3;
	_ =	swait.ge [sflag:s17], $0x2000;
	v17 =	vbroadcast v9, $0x0;
	v9 =	vand.u32 $0x3E, v10  }
0xe8: {  	v8 =	vand.u32 $0x3C, v8;
	[sflag:s17] =	ssyncset.done $0x0;
	v18 =	vbroadcast v9, $0x0;
	v9 =	vor.u32 v0, v19  }
0xe9: {  	s0 =	simm.s32 @!p0 $0x6;
	v16 =	vbroadcast v8, $0x0;
	[sflag:s17] =	ssyncadd.s32 $0xFFFFE000;
	v8 =	vor.u32 v0, v17  }
0xea: {  	_ =	swait.ge @!p0 [sflag:s0], $0x2000;
	v10 =	vor.u32 v0, v18  }
0xeb: {  	v11 =	vor.u32 v0, v16;
	[sflag:s0] =	ssyncset.done @!p0 $0x0  }
0xec: {  	[sflag:s0] =	ssyncadd.s32 @!p0 $0xFFFFE000  }
0xed: {  	v9 =	vld.idx.msk [tilespmem:v9+s11+$0x0], $0xffff  }
0xee: {  	v8 =	vld.idx.msk [tilespmem:v8+s11+$0x0], $0xffff  }
0xef: {  	v10 =	vld.idx.msk [tilespmem:v10+s11+$0x0], $0xffff  }
0xf0: {  	v12 =	vor.u32 v1, v19;
	v11 =	vld.idx.msk [tilespmem:v11+s11+$0x0], $0xffff  }
0xf1: {  	v13 =	vor.u32 v1, v17  }
0xf2: {  	v14 =	vor.u32 v1, v18;
	v9 =	vmul.f32 $8.000000000e+00, v9  }
0xf3: {  	s30 =	simm.s32 $0x10500;
	v15 =	vor.u32 v1, v16;
	v8 =	vmul.f32 $8.000000000e+00, v8  }
0xf4: {  	v10 =	vmul.f32 $8.000000000e+00, v10;
	[tilespmem:s30+$0x80] =	vst v9  }
0xf5: {  	v9 =	vmul.f32 $8.000000000e+00, v11;
	[tilespmem:s30+$0xFFFFFF80] =	vst v8;
	v8 =	vld.idx.msk [tilespmem:v12+s11+$0x0], $0xffff  }
0xf6: {  	v11 =	vld.idx.msk [tilespmem:v13+s11+$0x0], $0xffff;
	[tilespmem:s30+$0x0] =	vst v10  }
0xf7: {  	[tilespmem:s30+$0xFFFFFF00] =	vst v9;
	v9 =	vld.idx.msk [tilespmem:v14+s11+$0x0], $0xffff  }
0xf8: {  	v12 =	vor.u32 v2, v19;
	v10 =	vld.idx.msk [tilespmem:v15+s11+$0x0], $0xffff  }
0xf9: {  	v13 =	vor.u32 v2, v17  }
0xfa: {  	v14 =	vor.u32 v2, v18;
	v8 =	vmul.f32 $8.000000000e+00, v8  }
0xfb: {  	v15 =	vor.u32 v2, v16;
	v11 =	vmul.f32 $8.000000000e+00, v11  }
0xfc: {  	v9 =	vmul.f32 $8.000000000e+00, v9;
	[tilespmem:s30+$0x90] =	vst v8  }
0xfd: {  	s1 =	simm.s32 $0x4;
	v10 =	vmul.f32 $8.000000000e+00, v10;
	[tilespmem:s30+$0xFFFFFF90] =	vst v11;
	v11 =	vld.idx.msk [tilespmem:v12+s11+$0x0], $0xffff  }
0xfe: {  	v20 =	vmov s1;
	s1 =	simm.s32 $0x6;
	v12 =	vld.idx.msk [tilespmem:v13+s11+$0x0], $0xffff;
	[tilespmem:s30+$0x10] =	vst v9  }
0xff: {  	s3 =	simm.s32 $0x5;
	v22 =	vmov s1;
	v21 =	vor.u32 v3, v19;
	v8 =	vand.u32 $0x3C, v20;
	[tilespmem:s30+$0xFFFFFF10] =	vst v10;
	v10 =	vld.idx.msk [tilespmem:v14+s11+$0x0], $0xffff  }
0x100: {  	v23 =	vor.u32 v3, v17;
	v8 =	vbroadcast v8, $0x0;
	v9 =	vmov s3;
	s3 =	simm.s32 $0x7;
	v15 =	vld.idx.msk [tilespmem:v15+s11+$0x0], $0xffff  }
0x101: {  	v24 =	vor.u32 v3, v18;
	v25 =	vor.u32 v3, v16;
	v13 =	vmov s3  }
0x102: {  	v20 =	vor.u32 v0, v8;
	v13 =	vand.u32 $0x3F, v13;
	v11 =	vmul.f32 $8.000000000e+00, v11  }
0x103: {  	v9 =	vand.u32 $0x3D, v9;
	v14 =	vbroadcast v13, $0x0;
	v12 =	vmul.f32 $8.000000000e+00, v12  }
0x104: {  	v13 =	vbroadcast v9, $0x0;
	v9 =	vand.u32 $0x3E, v22;
	v10 =	vmul.f32 $8.000000000e+00, v10;
	[tilespmem:s30+$0xA0] =	vst v11  }
0x105: {  	v11 =	vbroadcast v9, $0x0;
	v9 =	vor.u32 v0, v14;
	v15 =	vmul.f32 $8.000000000e+00, v15;
	[tilespmem:s30+$0xFFFFFFA0] =	vst v12;
	v12 =	vld.idx.msk [tilespmem:v21+s11+$0x0], $0xffff  }
0x106: {  	v21 =	vor.u32 v0, v13;
	v22 =	vld.idx.msk [tilespmem:v23+s11+$0x0], $0xffff;
	[tilespmem:s30+$0x20] =	vst v10  }
0x107: {  	s3 =	simm.s32 $0x8;
	v10 =	vor.u32 v0, v11;
	[tilespmem:s30+$0xFFFFFF20] =	vst v15;
	v15 =	vld.idx.msk [tilespmem:v24+s11+$0x0], $0xffff  }
0x108: {  	v23 =	vld.idx.msk [tilespmem:v25+s11+$0x0], $0xffff;
	v24 =	vmov s3;
	v25 =	vor.u32 v4, v19  }
0x109: {  	v26 =	vld.idx.msk [tilespmem:v20+s11+$0x0], $0xffff;
	v20 =	vand.u32 $0x3C, v24;
	v24 =	vor.u32 v4, v17  }
0x10a: {  	v27 =	vld.idx.msk [tilespmem:v9+s11+$0x0], $0xffff;
	v9 =	vbroadcast v20, $0x0;
	v20 =	vor.u32 v4, v18;
	v12 =	vmul.f32 $8.000000000e+00, v12  }
0x10b: {  	v28 =	vor.u32 v4, v16;
	v21 =	vld.idx.msk [tilespmem:v21+s11+$0x0], $0xffff;
	v22 =	vmul.f32 $8.000000000e+00, v22  }
0x10c: {  	v10 =	vld.idx.msk [tilespmem:v10+s11+$0x0], $0xffff;
	v29 =	vor.u32 v0, v9;
	v15 =	vmul.f32 $8.000000000e+00, v15;
	[tilespmem:s30+$0xB0] =	vst v12  }
0x10d: {  	v30 =	vor.u32 v1, v8;
	v23 =	vmul.f32 $8.000000000e+00, v23;
	[tilespmem:s30+$0xFFFFFFB0] =	vst v22;
	v22 =	vld.idx.msk [tilespmem:v25+s11+$0x0], $0xffff  }
0x10e: {  	v26 =	vmul.f32 $8.000000000e+00, v26;
	v12 =	vor.u32 v1, v14;
	v24 =	vld.idx.msk [tilespmem:v24+s11+$0x0], $0xffff;
	[tilespmem:s30+$0x30] =	vst v15  }
0x10f: {  	s29 =	simm.s32 $0x10700;
	v25 =	vor.u32 v1, v13;
	v27 =	vmul.f32 $8.000000000e+00, v27;
	[tilespmem:s30+$0xFFFFFF30] =	vst v23;
	v23 =	vld.idx.msk [tilespmem:v20+s11+$0x0], $0xffff  }
0x110: {  	s1 =	simm.s32 $0x9;
	[tilespmem:s29+$0xFFFFFF00] =	vst v26;
	v15 =	vor.u32 v1, v11;
	v21 =	vmul.f32 $8.000000000e+00, v21;
	v28 =	vld.idx.msk [tilespmem:v28+s11+$0x0], $0xffff  }
0x111: {  	v31 =	vmov s1;
	v20 =	vld.idx.msk [tilespmem:v29+s11+$0x0], $0xffff;
	v29 =	vmul.f32 $8.000000000e+00, v10;
	[tilespmem:s29+$0x80] =	vst v27;
	v27 =	vor.u32 v5, v19  }
0x112: {  	v30 =	vld.idx.msk [tilespmem:v30+s11+$0x0], $0xffff;
	v10 =	vand.u32 $0x3D, v31;
	[tilespmem:s29+$0xFFFFFF80] =	vst v21;
	v21 =	vor.u32 v5, v17  }
0x113: {  	v12 =	vld.idx.msk [tilespmem:v12+s11+$0x0], $0xffff;
	v10 =	vbroadcast v10, $0x0;
	[tilespmem:s29+$0x0] =	vst v29;
	v29 =	vor.u32 v5, v18;
	v22 =	vmul.f32 $8.000000000e+00, v22  }
0x114: {  	v26 =	vor.u32 v5, v16;
	v25 =	vld.idx.msk [tilespmem:v25+s11+$0x0], $0xffff;
	v24 =	vmul.f32 $8.000000000e+00, v24  }
0x115: {  	v15 =	vld.idx.msk [tilespmem:v15+s11+$0x0], $0xffff;
	v31 =	vor.u32 v0, v10;
	v23 =	vmul.f32 $8.000000000e+00, v23;
	[tilespmem:s30+$0xC0] =	vst v22  }
0x116: {  	v22 =	vor.u32 v2, v14;
	v28 =	vmul.f32 $8.000000000e+00, v28;
	[tilespmem:s30+$0xFFFFFFC0] =	vst v24;
	v24 =	vld.idx.msk [tilespmem:v27+s11+$0x0], $0xffff  }
0x117: {  	v27 =	vor.u32 v2, v13;
	v21 =	vld.idx.msk [tilespmem:v21+s11+$0x0], $0xffff;
	[tilespmem:s30+$0x40] =	vst v23  }
0x118: {  	v23 =	vor.u32 v2, v11;
	v12 =	vmul.f32 $8.000000000e+00, v12;
	[tilespmem:s30+$0xFFFFFF40] =	vst v28;
	v28 =	vld.idx.msk [tilespmem:v29+s11+$0x0], $0xffff  }
0x119: {  	s3 =	simm.s32 $0xA;
	v29 =	vor.u32 v2, v8;
	v25 =	vmul.f32 $8.000000000e+00, v25;
	v26 =	vld.idx.msk [tilespmem:v26+s11+$0x0], $0xffff  }
0x11a: {  	v51 =	vor.u32 v6, v19;
	v50 =	vmov s3;
	v31 =	vld.idx.msk [tilespmem:v31+s11+$0x0], $0xffff;
	v15 =	vmul.f32 $8.000000000e+00, v15;
	[tilespmem:s29+$0x90] =	vst v12  }
0x11b: {  	v30 =	vmul.f32 $8.000000000e+00, v30;
	v12 =	vand.u32 $0x3E, v50;
	[tilespmem:s29+$0xFFFFFF90] =	vst v25;
	v22 =	vld.idx.msk [tilespmem:v22+s11+$0x0], $0xffff;
	v25 =	vor.u32 v6, v17  }
0x11c: {  	v12 =	vbroadcast v12, $0x0;
	v27 =	vld.idx.msk [tilespmem:v27+s11+$0x0], $0xffff;
	[tilespmem:s29+$0x10] =	vst v15;
	v15 =	vor.u32 v6, v18;
	v24 =	vmul.f32 $8.000000000e+00, v24  }
0x11d: {  	[tilespmem:s29+$0xFFFFFF10] =	vst v30;
	v30 =	vor.u32 v6, v16;
	v23 =	vld.idx.msk [tilespmem:v23+s11+$0x0], $0xffff;
	v21 =	vmul.f32 $8.000000000e+00, v21  }
0x11e: {  	v52 =	vor.u32 v0, v12;
	v29 =	vld.idx.msk [tilespmem:v29+s11+$0x0], $0xffff;
	v28 =	vmul.f32 $8.000000000e+00, v28;
	[tilespmem:s30+$0xD0] =	vst v24  }
0x11f: {  	s1 =	simm.s32 $0xB;
	v24 =	vor.u32 v3, v14;
	v26 =	vmul.f32 $8.000000000e+00, v26;
	[tilespmem:s30+$0xFFFFFFD0] =	vst v21;
	v21 =	vld.idx.msk [tilespmem:v51+s11+$0x0], $0xffff  }
0x120: {  	v53 =	vmov s1;
	v54 =	vor.u32 v3, v13;
	v25 =	vld.idx.msk [tilespmem:v25+s11+$0x0], $0xffff;
	[tilespmem:s30+$0x50] =	vst v28  }
0x121: {  	v55 =	vor.u32 v3, v11;
	v28 =	vand.u32 $0x3F, v53;
	v22 =	vmul.f32 $8.000000000e+00, v22;
	[tilespmem:s30+$0xFFFFFF50] =	vst v26;
	v26 =	vld.idx.msk [tilespmem:v15+s11+$0x0], $0xffff  }
0x122: {  	v15 =	vbroadcast v28, $0x0;
	v28 =	vor.u32 v3, v8;
	v27 =	vmul.f32 $8.000000000e+00, v27;
	v30 =	vld.idx.msk [tilespmem:v30+s11+$0x0], $0xffff  }
0x123: {  	v19 =	vor.u32 v7, v19;
	v32 =	vld.idx.msk [tilespmem:v52+s11+$0x0], $0xffff;
	v23 =	vmul.f32 $8.000000000e+00, v23;
	[tilespmem:s29+$0xA0] =	vst v22  }
0x124: {  	v22 =	vor.u32 v0, v15;
	v29 =	vmul.f32 $8.000000000e+00, v29;
	[tilespmem:s29+$0xFFFFFFA0] =	vst v27;
	v24 =	vld.idx.msk [tilespmem:v24+s11+$0x0], $0xffff  }
0x125: {  	v17 =	vor.u32 v7, v17;
	v27 =	vld.idx.msk [tilespmem:v54+s11+$0x0], $0xffff;
	[tilespmem:s29+$0x20] =	vst v23;
	v21 =	vmul.f32 $8.000000000e+00, v21  }
0x126: {  	v18 =	vor.u32 v7, v18;
	[tilespmem:s29+$0xFFFFFF20] =	vst v29;
	v23 =	vld.idx.msk [tilespmem:v55+s11+$0x0], $0xffff  }
0x127: {  	s3 =	simm.s32 $0xC;
	v25 =	vmul.f32 $8.000000000e+00, v25;
	v29 =	vor.u32 v7, v16;
	v28 =	vld.idx.msk [tilespmem:v28+s11+$0x0], $0xffff;
	[tilespmem:s30+$0xE0] =	vst v21  }
0x128: {  	v16 =	vmul.f32 $8.000000000e+00, v26;
	v21 =	vmov s3;
	v26 =	vor.u32 v4, v14;
	v19 =	vld.idx.msk [tilespmem:v19+s11+$0x0], $0xffff  }
0x129: {  	v30 =	vmul.f32 $8.000000000e+00, v30;
	[tilespmem:s30+$0xFFFFFFE0] =	vst v25;
	v21 =	vand.u32 $0x3C, v21;
	v25 =	vor.u32 v4, v13;
	v22 =	vld.idx.msk [tilespmem:v22+s11+$0x0], $0xffff  }
0x12a: {  	[tilespmem:s30+$0x60] =	vst v16;
	v16 =	vbroadcast v21, $0x0;
	v21 =	vor.u32 v4, v11;
	v24 =	vmul.f32 $8.000000000e+00, v24;
	v56 =	vld.idx.msk [tilespmem:v17+s11+$0x0], $0xffff  }
0x12b: {  	[tilespmem:s30+$0xFFFFFF60] =	vst v30;
	v17 =	vor.u32 v4, v8;
	v27 =	vmul.f32 $8.000000000e+00, v27;
	v18 =	vld.idx.msk [tilespmem:v18+s11+$0x0], $0xffff  }
0x12c: {  	v30 =	vor.u32 v0, v16;
	v23 =	vmul.f32 $8.000000000e+00, v23;
	[tilespmem:s29+$0xB0] =	vst v24;
	v24 =	vld.idx.msk [tilespmem:v29+s11+$0x0], $0xffff  }
0x12d: {  	v29 =	vor.u32 v1, v15;
	v28 =	vmul.f32 $8.000000000e+00, v28;
	[tilespmem:s29+$0xFFFFFFB0] =	vst v27;
	v26 =	vld.idx.msk [tilespmem:v26+s11+$0x0], $0xffff  }
0x12e: {  	v27 =	vor.u32 v1, v10;
	v25 =	vld.idx.msk [tilespmem:v25+s11+$0x0], $0xffff;
	[tilespmem:s29+$0x30] =	vst v23;
	v19 =	vmul.f32 $8.000000000e+00, v19  }
0x12f: {  	v23 =	vor.u32 v1, v12;
	v22 =	vmul.f32 $8.000000000e+00, v22;
	[tilespmem:s29+$0xFFFFFF30] =	vst v28;
	v21 =	vld.idx.msk [tilespmem:v21+s11+$0x0], $0xffff  }
0x130: {  	s31 =	simm.s32 $0x10900;
	s1 =	simm.s32 $0xD;
	v31 =	vmul.f32 $8.000000000e+00, v31;
	v28 =	vor.u32 v1, v9;
	v57 =	vld.idx.msk [tilespmem:v17+s11+$0x0], $0xffff;
	[tilespmem:s30+$0xF0] =	vst v19  }
0x131: {  	v17 =	vmov s1;
	v19 =	vld.idx.msk [tilespmem:v30+s11+$0x0], $0xffff;
	v30 =	vmul.f32 $8.000000000e+00, v32;
	[tilespmem:s31+$0x80] =	vst v22;
	v22 =	vor.u32 v5, v14  }
0x132: {  	v20 =	vmul.f32 $8.000000000e+00, v20;
	[tilespmem:s31+$0xFFFFFF80] =	vst v31;
	v31 =	vor.u32 v5, v13;
	v17 =	vand.u32 $0x3D, v17;
	v29 =	vld.idx.msk [tilespmem:v29+s11+$0x0], $0xffff  }
0x133: {  	v17 =	vbroadcast v17, $0x0;
	v27 =	vld.idx.msk [tilespmem:v27+s11+$0x0], $0xffff;
	v26 =	vmul.f32 $8.000000000e+00, v26;
	[tilespmem:s31+$0x0] =	vst v30;
	v30 =	vor.u32 v5, v11  }
0x134: {  	[tilespmem:s31+$0xFFFFFF00] =	vst v20;
	v25 =	vmul.f32 $8.000000000e+00, v25;
	v20 =	vld.idx.msk [tilespmem:v23+s11+$0x0], $0xffff;
	v23 =	vor.u32 v5, v8  }
0x135: {  	v58 =	vor.u32 v0, v17;
	v28 =	vld.idx.msk [tilespmem:v28+s11+$0x0], $0xffff;
	v21 =	vmul.f32 $8.000000000e+00, v21;
	[tilespmem:s29+$0xC0] =	vst v26  }
0x136: {  	v26 =	vor.u32 v2, v15;
	v34 =	vmul.f32 $8.000000000e+00, v57;
	[tilespmem:s29+$0xFFFFFFC0] =	vst v25;
	v25 =	vld.idx.msk [tilespmem:v22+s11+$0x0], $0xffff  }
0x137: {  	v59 =	vor.u32 v2, v10;
	v22 =	vmul.f32 $8.000000000e+00, v56;
	v31 =	vld.idx.msk [tilespmem:v31+s11+$0x0], $0xffff;
	[tilespmem:s29+$0x40] =	vst v21  }
0x138: {  	v21 =	vor.u32 v2, v12;
	v29 =	vmul.f32 $8.000000000e+00, v29;
	[tilespmem:s29+$0xFFFFFF40] =	vst v34;
	v60 =	vld.idx.msk [tilespmem:v30+s11+$0x0], $0xffff  }
0x139: {  	v63 =	vor.u32 v6, v14;
	v61 =	vor.u32 v2, v9;
	s3 =	simm.s32 $0xE;
	v27 =	vmul.f32 $8.000000000e+00, v27;
	[tilespmem:s30+$0xFFFFFFF0] =	vst v22;
	v62 =	vld.idx.msk [tilespmem:v23+s11+$0x0], $0xffff  }
0x13a: {  	v30 =	vmov s3;
	v22 =	vld.idx.msk [tilespmem:v58+s11+$0x0], $0xffff;
	v20 =	vmul.f32 $8.000000000e+00, v20;
	[tilespmem:s31+$0x90] =	vst v29;
	v23 =	vmul.f32 $8.000000000e+00, v18  }
0x13b: {  	v18 =	vand.u32 $0x3E, v30;
	v30 =	vmul.f32 $8.000000000e+00, v28;
	[tilespmem:s31+$0xFFFFFF90] =	vst v27;
	v28 =	vor.u32 v6, v13;
	v29 =	vld.idx.msk [tilespmem:v26+s11+$0x0], $0xffff  }
0x13c: {  	v18 =	vbroadcast v18, $0x0;
	v27 =	vld.idx.msk [tilespmem:v59+s11+$0x0], $0xffff;
	[tilespmem:s31+$0x10] =	vst v20;
	v37 =	vmul.f32 $8.000000000e+00, v25;
	v25 =	vor.u32 v6, v11  }
0x13d: {  	v26 =	vor.u32 v6, v8;
	[tilespmem:s31+$0xFFFFFF10] =	vst v30;
	v30 =	vld.idx.msk [tilespmem:v21+s11+$0x0], $0xffff;
	v21 =	vmul.f32 $8.000000000e+00, v31  }
0x13e: {  	v33 =	vor.u32 v0, v18;
	v31 =	vld.idx.msk [tilespmem:v61+s11+$0x0], $0xffff;
	[tilespmem:s29+$0xD0] =	vst v37;
	v34 =	vmul.f32 $8.000000000e+00, v60  }
0x13f: {  	s0 =	simm.s32 $0x10;
	s1 =	sor.u32 $0x1, s26;
	s3 =	simm.s32 $0xF;
	v20 =	vmul.f32 $8.000000000e+00, v24;
	v24 =	vor.u32 v3, v15;
	v35 =	vmul.f32 $8.000000000e+00, v62;
	[tilespmem:s29+$0xFFFFFFD0] =	vst v21;
	v32 =	vld.idx.msk [tilespmem:v63+s11+$0x0], $0xffff  }
.LBB2_5:
0x140: {  	p0 =	slt.u32 s0, $0x3C;
	v21 =	vmov s3;
	v36 =	vor.u32 v3, v10;
	v28 =	vld.idx.msk [tilespmem:v28+s11+$0x0], $0xffff;
	[tilespmem:s29+$0x50] =	vst v34  }
0x141: {  	v34 =	vor.u32 v3, v12;
	v29 =	vmul.f32 $8.000000000e+00, v29;
	v21 =	vand.u32 $0x3F, v21;
	[tilespmem:s29+$0xFFFFFF50] =	vst v35;
	v25 =	vld.idx.msk [tilespmem:v25+s11+$0x0], $0xffff  }
0x142: {  	v35 =	vor.u32 v3, v9;
	v27 =	vmul.f32 $8.000000000e+00, v27;
	v21 =	vbroadcast v21, $0x0;
	v26 =	vld.idx.msk [tilespmem:v26+s11+$0x0], $0xffff;
	[tilespmem:s30+$0x70] =	vst v23  }
0x143: {  	v30 =	vmul.f32 $8.000000000e+00, v30;
	v23 =	vld.idx.msk [tilespmem:v33+s11+$0x0], $0xffff;
	[tilespmem:s31+$0xA0] =	vst v29;
	v29 =	vor.u32 v7, v14;
	v14 =	vmov v15  }
0x144: {  	v31 =	vmul.f32 $8.000000000e+00, v31;
	v33 =	vor.u32 v0, v21;
	[tilespmem:s31+$0xFFFFFFA0] =	vst v27;
	v24 =	vld.idx.msk [tilespmem:v24+s11+$0x0], $0xffff;
	v15 =	vmov v21  }
0x145: {  	v27 =	vor.u32 v7, v13;
	v13 =	vmovc v10;
	v10 =	vmov v17;
	v21 =	vld.idx.msk [tilespmem:v36+s11+$0x0], $0xffff;
	[tilespmem:s31+$0x20] =	vst v30;
	v30 =	vmul.f32 $8.000000000e+00, v32  }
0x146: {  	v28 =	vmul.f32 $8.000000000e+00, v28;
	[tilespmem:s31+$0xFFFFFF20] =	vst v31;
	v17 =	vld.idx.msk [tilespmem:v34+s11+$0x0], $0xffff;
	v31 =	vor.u32 v7, v11;
	v11 =	vmovc v12;
	v12 =	vmov v18  }
0x147: {  	v32 =	vor.u32 v7, v8;
	v8 =	vmovc v9;
	v9 =	vmov v16;
	v25 =	vmul.f32 $8.000000000e+00, v25;
	v18 =	vld.idx.msk [tilespmem:v35+s11+$0x0], $0xffff;
	[tilespmem:s29+$0xE0] =	vst v30  }
0x148: {  	v16 =	vmov s0;
	v30 =	vor.u32 v4, v14;
	v26 =	vmul.f32 $8.000000000e+00, v26;
	[tilespmem:s29+$0xFFFFFFE0] =	vst v28;
	v28 =	vld.idx.msk [tilespmem:v29+s11+$0x0], $0xffff  }
0x149: {  	v16 =	vand.u32 $0x3C, v16;
	v29 =	vld.idx.msk [tilespmem:v33+s11+$0x0], $0xffff;
	v33 =	vor.u32 v4, v13;
	[tilespmem:s29+$0x60] =	vst v25  }
0x14a: {  	v16 =	vbroadcast v16, $0x0;
	v25 =	vor.u32 v4, v11;
	v24 =	vmul.f32 $8.000000000e+00, v24;
	[tilespmem:s29+$0xFFFFFF60] =	vst v26;
	v26 =	vld.idx.msk [tilespmem:v27+s11+$0x0], $0xffff  }
0x14b: {  	v27 =	vor.u32 v4, v8;
	v21 =	vmul.f32 $8.000000000e+00, v21;
	v31 =	vld.idx.msk [tilespmem:v31+s11+$0x0], $0xffff;
	[tilespmem:s30+$0xFFFFFF70] =	vst v20;
	s30 =	smov.u32 s29;
	s29 =	smov.u32 s31  }
0x14c: {  	v20 =	vor.u32 v0, v16;
	v17 =	vmul.f32 $8.000000000e+00, v17;
	[tilespmem:s31+$0xB0] =	vst v24;
	v24 =	vld.idx.msk [tilespmem:v32+s11+$0x0], $0xffff  }
0x14d: {  	s3 =	sadd.s32 $0x1, s0;
	v32 =	vor.u32 v1, v15;
	v18 =	vmul.f32 $8.000000000e+00, v18;
	[tilespmem:s31+$0xFFFFFFB0] =	vst v21;
	v21 =	vld.idx.msk [tilespmem:v30+s11+$0x0], $0xffff  }
0x14e: {  	v34 =	vor.u32 v1, v10;
	v30 =	vmov s3;
	v33 =	vld.idx.msk [tilespmem:v33+s11+$0x0], $0xffff;
	[tilespmem:s31+$0x30] =	vst v17;
	v17 =	vmul.f32 $8.000000000e+00, v28  }
0x14f: {  	v28 =	vand.u32 $0x3D, v30;
	v30 =	vor.u32 v1, v12;
	v29 =	vmul.f32 $8.000000000e+00, v29;
	[tilespmem:s31+$0xFFFFFF30] =	vst v18;
	v18 =	vld.idx.msk [tilespmem:v25+s11+$0x0], $0xffff  }
0x150: {  	v22 =	vmul.f32 $8.000000000e+00, v22;
	v25 =	vor.u32 v1, v9;
	s31 =	sadd.s32 $0x200, s31;
	v26 =	vmul.f32 $8.000000000e+00, v26;
	v27 =	vld.idx.msk [tilespmem:v27+s11+$0x0], $0xffff;
	[tilespmem:s30+$0xF0] =	vst v17  }
0x151: {  	v36 =	vmul.f32 $8.000000000e+00, v23;
	v23 =	vmul.f32 $8.000000000e+00, v31;
	v35 =	vld.idx.msk [tilespmem:v20+s11+$0x0], $0xffff;
	[tilespmem:s31+$0x80] =	vst v29;
	v29 =	vor.u32 v5, v14  }
0x152: {  	v19 =	vmul.f32 $8.000000000e+00, v19;
	v31 =	vor.u32 v5, v13;
	v20 =	vmul.f32 $8.000000000e+00, v24;
	[tilespmem:s31+$0xFFFFFF80] =	vst v22;
	v22 =	vld.idx.msk [tilespmem:v32+s11+$0x0], $0xffff  }
0x153: {  	v17 =	vbroadcast v28, $0x0;
	v28 =	vor.u32 v5, v11;
	v21 =	vmul.f32 $8.000000000e+00, v21;
	v24 =	vld.idx.msk [tilespmem:v34+s11+$0x0], $0xffff;
	[tilespmem:s31+$0x0] =	vst v36  }
0x154: {  	v32 =	vor.u32 v5, v8;
	v37 =	vmul.f32 $8.000000000e+00, v33;
	[tilespmem:s31+$0xFFFFFF00] =	vst v19;
	v30 =	vld.idx.msk [tilespmem:v30+s11+$0x0], $0xffff  }
0x155: {  	v33 =	vor.u32 v0, v17;
	v18 =	vmul.f32 $8.000000000e+00, v18;
	v25 =	vld.idx.msk [tilespmem:v25+s11+$0x0], $0xffff;
	[tilespmem:s29+$0xC0] =	vst v21  }
0x156: {  	v21 =	vor.u32 v2, v15;
	v27 =	vmul.f32 $8.000000000e+00, v27;
	[tilespmem:s29+$0xFFFFFFC0] =	vst v37;
	v34 =	vld.idx.msk [tilespmem:v29+s11+$0x0], $0xffff  }
0x157: {  	v36 =	vor.u32 v2, v10;
	v19 =	vmov v35;
	v31 =	vld.idx.msk [tilespmem:v31+s11+$0x0], $0xffff;
	[tilespmem:s29+$0x40] =	vst v18  }
0x158: {  	v35 =	vor.u32 v2, v12;
	v18 =	vmul.f32 $8.000000000e+00, v22;
	[tilespmem:s29+$0xFFFFFF40] =	vst v27;
	v37 =	vld.idx.msk [tilespmem:v28+s11+$0x0], $0xffff  }
0x159: {  	v38 =	vor.u32 v2, v9;
	s3 =	sadd.s32 $0x2, s0;
	v24 =	vmul.f32 $8.000000000e+00, v24;
	v32 =	vld.idx.msk [tilespmem:v32+s11+$0x0], $0xffff;
	[tilespmem:s30+$0xFFFFFFF0] =	vst v26  }
0x15a: {  	v39 =	vor.u32 v6, v14;
	v26 =	vmov s3;
	v30 =	vmul.f32 $8.000000000e+00, v30;
	v22 =	vld.idx.msk [tilespmem:v33+s11+$0x0], $0xffff;
	[tilespmem:s31+$0x90] =	vst v18  }
.Ltmp3:
0x15b: {  	v28 =	vor.u32 v6, v13;
	v18 =	vand.u32 $0x3E, v26;
	v26 =	vmul.f32 $8.000000000e+00, v25;
	[tilespmem:s31+$0xFFFFFF90] =	vst v24;
	v29 =	vld.idx.msk [tilespmem:v21+s11+$0x0], $0xffff;
	(pc) =	sbr.rel @p0 .LBB2_5-.Ltmp3, $4  }
0x15c: {  	v25 =	vor.u32 v6, v11;
	v18 =	vbroadcast v18, $0x0;
	v21 =	vmul.f32 $8.000000000e+00, v34;
	v27 =	vld.idx.msk [tilespmem:v36+s11+$0x0], $0xffff;
	[tilespmem:s31+$0x10] =	vst v30  }
0x15d: {  	v36 =	vmul.f32 $8.000000000e+00, v31;
	[tilespmem:s31+$0xFFFFFF10] =	vst v26;
	v30 =	vld.idx.msk [tilespmem:v35+s11+$0x0], $0xffff;
	v26 =	vor.u32 v6, v8  }
0x15e: {  	v33 =	vor.u32 v0, v18;
	v34 =	vmul.f32 $8.000000000e+00, v37;
	v31 =	vld.idx.msk [tilespmem:v38+s11+$0x0], $0xffff;
	[tilespmem:s29+$0xD0] =	vst v21  }
0x15f: {  	s3 =	sadd.s32 $0x3, s0;
	s0 =	sadd.s32 $0x4, s0;
	v24 =	vor.u32 v3, v15;
	v35 =	vmul.f32 $8.000000000e+00, v32;
	[tilespmem:s29+$0xFFFFFFD0] =	vst v36;
	v32 =	vld.idx.msk [tilespmem:v39+s11+$0x0], $0xffff  }
0x160: {  	v21 =	vmov s3  }
0x161: {  	v21 =	vand.u32 $0x3F, v21  }
0x162: {  	v21 =	vbroadcast v21, $0x0;
	_ =	sdelay $0x1  }
0x163: {  	v36 =	vor.u32 v0, v21;
	_ =	sdelay $0x3  }
0x164: {  	[tilespmem:s29+$0x50] =	vst v34  }
0x165: {  	v29 =	vmul.f32 $8.000000000e+00, v29;
	[tilespmem:s30+$0x70] =	vst v23;
	v47 =	vld.idx.msk [tilespmem:v36+s11+$0x0], $0xffff  }
0x166: {  	[tilespmem:s29+$0xFFFFFF50] =	vst v35;
	v27 =	vmul.f32 $8.000000000e+00, v27  }
0x167: {  	v23 =	vld.idx.msk [tilespmem:v33+s11+$0x0], $0xffff;
	v30 =	vmul.f32 $8.000000000e+00, v30;
	[tilespmem:s31+$0xA0] =	vst v29  }
0x168: {  	v29 =	vmul.f32 $8.000000000e+00, v31;
	[tilespmem:s31+$0xFFFFFFA0] =	vst v27;
	v27 =	vor.u32 v1, v21  }
0x169: {  	v28 =	vld.idx.msk [tilespmem:v28+s11+$0x0], $0xffff;
	v31 =	vor.u32 v1, v17;
	[tilespmem:s31+$0x20] =	vst v30;
	v30 =	vmul.f32 $8.000000000e+00, v32  }
0x16a: {  	v25 =	vld.idx.msk [tilespmem:v25+s11+$0x0], $0xffff;
	[tilespmem:s31+$0xFFFFFF20] =	vst v29;
	v29 =	vor.u32 v1, v18;
	v48 =	vmul.f32 $8.000000000e+00, v47  }
0x16b: {  	v22 =	vmul.f32 $8.000000000e+00, v22;
	s0 =	sadd.s32 $0x200, s31;
	v26 =	vld.idx.msk [tilespmem:v26+s11+$0x0], $0xffff;
	[tilespmem:s29+$0xE0] =	vst v30;
	v30 =	vor.u32 v1, v16  }
0x16c: {  	v23 =	vmul.f32 $8.000000000e+00, v23;
	[tilespmem:s0+$0x80] =	vst v48  }
0x16d: {  	v49 =	vor.u32 v3, v10;
	v19 =	vmul.f32 $8.000000000e+00, v19;
	[tilespmem:s0+$0xFFFFFF80] =	vst v22;
	v22 =	vld.idx.msk [tilespmem:v27+s11+$0x0], $0xffff  }
0x16e: {  	v28 =	vmul.f32 $8.000000000e+00, v28;
	[tilespmem:s0+$0x0] =	vst v23;
	v31 =	vld.idx.msk [tilespmem:v31+s11+$0x0], $0xffff;
	v27 =	vor.u32 v3, v12  }
0x16f: {  	[tilespmem:s0+$0xFFFFFF00] =	vst v19;
	v25 =	vmul.f32 $8.000000000e+00, v25;
	v23 =	vor.u32 v3, v9;
	v19 =	vld.idx.msk [tilespmem:v29+s11+$0x0], $0xffff  }
0x170: {  	v26 =	vmul.f32 $8.000000000e+00, v26;
	[tilespmem:s29+$0xFFFFFFE0] =	vst v28;
	v29 =	vor.u32 v2, v21;
	v28 =	vld.idx.msk [tilespmem:v30+s11+$0x0], $0xffff  }
0x171: {  	v24 =	vld.idx.msk [tilespmem:v24+s11+$0x0], $0xffff;
	[tilespmem:s29+$0x60] =	vst v25;
	v25 =	vor.u32 v2, v17  }
0x172: {  	[tilespmem:s29+$0xFFFFFF60] =	vst v26;
	v26 =	vor.u32 v2, v18;
	v30 =	vld.idx.msk [tilespmem:v49+s11+$0x0], $0xffff;
	v22 =	vmul.f32 $8.000000000e+00, v22  }
0x173: {  	[tilespmem:s30+$0xFFFFFF70] =	vst v20;
	v20 =	vor.u32 v2, v16;
	v31 =	vmul.f32 $8.000000000e+00, v31;
	v27 =	vld.idx.msk [tilespmem:v27+s11+$0x0], $0xffff  }
0x174: {  	v14 =	vor.u32 v7, v14;
	v23 =	vld.idx.msk [tilespmem:v23+s11+$0x0], $0xffff;
	v19 =	vmul.f32 $8.000000000e+00, v19;
	[tilespmem:s0+$0x90] =	vst v22  }
0x175: {  	[tilespmem:s0+$0xFFFFFF90] =	vst v31;
	v28 =	vmul.f32 $8.000000000e+00, v28;
	v22 =	vor.u32 v4, v15;
	v29 =	vld.idx.msk [tilespmem:v29+s11+$0x0], $0xffff  }
0x176: {  	v24 =	vmul.f32 $8.000000000e+00, v24;
	v31 =	vor.u32 v4, v10;
	v25 =	vld.idx.msk [tilespmem:v25+s11+$0x0], $0xffff;
	[tilespmem:s0+$0x10] =	vst v19  }
0x177: {  	v30 =	vmul.f32 $8.000000000e+00, v30;
	v19 =	vor.u32 v4, v12;
	[tilespmem:s0+$0xFFFFFF10] =	vst v28;
	v26 =	vld.idx.msk [tilespmem:v26+s11+$0x0], $0xffff  }
0x178: {  	[tilespmem:s31+$0xB0] =	vst v24;
	v24 =	vor.u32 v3, v21;
	v20 =	vld.idx.msk [tilespmem:v20+s11+$0x0], $0xffff;
	v27 =	vmul.f32 $8.000000000e+00, v27  }
0x179: {  	v14 =	vld.idx.msk [tilespmem:v14+s11+$0x0], $0xffff;
	v23 =	vmul.f32 $8.000000000e+00, v23;
	[tilespmem:s31+$0xFFFFFFB0] =	vst v30;
	v28 =	vor.u32 v3, v17  }
0x17a: {  	v22 =	vld.idx.msk [tilespmem:v22+s11+$0x0], $0xffff;
	[tilespmem:s31+$0x30] =	vst v27;
	v27 =	vor.u32 v3, v18;
	v29 =	vmul.f32 $8.000000000e+00, v29  }
0x17b: {  	[tilespmem:s31+$0xFFFFFF30] =	vst v23;
	v23 =	vor.u32 v3, v16;
	v30 =	vld.idx.msk [tilespmem:v31+s11+$0x0], $0xffff;
	v25 =	vmul.f32 $8.000000000e+00, v25  }
0x17c: {  	v13 =	vor.u32 v7, v13;
	v26 =	vmul.f32 $8.000000000e+00, v26;
	v19 =	vld.idx.msk [tilespmem:v19+s11+$0x0], $0xffff;
	[tilespmem:s0+$0xA0] =	vst v29  }
0x17d: {  	v31 =	vor.u32 v4, v9;
	[tilespmem:s0+$0xFFFFFFA0] =	vst v25;
	v20 =	vmul.f32 $8.000000000e+00, v20;
	v24 =	vld.idx.msk [tilespmem:v24+s11+$0x0], $0xffff  }
0x17e: {  	v14 =	vmul.f32 $8.000000000e+00, v14;
	v25 =	vor.u32 v5, v15;
	v28 =	vld.idx.msk [tilespmem:v28+s11+$0x0], $0xffff;
	[tilespmem:s0+$0x20] =	vst v26  }
0x17f: {  	v26 =	vor.u32 v5, v10;
	[tilespmem:s0+$0xFFFFFF20] =	vst v20;
	v22 =	vmul.f32 $8.000000000e+00, v22;
	v20 =	vld.idx.msk [tilespmem:v27+s11+$0x0], $0xffff  }
0x180: {  	[tilespmem:s29+$0xF0] =	vst v14;
	v14 =	vmul.f32 $8.000000000e+00, v30;
	v23 =	vld.idx.msk [tilespmem:v23+s11+$0x0], $0xffff;
	v27 =	vor.u32 v4, v21  }
0x181: {  	v13 =	vld.idx.msk [tilespmem:v13+s11+$0x0], $0xffff;
	v19 =	vmul.f32 $8.000000000e+00, v19;
	[tilespmem:s31+$0xC0] =	vst v22;
	v22 =	vor.u32 v4, v17  }
0x182: {  	[tilespmem:s31+$0xFFFFFFC0] =	vst v14;
	v14 =	vor.u32 v4, v18;
	v29 =	vld.idx.msk [tilespmem:v31+s11+$0x0], $0xffff;
	v24 =	vmul.f32 $8.000000000e+00, v24  }
0x183: {  	v28 =	vmul.f32 $8.000000000e+00, v28;
	v25 =	vld.idx.msk [tilespmem:v25+s11+$0x0], $0xffff;
	[tilespmem:s31+$0x40] =	vst v19;
	v19 =	vor.u32 v4, v16  }
0x184: {  	v30 =	vor.u32 v5, v12;
	v26 =	vld.idx.msk [tilespmem:v26+s11+$0x0], $0xffff;
	v20 =	vmul.f32 $8.000000000e+00, v20;
	[tilespmem:s0+$0xB0] =	vst v24  }
0x185: {  	[tilespmem:s0+$0xFFFFFFB0] =	vst v28;
	v23 =	vmul.f32 $8.000000000e+00, v23;
	v24 =	vor.u32 v5, v9;
	v27 =	vld.idx.msk [tilespmem:v27+s11+$0x0], $0xffff  }
0x186: {  	v11 =	vor.u32 v7, v11;
	v13 =	vmul.f32 $8.000000000e+00, v13;
	v22 =	vld.idx.msk [tilespmem:v22+s11+$0x0], $0xffff;
	[tilespmem:s0+$0x30] =	vst v20  }
0x187: {  	[tilespmem:s0+$0xFFFFFF30] =	vst v23;
	v28 =	vmul.f32 $8.000000000e+00, v29;
	v20 =	vor.u32 v6, v15;
	v14 =	vld.idx.msk [tilespmem:v14+s11+$0x0], $0xffff  }
0x188: {  	[tilespmem:s29+$0xFFFFFFF0] =	vst v13;
	v23 =	vmul.f32 $8.000000000e+00, v25;
	v19 =	vld.idx.msk [tilespmem:v19+s11+$0x0], $0xffff;
	v25 =	vor.u32 v5, v21  }
0x189: {  	v13 =	vmul.f32 $8.000000000e+00, v26;
	v26 =	vor.u32 v5, v17;
	[tilespmem:s31+$0xFFFFFF40] =	vst v28;
	v28 =	vld.idx.msk [tilespmem:v30+s11+$0x0], $0xffff  }
0x18a: {  	[tilespmem:s31+$0xD0] =	vst v23;
	v23 =	vor.u32 v5, v18;
	v24 =	vld.idx.msk [tilespmem:v24+s11+$0x0], $0xffff;
	v27 =	vmul.f32 $8.000000000e+00, v27  }
0x18b: {  	v11 =	vld.idx.msk [tilespmem:v11+s11+$0x0], $0xffff;
	[tilespmem:s31+$0xFFFFFFD0] =	vst v13;
	v13 =	vor.u32 v5, v16;
	v22 =	vmul.f32 $8.000000000e+00, v22  }
0x18c: {  	v29 =	vor.u32 v6, v10;
	v20 =	vld.idx.msk [tilespmem:v20+s11+$0x0], $0xffff;
	v14 =	vmul.f32 $8.000000000e+00, v14;
	[tilespmem:s0+$0xC0] =	vst v27  }
0x18d: {  	v19 =	vmul.f32 $8.000000000e+00, v19;
	v27 =	vor.u32 v6, v12;
	[tilespmem:s0+$0xFFFFFFC0] =	vst v22;
	v22 =	vld.idx.msk [tilespmem:v25+s11+$0x0], $0xffff  }
0x18e: {  	v28 =	vmul.f32 $8.000000000e+00, v28;
	v25 =	vor.u32 v6, v9;
	v26 =	vld.idx.msk [tilespmem:v26+s11+$0x0], $0xffff;
	[tilespmem:s0+$0x40] =	vst v14  }
0x18f: {  	v8 =	vor.u32 v7, v8;
	[tilespmem:s0+$0xFFFFFF40] =	vst v19;
	v14 =	vmul.f32 $8.000000000e+00, v24;
	v19 =	vld.idx.msk [tilespmem:v23+s11+$0x0], $0xffff  }
0x190: {  	v11 =	vmul.f32 $8.000000000e+00, v11;
	[tilespmem:s31+$0x50] =	vst v28;
	v13 =	vld.idx.msk [tilespmem:v13+s11+$0x0], $0xffff;
	v23 =	vor.u32 v6, v21  }
0x191: {  	v24 =	vld.idx.msk [tilespmem:v29+s11+$0x0], $0xffff;
	[tilespmem:s31+$0xFFFFFF50] =	vst v14;
	v14 =	vmul.f32 $8.000000000e+00, v20;
	v20 =	vor.u32 v6, v17  }
0x192: {  	[tilespmem:s29+$0x70] =	vst v11;
	v11 =	vor.u32 v6, v18;
	v27 =	vld.idx.msk [tilespmem:v27+s11+$0x0], $0xffff;
	v22 =	vmul.f32 $8.000000000e+00, v22  }
0x193: {  	v25 =	vld.idx.msk [tilespmem:v25+s11+$0x0], $0xffff;
	[tilespmem:s31+$0xE0] =	vst v14;
	v14 =	vor.u32 v6, v16;
	v26 =	vmul.f32 $8.000000000e+00, v26  }
0x194: {  	v8 =	vld.idx.msk [tilespmem:v8+s11+$0x0], $0xffff;
	v15 =	vor.u32 v7, v15;
	v19 =	vmul.f32 $8.000000000e+00, v19;
	[tilespmem:s0+$0xD0] =	vst v22  }
0x195: {  	v10 =	vor.u32 v7, v10;
	v13 =	vmul.f32 $8.000000000e+00, v13;
	[tilespmem:s0+$0xFFFFFFD0] =	vst v26;
	v22 =	vld.idx.msk [tilespmem:v23+s11+$0x0], $0xffff  }
0x196: {  	v12 =	vor.u32 v7, v12;
	v23 =	vmul.f32 $8.000000000e+00, v24;
	v20 =	vld.idx.msk [tilespmem:v20+s11+$0x0], $0xffff;
	[tilespmem:s0+$0x50] =	vst v19  }
0x197: {  	v9 =	vor.u32 v7, v9;
	[tilespmem:s0+$0xFFFFFF50] =	vst v13;
	v19 =	vmul.f32 $8.000000000e+00, v27;
	v11 =	vld.idx.msk [tilespmem:v11+s11+$0x0], $0xffff  }
0x198: {  	v21 =	vor.u32 v7, v21;
	v13 =	vmul.f32 $8.000000000e+00, v25;
	[tilespmem:s31+$0xFFFFFFE0] =	vst v23;
	v14 =	vld.idx.msk [tilespmem:v14+s11+$0x0], $0xffff  }
0x199: {  	v8 =	vmul.f32 $8.000000000e+00, v8;
	v17 =	vor.u32 v7, v17;
	v15 =	vld.idx.msk [tilespmem:v15+s11+$0x0], $0xffff;
	[tilespmem:s31+$0x60] =	vst v19  }
0x19a: {  	v18 =	vor.u32 v7, v18;
	v10 =	vld.idx.msk [tilespmem:v10+s11+$0x0], $0xffff;
	[tilespmem:s31+$0xFFFFFF60] =	vst v13;
	v13 =	vmul.f32 $8.000000000e+00, v22  }
0x19b: {  	[tilespmem:s29+$0xFFFFFF70] =	vst v8;
	v16 =	vor.u32 v7, v16;
	v12 =	vld.idx.msk [tilespmem:v12+s11+$0x0], $0xffff;
	v8 =	vmul.f32 $8.000000000e+00, v20  }
0x19c: {  	v9 =	vld.idx.msk [tilespmem:v9+s11+$0x0], $0xffff;
	v11 =	vmul.f32 $8.000000000e+00, v11;
	[tilespmem:s0+$0xE0] =	vst v13  }
0x19d: {  	v13 =	vmul.f32 $8.000000000e+00, v14;
	[tilespmem:s0+$0xFFFFFFE0] =	vst v8;
	v8 =	vld.idx.msk [tilespmem:v21+s11+$0x0], $0xffff  }
0x19e: {  	v14 =	vmul.f32 $8.000000000e+00, v15;
	[tilespmem:s0+$0x60] =	vst v11;
	v11 =	vld.idx.msk [tilespmem:v17+s11+$0x0], $0xffff  }
0x19f: {  	v10 =	vmul.f32 $8.000000000e+00, v10;
	[tilespmem:s0+$0xFFFFFF60] =	vst v13;
	v13 =	vld.idx.msk [tilespmem:v18+s11+$0x0], $0xffff  }
0x1a0: {  	s1 =	sadd.s32 s5, s1;
	[tilespmem:s31+$0xF0] =	vst v14;
	v12 =	vmul.f32 $8.000000000e+00, v12;
	v14 =	vld.idx.msk [tilespmem:v16+s11+$0x0], $0xffff  }
0x1a1: {  	s3 =	sshll.u32 s1, $0xD;
	s1 =	sand.u32 $0xFD, s1;
	v9 =	vmul.f32 $8.000000000e+00, v9;
	[tilespmem:s31+$0xFFFFFFF0] =	vst v10  }
0x1a2: {  	s3 =	sand.u32 $0x7FE00000, s3;
	s29 =	sshll.u32 s1, $0x12;
	s1 =	sshrl.u32 s1, $0x3;
	[tilespmem:s31+$0x70] =	vst v12;
	v8 =	vmul.f32 $8.000000000e+00, v8  }
0x1a3: {  	s3 =	sadd.s32 s29, s3;
	s29 =	sshll.u32 s1, $0x15;
	[tilespmem:s31+$0xFFFFFF70] =	vst v9;
	v9 =	vmul.f32 $8.000000000e+00, v11  }
0x1a4: {  	s1 =	sshll.u32 s1, $0xA;
	s3 =	ssub.s32 s3, s29;
	[tilespmem:s0+$0xF0] =	vst v8;
	v8 =	vmul.f32 $8.000000000e+00, v13  }
0x1a5: {  	s1 =	sor.u32 s1, s3;
	v10 =	vmul.f32 $8.000000000e+00, v14;
	[tilespmem:s0+$0xFFFFFFF0] =	vst v9  }
0x1a6: {  	s1 =	sshrl.u32 s1, $0x3;
	[tilespmem:s0+$0x70] =	vst v8  }
0x1a7: {  	s26 =	sor.u32 $0x3, s26;
	s1 =	sadd.s32 s2, s1;
	[tilespmem:s0+$0xFFFFFF70] =	vst v10  }
0x1a8: {  	[hbm4b:s1+s13] =	stream.strided.scatter [tilespmem:s18], [sflag:$0x6], $0x2000, s14, s13, $0x38;
	[tilespmem:$0x12400] =	vst v63  }
0x1a9: {  	s3 =	sshll.u32 s26, $0x7;
	s1 =	simm.s32 $0x3  }
0x1aa: {  	s0 =	sand.u32 $0x3FFFFF80, s3;
	s3 =	simm.s32 $0x1;
	v8 =	vmov s1  }
0x1ab: {  	v9 =	vmov s3;
	s3 =	simm.s32 $0x0;
	s1 =	simm.s32 $0x2;
	v8 =	vand.u32 $0x3F, v8  }
0x1ac: {  	v9 =	vand.u32 $0x3D, v9;
	[tilespmem:s19], [sflag:$0x4] =	stream.indirect.gather [hbm4b:s4+s9], $0x40, s0, s9, $0xb8;
	v10 =	vmov s1;
	v19 =	vbroadcast v8, $0x0;
	[tilespmem:$0x12400] =	vst v63  }
0x1ad: {  	v17 =	vbroadcast v9, $0x0;
	_ =	swait.ge [sflag:s20], $0x2000;
	v8 =	vmov s3;
	v9 =	vand.u32 $0x3E, v10  }
0x1ae: {  	[sflag:s20] =	ssyncset.done $0x0;
	v8 =	vand.u32 $0x3C, v8;
	v18 =	vbroadcast v9, $0x0;
	v9 =	vor.u32 v0, v19  }
0x1af: {  	[sflag:s20] =	ssyncadd.s32 $0xFFFFE000;
	v16 =	vbroadcast v8, $0x0;
	v8 =	vor.u32 v0, v17  }
0x1b0: {  	_ =	swait.ge [sflag:s21], $0x2000;
	v10 =	vor.u32 v0, v18  }
0x1b1: {  	[sflag:s21] =	ssyncset.done $0x0;
	v11 =	vor.u32 v0, v16  }
0x1b2: {  	[sflag:s21] =	ssyncadd.s32 $0xFFFFE000  }
0x1b3: {  	v9 =	vld.idx.msk [tilespmem:v9+s16+$0x0], $0xffff  }
0x1b4: {  	v8 =	vld.idx.msk [tilespmem:v8+s16+$0x0], $0xffff  }
0x1b5: {  	v10 =	vld.idx.msk [tilespmem:v10+s16+$0x0], $0xffff  }
0x1b6: {  	v12 =	vor.u32 v1, v19;
	v11 =	vld.idx.msk [tilespmem:v11+s16+$0x0], $0xffff  }
0x1b7: {  	v13 =	vor.u32 v1, v17  }
0x1b8: {  	v14 =	vor.u32 v1, v18;
	v9 =	vmul.f32 $8.000000000e+00, v9  }
0x1b9: {  	s30 =	simm.s32 $0xE500;
	v15 =	vor.u32 v1, v16;
	v8 =	vmul.f32 $8.000000000e+00, v8  }
0x1ba: {  	v10 =	vmul.f32 $8.000000000e+00, v10;
	[tilespmem:s30+$0x80] =	vst v9  }
0x1bb: {  	v9 =	vmul.f32 $8.000000000e+00, v11;
	[tilespmem:s30+$0xFFFFFF80] =	vst v8;
	v8 =	vld.idx.msk [tilespmem:v12+s16+$0x0], $0xffff  }
0x1bc: {  	v11 =	vld.idx.msk [tilespmem:v13+s16+$0x0], $0xffff;
	[tilespmem:s30+$0x0] =	vst v10  }
0x1bd: {  	[tilespmem:s30+$0xFFFFFF00] =	vst v9;
	v9 =	vld.idx.msk [tilespmem:v14+s16+$0x0], $0xffff  }
0x1be: {  	v12 =	vor.u32 v2, v19;
	v10 =	vld.idx.msk [tilespmem:v15+s16+$0x0], $0xffff  }
0x1bf: {  	v13 =	vor.u32 v2, v17  }
0x1c0: {  	v14 =	vor.u32 v2, v18;
	v8 =	vmul.f32 $8.000000000e+00, v8  }
0x1c1: {  	v15 =	vor.u32 v2, v16;
	v11 =	vmul.f32 $8.000000000e+00, v11  }
0x1c2: {  	v9 =	vmul.f32 $8.000000000e+00, v9;
	[tilespmem:s30+$0x90] =	vst v8  }
0x1c3: {  	s1 =	simm.s32 $0x4;
	v10 =	vmul.f32 $8.000000000e+00, v10;
	[tilespmem:s30+$0xFFFFFF90] =	vst v11;
	v11 =	vld.idx.msk [tilespmem:v12+s16+$0x0], $0xffff  }
0x1c4: {  	v20 =	vmov s1;
	s1 =	simm.s32 $0x6;
	v12 =	vld.idx.msk [tilespmem:v13+s16+$0x0], $0xffff;
	[tilespmem:s30+$0x10] =	vst v9  }
0x1c5: {  	s3 =	simm.s32 $0x5;
	v22 =	vmov s1;
	v23 =	vor.u32 v3, v17;
	v21 =	vor.u32 v3, v19;
	[tilespmem:s30+$0xFFFFFF10] =	vst v10;
	v10 =	vld.idx.msk [tilespmem:v14+s16+$0x0], $0xffff  }
0x1c6: {  	v24 =	vor.u32 v3, v18;
	v8 =	vand.u32 $0x3C, v20;
	v9 =	vmov s3;
	s3 =	simm.s32 $0x7;
	v15 =	vld.idx.msk [tilespmem:v15+s16+$0x0], $0xffff  }
0x1c7: {  	v25 =	vor.u32 v3, v16;
	v8 =	vbroadcast v8, $0x0;
	v13 =	vmov s3  }
0x1c8: {  	v9 =	vand.u32 $0x3D, v9;
	v13 =	vand.u32 $0x3F, v13;
	v11 =	vmul.f32 $8.000000000e+00, v11  }
0x1c9: {  	v20 =	vor.u32 v0, v8;
	v14 =	vbroadcast v13, $0x0;
	v12 =	vmul.f32 $8.000000000e+00, v12  }
0x1ca: {  	v13 =	vbroadcast v9, $0x0;
	v9 =	vand.u32 $0x3E, v22;
	v10 =	vmul.f32 $8.000000000e+00, v10;
	[tilespmem:s30+$0xA0] =	vst v11  }
0x1cb: {  	v11 =	vbroadcast v9, $0x0;
	v9 =	vor.u32 v0, v14;
	v15 =	vmul.f32 $8.000000000e+00, v15;
	[tilespmem:s30+$0xFFFFFFA0] =	vst v12;
	v12 =	vld.idx.msk [tilespmem:v21+s16+$0x0], $0xffff  }
0x1cc: {  	v21 =	vor.u32 v0, v13;
	v22 =	vld.idx.msk [tilespmem:v23+s16+$0x0], $0xffff;
	[tilespmem:s30+$0x20] =	vst v10  }
0x1cd: {  	s3 =	simm.s32 $0x8;
	v10 =	vor.u32 v0, v11;
	[tilespmem:s30+$0xFFFFFF20] =	vst v15;
	v15 =	vld.idx.msk [tilespmem:v24+s16+$0x0], $0xffff  }
0x1ce: {  	v24 =	vmov s3;
	v23 =	vld.idx.msk [tilespmem:v25+s16+$0x0], $0xffff;
	v25 =	vor.u32 v4, v19  }
0x1cf: {  	v26 =	vld.idx.msk [tilespmem:v20+s16+$0x0], $0xffff;
	v20 =	vand.u32 $0x3C, v24;
	v24 =	vor.u32 v4, v17  }
0x1d0: {  	v27 =	vld.idx.msk [tilespmem:v9+s16+$0x0], $0xffff;
	v9 =	vbroadcast v20, $0x0;
	v20 =	vor.u32 v4, v18;
	v12 =	vmul.f32 $8.000000000e+00, v12  }
0x1d1: {  	v28 =	vor.u32 v4, v16;
	v21 =	vld.idx.msk [tilespmem:v21+s16+$0x0], $0xffff;
	v22 =	vmul.f32 $8.000000000e+00, v22  }
0x1d2: {  	v10 =	vld.idx.msk [tilespmem:v10+s16+$0x0], $0xffff;
	v29 =	vor.u32 v0, v9;
	v15 =	vmul.f32 $8.000000000e+00, v15;
	[tilespmem:s30+$0xB0] =	vst v12  }
0x1d3: {  	v30 =	vor.u32 v1, v8;
	v23 =	vmul.f32 $8.000000000e+00, v23;
	[tilespmem:s30+$0xFFFFFFB0] =	vst v22;
	v22 =	vld.idx.msk [tilespmem:v25+s16+$0x0], $0xffff  }
0x1d4: {  	v26 =	vmul.f32 $8.000000000e+00, v26;
	v12 =	vor.u32 v1, v14;
	v24 =	vld.idx.msk [tilespmem:v24+s16+$0x0], $0xffff;
	[tilespmem:s30+$0x30] =	vst v15  }
0x1d5: {  	s29 =	simm.s32 $0xE700;
	v25 =	vor.u32 v1, v13;
	v27 =	vmul.f32 $8.000000000e+00, v27;
	[tilespmem:s30+$0xFFFFFF30] =	vst v23;
	v23 =	vld.idx.msk [tilespmem:v20+s16+$0x0], $0xffff  }
0x1d6: {  	s1 =	simm.s32 $0x9;
	[tilespmem:s29+$0xFFFFFF00] =	vst v26;
	v15 =	vor.u32 v1, v11;
	v21 =	vmul.f32 $8.000000000e+00, v21;
	v28 =	vld.idx.msk [tilespmem:v28+s16+$0x0], $0xffff  }
0x1d7: {  	v31 =	vmov s1;
	v20 =	vld.idx.msk [tilespmem:v29+s16+$0x0], $0xffff;
	v29 =	vmul.f32 $8.000000000e+00, v10;
	[tilespmem:s29+$0x80] =	vst v27;
	v27 =	vor.u32 v5, v19  }
0x1d8: {  	v30 =	vld.idx.msk [tilespmem:v30+s16+$0x0], $0xffff;
	v10 =	vand.u32 $0x3D, v31;
	[tilespmem:s29+$0xFFFFFF80] =	vst v21;
	v21 =	vor.u32 v5, v17  }
0x1d9: {  	v12 =	vld.idx.msk [tilespmem:v12+s16+$0x0], $0xffff;
	v10 =	vbroadcast v10, $0x0;
	[tilespmem:s29+$0x0] =	vst v29;
	v29 =	vor.u32 v5, v18;
	v22 =	vmul.f32 $8.000000000e+00, v22  }
0x1da: {  	v26 =	vor.u32 v5, v16;
	v25 =	vld.idx.msk [tilespmem:v25+s16+$0x0], $0xffff;
	v24 =	vmul.f32 $8.000000000e+00, v24  }
0x1db: {  	v15 =	vld.idx.msk [tilespmem:v15+s16+$0x0], $0xffff;
	v31 =	vor.u32 v0, v10;
	v23 =	vmul.f32 $8.000000000e+00, v23;
	[tilespmem:s30+$0xC0] =	vst v22  }
0x1dc: {  	v22 =	vor.u32 v2, v14;
	v28 =	vmul.f32 $8.000000000e+00, v28;
	[tilespmem:s30+$0xFFFFFFC0] =	vst v24;
	v24 =	vld.idx.msk [tilespmem:v27+s16+$0x0], $0xffff  }
0x1dd: {  	v27 =	vor.u32 v2, v13;
	[tilespmem:s30+$0x40] =	vst v23;
	v21 =	vld.idx.msk [tilespmem:v21+s16+$0x0], $0xffff  }
0x1de: {  	v23 =	vor.u32 v2, v11;
	v12 =	vmul.f32 $8.000000000e+00, v12;
	[tilespmem:s30+$0xFFFFFF40] =	vst v28;
	v28 =	vld.idx.msk [tilespmem:v29+s16+$0x0], $0xffff  }
0x1df: {  	s3 =	simm.s32 $0xA;
	v29 =	vor.u32 v2, v8;
	v25 =	vmul.f32 $8.000000000e+00, v25;
	v26 =	vld.idx.msk [tilespmem:v26+s16+$0x0], $0xffff  }
0x1e0: {  	v51 =	vor.u32 v6, v19;
	v50 =	vmov s3;
	v31 =	vld.idx.msk [tilespmem:v31+s16+$0x0], $0xffff;
	v15 =	vmul.f32 $8.000000000e+00, v15;
	[tilespmem:s29+$0x90] =	vst v12  }
0x1e1: {  	v30 =	vmul.f32 $8.000000000e+00, v30;
	v12 =	vand.u32 $0x3E, v50;
	[tilespmem:s29+$0xFFFFFF90] =	vst v25;
	v22 =	vld.idx.msk [tilespmem:v22+s16+$0x0], $0xffff;
	v25 =	vor.u32 v6, v17  }
0x1e2: {  	v12 =	vbroadcast v12, $0x0;
	v27 =	vld.idx.msk [tilespmem:v27+s16+$0x0], $0xffff;
	[tilespmem:s29+$0x10] =	vst v15;
	v15 =	vor.u32 v6, v18;
	v24 =	vmul.f32 $8.000000000e+00, v24  }
0x1e3: {  	[tilespmem:s29+$0xFFFFFF10] =	vst v30;
	v30 =	vor.u32 v6, v16;
	v23 =	vld.idx.msk [tilespmem:v23+s16+$0x0], $0xffff;
	v21 =	vmul.f32 $8.000000000e+00, v21  }
0x1e4: {  	v52 =	vor.u32 v0, v12;
	v29 =	vld.idx.msk [tilespmem:v29+s16+$0x0], $0xffff;
	v28 =	vmul.f32 $8.000000000e+00, v28;
	[tilespmem:s30+$0xD0] =	vst v24  }
0x1e5: {  	s1 =	simm.s32 $0xB;
	v24 =	vor.u32 v3, v14;
	v26 =	vmul.f32 $8.000000000e+00, v26;
	[tilespmem:s30+$0xFFFFFFD0] =	vst v21;
	v21 =	vld.idx.msk [tilespmem:v51+s16+$0x0], $0xffff  }
0x1e6: {  	v53 =	vmov s1;
	v54 =	vor.u32 v3, v13;
	v25 =	vld.idx.msk [tilespmem:v25+s16+$0x0], $0xffff;
	[tilespmem:s30+$0x50] =	vst v28  }
0x1e7: {  	v55 =	vor.u32 v3, v11;
	v28 =	vand.u32 $0x3F, v53;
	v22 =	vmul.f32 $8.000000000e+00, v22;
	[tilespmem:s30+$0xFFFFFF50] =	vst v26;
	v26 =	vld.idx.msk [tilespmem:v15+s16+$0x0], $0xffff  }
0x1e8: {  	v15 =	vbroadcast v28, $0x0;
	v28 =	vor.u32 v3, v8;
	v27 =	vmul.f32 $8.000000000e+00, v27;
	v30 =	vld.idx.msk [tilespmem:v30+s16+$0x0], $0xffff  }
0x1e9: {  	v19 =	vor.u32 v7, v19;
	v32 =	vld.idx.msk [tilespmem:v52+s16+$0x0], $0xffff;
	v23 =	vmul.f32 $8.000000000e+00, v23;
	[tilespmem:s29+$0xA0] =	vst v22  }
0x1ea: {  	v22 =	vor.u32 v0, v15;
	v29 =	vmul.f32 $8.000000000e+00, v29;
	[tilespmem:s29+$0xFFFFFFA0] =	vst v27;
	v24 =	vld.idx.msk [tilespmem:v24+s16+$0x0], $0xffff  }
0x1eb: {  	v17 =	vor.u32 v7, v17;
	v27 =	vld.idx.msk [tilespmem:v54+s16+$0x0], $0xffff;
	[tilespmem:s29+$0x20] =	vst v23;
	v21 =	vmul.f32 $8.000000000e+00, v21  }
0x1ec: {  	v18 =	vor.u32 v7, v18;
	[tilespmem:s29+$0xFFFFFF20] =	vst v29;
	v23 =	vld.idx.msk [tilespmem:v55+s16+$0x0], $0xffff  }
0x1ed: {  	s3 =	simm.s32 $0xC;
	v25 =	vmul.f32 $8.000000000e+00, v25;
	v29 =	vor.u32 v7, v16;
	v28 =	vld.idx.msk [tilespmem:v28+s16+$0x0], $0xffff;
	[tilespmem:s30+$0xE0] =	vst v21  }
0x1ee: {  	v16 =	vmul.f32 $8.000000000e+00, v26;
	v21 =	vmov s3;
	v26 =	vor.u32 v4, v14;
	v19 =	vld.idx.msk [tilespmem:v19+s16+$0x0], $0xffff  }
0x1ef: {  	v30 =	vmul.f32 $8.000000000e+00, v30;
	[tilespmem:s30+$0xFFFFFFE0] =	vst v25;
	v21 =	vand.u32 $0x3C, v21;
	v25 =	vor.u32 v4, v13;
	v22 =	vld.idx.msk [tilespmem:v22+s16+$0x0], $0xffff  }
0x1f0: {  	[tilespmem:s30+$0x60] =	vst v16;
	v16 =	vbroadcast v21, $0x0;
	v21 =	vor.u32 v4, v11;
	v24 =	vmul.f32 $8.000000000e+00, v24;
	v56 =	vld.idx.msk [tilespmem:v17+s16+$0x0], $0xffff  }
0x1f1: {  	[tilespmem:s30+$0xFFFFFF60] =	vst v30;
	v17 =	vor.u32 v4, v8;
	v27 =	vmul.f32 $8.000000000e+00, v27;
	v18 =	vld.idx.msk [tilespmem:v18+s16+$0x0], $0xffff  }
0x1f2: {  	v30 =	vor.u32 v0, v16;
	v23 =	vmul.f32 $8.000000000e+00, v23;
	[tilespmem:s29+$0xB0] =	vst v24;
	v24 =	vld.idx.msk [tilespmem:v29+s16+$0x0], $0xffff  }
0x1f3: {  	v29 =	vor.u32 v1, v15;
	v28 =	vmul.f32 $8.000000000e+00, v28;
	[tilespmem:s29+$0xFFFFFFB0] =	vst v27;
	v26 =	vld.idx.msk [tilespmem:v26+s16+$0x0], $0xffff  }
0x1f4: {  	v27 =	vor.u32 v1, v10;
	v25 =	vld.idx.msk [tilespmem:v25+s16+$0x0], $0xffff;
	[tilespmem:s29+$0x30] =	vst v23;
	v19 =	vmul.f32 $8.000000000e+00, v19  }
0x1f5: {  	v23 =	vor.u32 v1, v12;
	v22 =	vmul.f32 $8.000000000e+00, v22;
	[tilespmem:s29+$0xFFFFFF30] =	vst v28;
	v21 =	vld.idx.msk [tilespmem:v21+s16+$0x0], $0xffff  }
0x1f6: {  	s31 =	simm.s32 $0xE900;
	s1 =	simm.s32 $0xD;
	v31 =	vmul.f32 $8.000000000e+00, v31;
	v28 =	vor.u32 v1, v9;
	v57 =	vld.idx.msk [tilespmem:v17+s16+$0x0], $0xffff;
	[tilespmem:s30+$0xF0] =	vst v19  }
0x1f7: {  	v17 =	vmov s1;
	v19 =	vld.idx.msk [tilespmem:v30+s16+$0x0], $0xffff;
	v30 =	vmul.f32 $8.000000000e+00, v32;
	[tilespmem:s31+$0x80] =	vst v22;
	v22 =	vor.u32 v5, v14  }
0x1f8: {  	v20 =	vmul.f32 $8.000000000e+00, v20;
	[tilespmem:s31+$0xFFFFFF80] =	vst v31;
	v31 =	vor.u32 v5, v13;
	v17 =	vand.u32 $0x3D, v17;
	v29 =	vld.idx.msk [tilespmem:v29+s16+$0x0], $0xffff  }
0x1f9: {  	v17 =	vbroadcast v17, $0x0;
	v27 =	vld.idx.msk [tilespmem:v27+s16+$0x0], $0xffff;
	v26 =	vmul.f32 $8.000000000e+00, v26;
	[tilespmem:s31+$0x0] =	vst v30;
	v30 =	vor.u32 v5, v11  }
0x1fa: {  	[tilespmem:s31+$0xFFFFFF00] =	vst v20;
	v25 =	vmul.f32 $8.000000000e+00, v25;
	v20 =	vld.idx.msk [tilespmem:v23+s16+$0x0], $0xffff;
	v23 =	vor.u32 v5, v8  }
0x1fb: {  	v58 =	vor.u32 v0, v17;
	v28 =	vld.idx.msk [tilespmem:v28+s16+$0x0], $0xffff;
	v21 =	vmul.f32 $8.000000000e+00, v21;
	[tilespmem:s29+$0xC0] =	vst v26  }
0x1fc: {  	v26 =	vor.u32 v2, v15;
	v34 =	vmul.f32 $8.000000000e+00, v57;
	[tilespmem:s29+$0xFFFFFFC0] =	vst v25;
	v25 =	vld.idx.msk [tilespmem:v22+s16+$0x0], $0xffff  }
0x1fd: {  	v59 =	vor.u32 v2, v10;
	v22 =	vmul.f32 $8.000000000e+00, v56;
	v31 =	vld.idx.msk [tilespmem:v31+s16+$0x0], $0xffff;
	[tilespmem:s29+$0x40] =	vst v21  }
0x1fe: {  	v21 =	vor.u32 v2, v12;
	v29 =	vmul.f32 $8.000000000e+00, v29;
	[tilespmem:s29+$0xFFFFFF40] =	vst v34;
	v60 =	vld.idx.msk [tilespmem:v30+s16+$0x0], $0xffff  }
0x1ff: {  	v63 =	vor.u32 v6, v14;
	v61 =	vor.u32 v2, v9;
	s3 =	simm.s32 $0xE;
	v27 =	vmul.f32 $8.000000000e+00, v27;
	[tilespmem:s30+$0xFFFFFFF0] =	vst v22;
	v62 =	vld.idx.msk [tilespmem:v23+s16+$0x0], $0xffff  }
0x200: {  	v30 =	vmov s3;
	v22 =	vld.idx.msk [tilespmem:v58+s16+$0x0], $0xffff;
	v20 =	vmul.f32 $8.000000000e+00, v20;
	[tilespmem:s31+$0x90] =	vst v29;
	v23 =	vmul.f32 $8.000000000e+00, v18  }
0x201: {  	v18 =	vand.u32 $0x3E, v30;
	v30 =	vmul.f32 $8.000000000e+00, v28;
	[tilespmem:s31+$0xFFFFFF90] =	vst v27;
	v28 =	vor.u32 v6, v13;
	v29 =	vld.idx.msk [tilespmem:v26+s16+$0x0], $0xffff  }
0x202: {  	v18 =	vbroadcast v18, $0x0;
	v27 =	vld.idx.msk [tilespmem:v59+s16+$0x0], $0xffff;
	[tilespmem:s31+$0x10] =	vst v20;
	v37 =	vmul.f32 $8.000000000e+00, v25;
	v25 =	vor.u32 v6, v11  }
0x203: {  	v26 =	vor.u32 v6, v8;
	[tilespmem:s31+$0xFFFFFF10] =	vst v30;
	v30 =	vld.idx.msk [tilespmem:v21+s16+$0x0], $0xffff;
	v21 =	vmul.f32 $8.000000000e+00, v31  }
0x204: {  	v33 =	vor.u32 v0, v18;
	v31 =	vld.idx.msk [tilespmem:v61+s16+$0x0], $0xffff;
	[tilespmem:s29+$0xD0] =	vst v37;
	v34 =	vmul.f32 $8.000000000e+00, v60  }
0x205: {  	s0 =	simm.s32 $0x10;
	s1 =	simm.s32 $0xF;
	v20 =	vmul.f32 $8.000000000e+00, v24;
	v24 =	vor.u32 v3, v15;
	v35 =	vmul.f32 $8.000000000e+00, v62;
	[tilespmem:s29+$0xFFFFFFD0] =	vst v21;
	v32 =	vld.idx.msk [tilespmem:v63+s16+$0x0], $0xffff  }
.LBB2_7:
0x206: {  	p0 =	slt.u32 s0, $0x3C;
	v21 =	vmov s1;
	v36 =	vor.u32 v3, v10;
	v28 =	vld.idx.msk [tilespmem:v28+s16+$0x0], $0xffff;
	[tilespmem:s29+$0x50] =	vst v34  }
0x207: {  	v34 =	vor.u32 v3, v12;
	v29 =	vmul.f32 $8.000000000e+00, v29;
	v21 =	vand.u32 $0x3F, v21;
	[tilespmem:s29+$0xFFFFFF50] =	vst v35;
	v25 =	vld.idx.msk [tilespmem:v25+s16+$0x0], $0xffff  }
0x208: {  	v35 =	vor.u32 v3, v9;
	v27 =	vmul.f32 $8.000000000e+00, v27;
	v21 =	vbroadcast v21, $0x0;
	v26 =	vld.idx.msk [tilespmem:v26+s16+$0x0], $0xffff;
	[tilespmem:s30+$0x70] =	vst v23  }
0x209: {  	v30 =	vmul.f32 $8.000000000e+00, v30;
	v23 =	vld.idx.msk [tilespmem:v33+s16+$0x0], $0xffff;
	[tilespmem:s31+$0xA0] =	vst v29;
	v29 =	vor.u32 v7, v14;
	v14 =	vmov v15  }
0x20a: {  	v31 =	vmul.f32 $8.000000000e+00, v31;
	v33 =	vor.u32 v0, v21;
	[tilespmem:s31+$0xFFFFFFA0] =	vst v27;
	v24 =	vld.idx.msk [tilespmem:v24+s16+$0x0], $0xffff;
	v15 =	vmov v21  }
0x20b: {  	v27 =	vor.u32 v7, v13;
	v13 =	vmovc v10;
	v10 =	vmov v17;
	v21 =	vld.idx.msk [tilespmem:v36+s16+$0x0], $0xffff;
	[tilespmem:s31+$0x20] =	vst v30;
	v30 =	vmul.f32 $8.000000000e+00, v32  }
0x20c: {  	v28 =	vmul.f32 $8.000000000e+00, v28;
	[tilespmem:s31+$0xFFFFFF20] =	vst v31;
	v17 =	vld.idx.msk [tilespmem:v34+s16+$0x0], $0xffff;
	v31 =	vor.u32 v7, v11;
	v11 =	vmovc v12;
	v12 =	vmov v18  }
0x20d: {  	v32 =	vor.u32 v7, v8;
	v8 =	vmovc v9;
	v9 =	vmov v16;
	v25 =	vmul.f32 $8.000000000e+00, v25;
	v18 =	vld.idx.msk [tilespmem:v35+s16+$0x0], $0xffff;
	[tilespmem:s29+$0xE0] =	vst v30  }
0x20e: {  	v16 =	vmov s0;
	v30 =	vor.u32 v4, v14;
	v26 =	vmul.f32 $8.000000000e+00, v26;
	[tilespmem:s29+$0xFFFFFFE0] =	vst v28;
	v28 =	vld.idx.msk [tilespmem:v29+s16+$0x0], $0xffff  }
0x20f: {  	v16 =	vand.u32 $0x3C, v16;
	v29 =	vld.idx.msk [tilespmem:v33+s16+$0x0], $0xffff;
	v33 =	vor.u32 v4, v13;
	[tilespmem:s29+$0x60] =	vst v25  }
0x210: {  	v16 =	vbroadcast v16, $0x0;
	v25 =	vor.u32 v4, v11;
	v24 =	vmul.f32 $8.000000000e+00, v24;
	[tilespmem:s29+$0xFFFFFF60] =	vst v26;
	v26 =	vld.idx.msk [tilespmem:v27+s16+$0x0], $0xffff  }
0x211: {  	v27 =	vor.u32 v4, v8;
	v21 =	vmul.f32 $8.000000000e+00, v21;
	v31 =	vld.idx.msk [tilespmem:v31+s16+$0x0], $0xffff;
	[tilespmem:s30+$0xFFFFFF70] =	vst v20;
	s30 =	smov.u32 s29;
	s29 =	smov.u32 s31  }
0x212: {  	v20 =	vor.u32 v0, v16;
	v17 =	vmul.f32 $8.000000000e+00, v17;
	[tilespmem:s31+$0xB0] =	vst v24;
	v24 =	vld.idx.msk [tilespmem:v32+s16+$0x0], $0xffff  }
0x213: {  	s1 =	sadd.s32 $0x1, s0;
	v32 =	vor.u32 v1, v15;
	v18 =	vmul.f32 $8.000000000e+00, v18;
	[tilespmem:s31+$0xFFFFFFB0] =	vst v21;
	v21 =	vld.idx.msk [tilespmem:v30+s16+$0x0], $0xffff  }
0x214: {  	v34 =	vor.u32 v1, v10;
	v30 =	vmov s1;
	v33 =	vld.idx.msk [tilespmem:v33+s16+$0x0], $0xffff;
	[tilespmem:s31+$0x30] =	vst v17;
	v17 =	vmul.f32 $8.000000000e+00, v28  }
0x215: {  	v28 =	vand.u32 $0x3D, v30;
	v30 =	vor.u32 v1, v12;
	v29 =	vmul.f32 $8.000000000e+00, v29;
	[tilespmem:s31+$0xFFFFFF30] =	vst v18;
	v18 =	vld.idx.msk [tilespmem:v25+s16+$0x0], $0xffff  }
0x216: {  	v22 =	vmul.f32 $8.000000000e+00, v22;
	v25 =	vor.u32 v1, v9;
	s31 =	sadd.s32 $0x200, s31;
	v26 =	vmul.f32 $8.000000000e+00, v26;
	v27 =	vld.idx.msk [tilespmem:v27+s16+$0x0], $0xffff;
	[tilespmem:s30+$0xF0] =	vst v17  }
0x217: {  	v36 =	vmul.f32 $8.000000000e+00, v23;
	v23 =	vmul.f32 $8.000000000e+00, v31;
	v35 =	vld.idx.msk [tilespmem:v20+s16+$0x0], $0xffff;
	[tilespmem:s31+$0x80] =	vst v29;
	v29 =	vor.u32 v5, v14  }
0x218: {  	v19 =	vmul.f32 $8.000000000e+00, v19;
	v31 =	vor.u32 v5, v13;
	v20 =	vmul.f32 $8.000000000e+00, v24;
	[tilespmem:s31+$0xFFFFFF80] =	vst v22;
	v22 =	vld.idx.msk [tilespmem:v32+s16+$0x0], $0xffff  }
0x219: {  	v17 =	vbroadcast v28, $0x0;
	v28 =	vor.u32 v5, v11;
	v21 =	vmul.f32 $8.000000000e+00, v21;
	v24 =	vld.idx.msk [tilespmem:v34+s16+$0x0], $0xffff;
	[tilespmem:s31+$0x0] =	vst v36  }
0x21a: {  	v32 =	vor.u32 v5, v8;
	v37 =	vmul.f32 $8.000000000e+00, v33;
	[tilespmem:s31+$0xFFFFFF00] =	vst v19;
	v30 =	vld.idx.msk [tilespmem:v30+s16+$0x0], $0xffff  }
0x21b: {  	v33 =	vor.u32 v0, v17;
	v18 =	vmul.f32 $8.000000000e+00, v18;
	v25 =	vld.idx.msk [tilespmem:v25+s16+$0x0], $0xffff;
	[tilespmem:s29+$0xC0] =	vst v21  }
0x21c: {  	v21 =	vor.u32 v2, v15;
	v27 =	vmul.f32 $8.000000000e+00, v27;
	[tilespmem:s29+$0xFFFFFFC0] =	vst v37;
	v34 =	vld.idx.msk [tilespmem:v29+s16+$0x0], $0xffff  }
0x21d: {  	v36 =	vor.u32 v2, v10;
	v19 =	vmov v35;
	v31 =	vld.idx.msk [tilespmem:v31+s16+$0x0], $0xffff;
	[tilespmem:s29+$0x40] =	vst v18  }
0x21e: {  	v35 =	vor.u32 v2, v12;
	v18 =	vmul.f32 $8.000000000e+00, v22;
	[tilespmem:s29+$0xFFFFFF40] =	vst v27;
	v37 =	vld.idx.msk [tilespmem:v28+s16+$0x0], $0xffff  }
0x21f: {  	v38 =	vor.u32 v2, v9;
	s1 =	sadd.s32 $0x2, s0;
	v24 =	vmul.f32 $8.000000000e+00, v24;
	v32 =	vld.idx.msk [tilespmem:v32+s16+$0x0], $0xffff;
	[tilespmem:s30+$0xFFFFFFF0] =	vst v26  }
0x220: {  	v39 =	vor.u32 v6, v14;
	v26 =	vmov s1;
	v30 =	vmul.f32 $8.000000000e+00, v30;
	v22 =	vld.idx.msk [tilespmem:v33+s16+$0x0], $0xffff;
	[tilespmem:s31+$0x90] =	vst v18  }
.Ltmp4:
0x221: {  	v28 =	vor.u32 v6, v13;
	v18 =	vand.u32 $0x3E, v26;
	v26 =	vmul.f32 $8.000000000e+00, v25;
	[tilespmem:s31+$0xFFFFFF90] =	vst v24;
	v29 =	vld.idx.msk [tilespmem:v21+s16+$0x0], $0xffff;
	(pc) =	sbr.rel @p0 .LBB2_7-.Ltmp4, $4  }
0x222: {  	v25 =	vor.u32 v6, v11;
	v18 =	vbroadcast v18, $0x0;
	v21 =	vmul.f32 $8.000000000e+00, v34;
	v27 =	vld.idx.msk [tilespmem:v36+s16+$0x0], $0xffff;
	[tilespmem:s31+$0x10] =	vst v30  }
0x223: {  	v36 =	vmul.f32 $8.000000000e+00, v31;
	[tilespmem:s31+$0xFFFFFF10] =	vst v26;
	v30 =	vld.idx.msk [tilespmem:v35+s16+$0x0], $0xffff;
	v26 =	vor.u32 v6, v8  }
0x224: {  	v33 =	vor.u32 v0, v18;
	v34 =	vmul.f32 $8.000000000e+00, v37;
	v31 =	vld.idx.msk [tilespmem:v38+s16+$0x0], $0xffff;
	[tilespmem:s29+$0xD0] =	vst v21  }
0x225: {  	s1 =	sadd.s32 $0x3, s0;
	s0 =	sadd.s32 $0x4, s0;
	v24 =	vor.u32 v3, v15;
	v35 =	vmul.f32 $8.000000000e+00, v32;
	[tilespmem:s29+$0xFFFFFFD0] =	vst v36;
	v32 =	vld.idx.msk [tilespmem:v39+s16+$0x0], $0xffff  }
0x226: {  	v21 =	vmov s1  }
0x227: {  	v21 =	vand.u32 $0x3F, v21  }
0x228: {  	v21 =	vbroadcast v21, $0x0;
	_ =	sdelay $0x1  }
0x229: {  	v36 =	vor.u32 v0, v21;
	_ =	sdelay $0x3  }
0x22a: {  	[tilespmem:s29+$0x50] =	vst v34  }
0x22b: {  	v29 =	vmul.f32 $8.000000000e+00, v29;
	[tilespmem:s30+$0x70] =	vst v23;
	v47 =	vld.idx.msk [tilespmem:v36+s16+$0x0], $0xffff  }
0x22c: {  	[tilespmem:s29+$0xFFFFFF50] =	vst v35;
	v27 =	vmul.f32 $8.000000000e+00, v27  }
0x22d: {  	v23 =	vld.idx.msk [tilespmem:v33+s16+$0x0], $0xffff;
	v30 =	vmul.f32 $8.000000000e+00, v30;
	[tilespmem:s31+$0xA0] =	vst v29  }
0x22e: {  	v29 =	vmul.f32 $8.000000000e+00, v31;
	[tilespmem:s31+$0xFFFFFFA0] =	vst v27;
	v27 =	vor.u32 v1, v21  }
0x22f: {  	v28 =	vld.idx.msk [tilespmem:v28+s16+$0x0], $0xffff;
	v31 =	vor.u32 v1, v17;
	[tilespmem:s31+$0x20] =	vst v30;
	v30 =	vmul.f32 $8.000000000e+00, v32  }
0x230: {  	v25 =	vld.idx.msk [tilespmem:v25+s16+$0x0], $0xffff;
	[tilespmem:s31+$0xFFFFFF20] =	vst v29;
	v29 =	vor.u32 v1, v18;
	v48 =	vmul.f32 $8.000000000e+00, v47  }
0x231: {  	v22 =	vmul.f32 $8.000000000e+00, v22;
	s0 =	sadd.s32 $0x200, s31;
	v26 =	vld.idx.msk [tilespmem:v26+s16+$0x0], $0xffff;
	[tilespmem:s29+$0xE0] =	vst v30;
	v30 =	vor.u32 v1, v16  }
0x232: {  	v23 =	vmul.f32 $8.000000000e+00, v23;
	[tilespmem:s0+$0x80] =	vst v48  }
0x233: {  	v49 =	vor.u32 v3, v10;
	v19 =	vmul.f32 $8.000000000e+00, v19;
	[tilespmem:s0+$0xFFFFFF80] =	vst v22;
	v22 =	vld.idx.msk [tilespmem:v27+s16+$0x0], $0xffff  }
0x234: {  	v28 =	vmul.f32 $8.000000000e+00, v28;
	[tilespmem:s0+$0x0] =	vst v23;
	v31 =	vld.idx.msk [tilespmem:v31+s16+$0x0], $0xffff;
	v27 =	vor.u32 v3, v12  }
0x235: {  	[tilespmem:s0+$0xFFFFFF00] =	vst v19;
	v25 =	vmul.f32 $8.000000000e+00, v25;
	v23 =	vor.u32 v3, v9;
	v19 =	vld.idx.msk [tilespmem:v29+s16+$0x0], $0xffff  }
0x236: {  	v26 =	vmul.f32 $8.000000000e+00, v26;
	[tilespmem:s29+$0xFFFFFFE0] =	vst v28;
	v29 =	vor.u32 v2, v21;
	v28 =	vld.idx.msk [tilespmem:v30+s16+$0x0], $0xffff  }
0x237: {  	v24 =	vld.idx.msk [tilespmem:v24+s16+$0x0], $0xffff;
	[tilespmem:s29+$0x60] =	vst v25;
	v25 =	vor.u32 v2, v17  }
0x238: {  	[tilespmem:s29+$0xFFFFFF60] =	vst v26;
	v26 =	vor.u32 v2, v18;
	v30 =	vld.idx.msk [tilespmem:v49+s16+$0x0], $0xffff;
	v22 =	vmul.f32 $8.000000000e+00, v22  }
0x239: {  	[tilespmem:s30+$0xFFFFFF70] =	vst v20;
	v20 =	vor.u32 v2, v16;
	v31 =	vmul.f32 $8.000000000e+00, v31;
	v27 =	vld.idx.msk [tilespmem:v27+s16+$0x0], $0xffff  }
0x23a: {  	v14 =	vor.u32 v7, v14;
	v23 =	vld.idx.msk [tilespmem:v23+s16+$0x0], $0xffff;
	v19 =	vmul.f32 $8.000000000e+00, v19;
	[tilespmem:s0+$0x90] =	vst v22  }
0x23b: {  	[tilespmem:s0+$0xFFFFFF90] =	vst v31;
	v28 =	vmul.f32 $8.000000000e+00, v28;
	v22 =	vor.u32 v4, v15;
	v29 =	vld.idx.msk [tilespmem:v29+s16+$0x0], $0xffff  }
0x23c: {  	v24 =	vmul.f32 $8.000000000e+00, v24;
	v31 =	vor.u32 v4, v10;
	v25 =	vld.idx.msk [tilespmem:v25+s16+$0x0], $0xffff;
	[tilespmem:s0+$0x10] =	vst v19  }
0x23d: {  	v30 =	vmul.f32 $8.000000000e+00, v30;
	v19 =	vor.u32 v4, v12;
	[tilespmem:s0+$0xFFFFFF10] =	vst v28;
	v26 =	vld.idx.msk [tilespmem:v26+s16+$0x0], $0xffff  }
0x23e: {  	[tilespmem:s31+$0xB0] =	vst v24;
	v24 =	vor.u32 v3, v21;
	v20 =	vld.idx.msk [tilespmem:v20+s16+$0x0], $0xffff;
	v27 =	vmul.f32 $8.000000000e+00, v27  }
0x23f: {  	v14 =	vld.idx.msk [tilespmem:v14+s16+$0x0], $0xffff;
	v23 =	vmul.f32 $8.000000000e+00, v23;
	[tilespmem:s31+$0xFFFFFFB0] =	vst v30;
	v28 =	vor.u32 v3, v17  }
0x240: {  	v22 =	vld.idx.msk [tilespmem:v22+s16+$0x0], $0xffff;
	[tilespmem:s31+$0x30] =	vst v27;
	v27 =	vor.u32 v3, v18;
	v29 =	vmul.f32 $8.000000000e+00, v29  }
0x241: {  	[tilespmem:s31+$0xFFFFFF30] =	vst v23;
	v23 =	vor.u32 v3, v16;
	v30 =	vld.idx.msk [tilespmem:v31+s16+$0x0], $0xffff;
	v25 =	vmul.f32 $8.000000000e+00, v25  }
0x242: {  	v13 =	vor.u32 v7, v13;
	v26 =	vmul.f32 $8.000000000e+00, v26;
	v19 =	vld.idx.msk [tilespmem:v19+s16+$0x0], $0xffff;
	[tilespmem:s0+$0xA0] =	vst v29  }
0x243: {  	v31 =	vor.u32 v4, v9;
	[tilespmem:s0+$0xFFFFFFA0] =	vst v25;
	v20 =	vmul.f32 $8.000000000e+00, v20;
	v24 =	vld.idx.msk [tilespmem:v24+s16+$0x0], $0xffff  }
0x244: {  	v14 =	vmul.f32 $8.000000000e+00, v14;
	v25 =	vor.u32 v5, v15;
	v28 =	vld.idx.msk [tilespmem:v28+s16+$0x0], $0xffff;
	[tilespmem:s0+$0x20] =	vst v26  }
0x245: {  	v26 =	vor.u32 v5, v10;
	[tilespmem:s0+$0xFFFFFF20] =	vst v20;
	v22 =	vmul.f32 $8.000000000e+00, v22;
	v20 =	vld.idx.msk [tilespmem:v27+s16+$0x0], $0xffff  }
0x246: {  	[tilespmem:s29+$0xF0] =	vst v14;
	v14 =	vmul.f32 $8.000000000e+00, v30;
	v23 =	vld.idx.msk [tilespmem:v23+s16+$0x0], $0xffff;
	v27 =	vor.u32 v4, v21  }
0x247: {  	v13 =	vld.idx.msk [tilespmem:v13+s16+$0x0], $0xffff;
	v19 =	vmul.f32 $8.000000000e+00, v19;
	[tilespmem:s31+$0xC0] =	vst v22;
	v22 =	vor.u32 v4, v17  }
0x248: {  	[tilespmem:s31+$0xFFFFFFC0] =	vst v14;
	v14 =	vor.u32 v4, v18;
	v29 =	vld.idx.msk [tilespmem:v31+s16+$0x0], $0xffff;
	v24 =	vmul.f32 $8.000000000e+00, v24  }
0x249: {  	v28 =	vmul.f32 $8.000000000e+00, v28;
	v25 =	vld.idx.msk [tilespmem:v25+s16+$0x0], $0xffff;
	[tilespmem:s31+$0x40] =	vst v19;
	v19 =	vor.u32 v4, v16  }
0x24a: {  	v30 =	vor.u32 v5, v12;
	v26 =	vld.idx.msk [tilespmem:v26+s16+$0x0], $0xffff;
	v20 =	vmul.f32 $8.000000000e+00, v20;
	[tilespmem:s0+$0xB0] =	vst v24  }
0x24b: {  	[tilespmem:s0+$0xFFFFFFB0] =	vst v28;
	v23 =	vmul.f32 $8.000000000e+00, v23;
	v24 =	vor.u32 v5, v9;
	v27 =	vld.idx.msk [tilespmem:v27+s16+$0x0], $0xffff  }
0x24c: {  	v11 =	vor.u32 v7, v11;
	v13 =	vmul.f32 $8.000000000e+00, v13;
	v22 =	vld.idx.msk [tilespmem:v22+s16+$0x0], $0xffff;
	[tilespmem:s0+$0x30] =	vst v20  }
0x24d: {  	[tilespmem:s0+$0xFFFFFF30] =	vst v23;
	v28 =	vmul.f32 $8.000000000e+00, v29;
	v20 =	vor.u32 v6, v15;
	v14 =	vld.idx.msk [tilespmem:v14+s16+$0x0], $0xffff  }
0x24e: {  	[tilespmem:s29+$0xFFFFFFF0] =	vst v13;
	v23 =	vmul.f32 $8.000000000e+00, v25;
	v19 =	vld.idx.msk [tilespmem:v19+s16+$0x0], $0xffff;
	v25 =	vor.u32 v5, v21  }
0x24f: {  	v13 =	vmul.f32 $8.000000000e+00, v26;
	v26 =	vor.u32 v5, v17;
	[tilespmem:s31+$0xFFFFFF40] =	vst v28;
	v28 =	vld.idx.msk [tilespmem:v30+s16+$0x0], $0xffff  }
0x250: {  	[tilespmem:s31+$0xD0] =	vst v23;
	v23 =	vor.u32 v5, v18;
	v24 =	vld.idx.msk [tilespmem:v24+s16+$0x0], $0xffff;
	v27 =	vmul.f32 $8.000000000e+00, v27  }
0x251: {  	v11 =	vld.idx.msk [tilespmem:v11+s16+$0x0], $0xffff;
	[tilespmem:s31+$0xFFFFFFD0] =	vst v13;
	v13 =	vor.u32 v5, v16;
	v22 =	vmul.f32 $8.000000000e+00, v22  }
0x252: {  	v29 =	vor.u32 v6, v10;
	v20 =	vld.idx.msk [tilespmem:v20+s16+$0x0], $0xffff;
	v14 =	vmul.f32 $8.000000000e+00, v14;
	[tilespmem:s0+$0xC0] =	vst v27  }
0x253: {  	v19 =	vmul.f32 $8.000000000e+00, v19;
	v27 =	vor.u32 v6, v12;
	[tilespmem:s0+$0xFFFFFFC0] =	vst v22;
	v22 =	vld.idx.msk [tilespmem:v25+s16+$0x0], $0xffff  }
0x254: {  	v28 =	vmul.f32 $8.000000000e+00, v28;
	v25 =	vor.u32 v6, v9;
	v26 =	vld.idx.msk [tilespmem:v26+s16+$0x0], $0xffff;
	[tilespmem:s0+$0x40] =	vst v14  }
0x255: {  	v8 =	vor.u32 v7, v8;
	[tilespmem:s0+$0xFFFFFF40] =	vst v19;
	v14 =	vmul.f32 $8.000000000e+00, v24;
	v19 =	vld.idx.msk [tilespmem:v23+s16+$0x0], $0xffff  }
0x256: {  	v11 =	vmul.f32 $8.000000000e+00, v11;
	[tilespmem:s31+$0x50] =	vst v28;
	v13 =	vld.idx.msk [tilespmem:v13+s16+$0x0], $0xffff;
	v23 =	vor.u32 v6, v21  }
0x257: {  	v24 =	vld.idx.msk [tilespmem:v29+s16+$0x0], $0xffff;
	[tilespmem:s31+$0xFFFFFF50] =	vst v14;
	v14 =	vmul.f32 $8.000000000e+00, v20;
	v20 =	vor.u32 v6, v17  }
0x258: {  	[tilespmem:s29+$0x70] =	vst v11;
	v11 =	vor.u32 v6, v18;
	v27 =	vld.idx.msk [tilespmem:v27+s16+$0x0], $0xffff;
	v22 =	vmul.f32 $8.000000000e+00, v22  }
0x259: {  	v25 =	vld.idx.msk [tilespmem:v25+s16+$0x0], $0xffff;
	[tilespmem:s31+$0xE0] =	vst v14;
	v14 =	vor.u32 v6, v16;
	v26 =	vmul.f32 $8.000000000e+00, v26  }
0x25a: {  	v8 =	vld.idx.msk [tilespmem:v8+s16+$0x0], $0xffff;
	v15 =	vor.u32 v7, v15;
	v19 =	vmul.f32 $8.000000000e+00, v19;
	[tilespmem:s0+$0xD0] =	vst v22  }
0x25b: {  	v10 =	vor.u32 v7, v10;
	v13 =	vmul.f32 $8.000000000e+00, v13;
	[tilespmem:s0+$0xFFFFFFD0] =	vst v26;
	v22 =	vld.idx.msk [tilespmem:v23+s16+$0x0], $0xffff  }
0x25c: {  	v12 =	vor.u32 v7, v12;
	v23 =	vmul.f32 $8.000000000e+00, v24;
	v20 =	vld.idx.msk [tilespmem:v20+s16+$0x0], $0xffff;
	[tilespmem:s0+$0x50] =	vst v19  }
0x25d: {  	v9 =	vor.u32 v7, v9;
	[tilespmem:s0+$0xFFFFFF50] =	vst v13;
	v19 =	vmul.f32 $8.000000000e+00, v27;
	v11 =	vld.idx.msk [tilespmem:v11+s16+$0x0], $0xffff  }
0x25e: {  	v21 =	vor.u32 v7, v21;
	v13 =	vmul.f32 $8.000000000e+00, v25;
	[tilespmem:s31+$0xFFFFFFE0] =	vst v23;
	v14 =	vld.idx.msk [tilespmem:v14+s16+$0x0], $0xffff  }
0x25f: {  	v8 =	vmul.f32 $8.000000000e+00, v8;
	v17 =	vor.u32 v7, v17;
	v15 =	vld.idx.msk [tilespmem:v15+s16+$0x0], $0xffff;
	[tilespmem:s31+$0x60] =	vst v19  }
0x260: {  	v18 =	vor.u32 v7, v18;
	v10 =	vld.idx.msk [tilespmem:v10+s16+$0x0], $0xffff;
	[tilespmem:s31+$0xFFFFFF60] =	vst v13;
	v13 =	vmul.f32 $8.000000000e+00, v22  }
0x261: {  	[tilespmem:s29+$0xFFFFFF70] =	vst v8;
	v16 =	vor.u32 v7, v16;
	v12 =	vld.idx.msk [tilespmem:v12+s16+$0x0], $0xffff;
	v8 =	vmul.f32 $8.000000000e+00, v20  }
0x262: {  	v9 =	vld.idx.msk [tilespmem:v9+s16+$0x0], $0xffff;
	v11 =	vmul.f32 $8.000000000e+00, v11;
	[tilespmem:s0+$0xE0] =	vst v13  }
0x263: {  	v13 =	vmul.f32 $8.000000000e+00, v14;
	[tilespmem:s0+$0xFFFFFFE0] =	vst v8;
	v8 =	vld.idx.msk [tilespmem:v21+s16+$0x0], $0xffff  }
0x264: {  	v14 =	vmul.f32 $8.000000000e+00, v15;
	[tilespmem:s0+$0x60] =	vst v11;
	v11 =	vld.idx.msk [tilespmem:v17+s16+$0x0], $0xffff  }
0x265: {  	v10 =	vmul.f32 $8.000000000e+00, v10;
	[tilespmem:s0+$0xFFFFFF60] =	vst v13;
	v13 =	vld.idx.msk [tilespmem:v18+s16+$0x0], $0xffff  }
0x266: {  	s1 =	sadd.s32 s5, s28;
	[tilespmem:s31+$0xF0] =	vst v14;
	v12 =	vmul.f32 $8.000000000e+00, v12;
	v14 =	vld.idx.msk [tilespmem:v16+s16+$0x0], $0xffff  }
0x267: {  	s3 =	sshll.u32 s1, $0xD;
	s1 =	sand.u32 $0xFE, s1;
	v9 =	vmul.f32 $8.000000000e+00, v9;
	[tilespmem:s31+$0xFFFFFFF0] =	vst v10  }
0x268: {  	s3 =	sand.u32 $0x7FE00000, s3;
	s28 =	sshll.u32 s1, $0x12;
	s1 =	sshrl.u32 s1, $0x3;
	[tilespmem:s31+$0x70] =	vst v12;
	v8 =	vmul.f32 $8.000000000e+00, v8  }
0x269: {  	s3 =	sadd.s32 s28, s3;
	s28 =	sshll.u32 s1, $0x15;
	[tilespmem:s31+$0xFFFFFF70] =	vst v9;
	v9 =	vmul.f32 $8.000000000e+00, v11  }
0x26a: {  	s1 =	sshll.u32 s1, $0xA;
	s3 =	ssub.s32 s3, s28;
	[tilespmem:s0+$0xF0] =	vst v8;
	v8 =	vmul.f32 $8.000000000e+00, v13  }
0x26b: {  	s1 =	sor.u32 s1, s3;
	v10 =	vmul.f32 $8.000000000e+00, v14;
	[tilespmem:s0+$0xFFFFFFF0] =	vst v9  }
0x26c: {  	p0 =	seq.s32 s25, $0x31;
	s1 =	sshrl.u32 s1, $0x3;
	[tilespmem:s0+$0x70] =	vst v8  }
0x26d: {  	s1 =	sadd.s32 s2, s1;
	[tilespmem:s0+$0xFFFFFF70] =	vst v10;
	s0 =	sshll.u32 @!p0 s25, $0x9  }
0x26e: {  	[hbm4b:s1+s13] =	stream.strided.scatter [tilespmem:s15], [sflag:$0x5], $0x2000, s14, s13, $0x38;
	[tilespmem:$0x12400] =	vst v63  }
0x26f: {  	s0 =	sand.u32 @!p0 $0x3FFFFE00, s0  }
0x270: {  	s3 =	simm.s32 @!p0 $0x6400;
	s1 =	simm.s32 @!p0 $0x80;
	s0 =	sadd.s32 @!p0 $0x200, s0  }
0x271: {  	[tilespmem:s3], [sflag:$0x1] =	stream.indirect.gather @!p0 [hbm4b:s4+s1], $0x40, s0, s1, $0xb8;
	[tilespmem:$0x12400] =	vst v63  }
0x272: {  	s3 =	simm.s32 $0x3  }
0x273: {  	s31 =	simm.s32 $0x1;
	v8 =	vmov s3  }
0x274: {  	v9 =	vmov s31;
	s3 =	simm.s32 $0x2;
	v8 =	vand.u32 $0x3F, v8  }
0x275: {  	s31 =	simm.s32 $0x0;
	v9 =	vand.u32 $0x3D, v9;
	v10 =	vmov s3;
	v19 =	vbroadcast v8, $0x0  }
0x276: {  	v17 =	vbroadcast v9, $0x0;
	_ =	swait.ge [sflag:s22], $0x2000;
	v8 =	vmov s31;
	v9 =	vand.u32 $0x3E, v10  }
0x277: {  	[sflag:s22] =	ssyncset.done $0x0;
	v8 =	vand.u32 $0x3C, v8;
	v18 =	vbroadcast v9, $0x0;
	v9 =	vor.u32 v0, v19  }
0x278: {  	[sflag:s22] =	ssyncadd.s32 $0xFFFFE000;
	v16 =	vbroadcast v8, $0x0;
	v8 =	vor.u32 v0, v17  }
0x279: {  	_ =	swait.ge [sflag:s23], $0x2000;
	v10 =	vor.u32 v0, v18  }
0x27a: {  	[sflag:s23] =	ssyncset.done $0x0;
	v11 =	vor.u32 v0, v16  }
0x27b: {  	[sflag:s23] =	ssyncadd.s32 $0xFFFFE000  }
0x27c: {  	v9 =	vld.idx.msk [tilespmem:v9+s19+$0x0], $0xffff  }
0x27d: {  	v8 =	vld.idx.msk [tilespmem:v8+s19+$0x0], $0xffff  }
0x27e: {  	v10 =	vld.idx.msk [tilespmem:v10+s19+$0x0], $0xffff  }
0x27f: {  	v12 =	vor.u32 v1, v19;
	v11 =	vld.idx.msk [tilespmem:v11+s19+$0x0], $0xffff  }
0x280: {  	v13 =	vor.u32 v1, v17  }
0x281: {  	v14 =	vor.u32 v1, v18;
	v9 =	vmul.f32 $8.000000000e+00, v9  }
0x282: {  	s29 =	simm.s32 $0x10500;
	v15 =	vor.u32 v1, v16;
	v8 =	vmul.f32 $8.000000000e+00, v8  }
0x283: {  	v10 =	vmul.f32 $8.000000000e+00, v10;
	[tilespmem:s29+$0x80] =	vst v9  }
0x284: {  	v9 =	vmul.f32 $8.000000000e+00, v11;
	[tilespmem:s29+$0xFFFFFF80] =	vst v8;
	v8 =	vld.idx.msk [tilespmem:v12+s19+$0x0], $0xffff  }
0x285: {  	v11 =	vld.idx.msk [tilespmem:v13+s19+$0x0], $0xffff;
	[tilespmem:s29+$0x0] =	vst v10  }
0x286: {  	[tilespmem:s29+$0xFFFFFF00] =	vst v9;
	v9 =	vld.idx.msk [tilespmem:v14+s19+$0x0], $0xffff  }
0x287: {  	v12 =	vor.u32 v2, v19;
	v10 =	vld.idx.msk [tilespmem:v15+s19+$0x0], $0xffff  }
0x288: {  	v13 =	vor.u32 v2, v17  }
0x289: {  	v14 =	vor.u32 v2, v18;
	v8 =	vmul.f32 $8.000000000e+00, v8  }
0x28a: {  	v15 =	vor.u32 v2, v16;
	v11 =	vmul.f32 $8.000000000e+00, v11  }
0x28b: {  	v9 =	vmul.f32 $8.000000000e+00, v9;
	[tilespmem:s29+$0x90] =	vst v8  }
0x28c: {  	v10 =	vmul.f32 $8.000000000e+00, v10;
	[tilespmem:s29+$0xFFFFFF90] =	vst v11;
	v11 =	vld.idx.msk [tilespmem:v12+s19+$0x0], $0xffff  }
0x28d: {  	v23 =	vor.u32 v3, v17;
	s1 =	simm.s32 $0x6;
	s3 =	simm.s32 $0x4;
	v12 =	vld.idx.msk [tilespmem:v13+s19+$0x0], $0xffff;
	[tilespmem:s29+$0x10] =	vst v9  }
0x28e: {  	v22 =	vmov s1;
	v20 =	vmov s3;
	v21 =	vor.u32 v3, v19;
	[tilespmem:s29+$0xFFFFFF10] =	vst v10;
	v10 =	vld.idx.msk [tilespmem:v14+s19+$0x0], $0xffff  }
0x28f: {  	s31 =	simm.s32 $0x5;
	s3 =	simm.s32 $0x7;
	v24 =	vor.u32 v3, v18;
	v25 =	vor.u32 v3, v16;
	v8 =	vand.u32 $0x3C, v20;
	v15 =	vld.idx.msk [tilespmem:v15+s19+$0x0], $0xffff  }
0x290: {  	v8 =	vbroadcast v8, $0x0;
	v9 =	vmov s31;
	v13 =	vmov s3  }
0x291: {  	v9 =	vand.u32 $0x3D, v9;
	v13 =	vand.u32 $0x3F, v13;
	v11 =	vmul.f32 $8.000000000e+00, v11  }
0x292: {  	v20 =	vor.u32 v0, v8;
	v14 =	vbroadcast v13, $0x0;
	v12 =	vmul.f32 $8.000000000e+00, v12  }
0x293: {  	v13 =	vbroadcast v9, $0x0;
	v9 =	vand.u32 $0x3E, v22;
	v10 =	vmul.f32 $8.000000000e+00, v10;
	[tilespmem:s29+$0xA0] =	vst v11  }
0x294: {  	v11 =	vbroadcast v9, $0x0;
	v9 =	vor.u32 v0, v14;
	v15 =	vmul.f32 $8.000000000e+00, v15;
	[tilespmem:s29+$0xFFFFFFA0] =	vst v12;
	v12 =	vld.idx.msk [tilespmem:v21+s19+$0x0], $0xffff  }
0x295: {  	v21 =	vor.u32 v0, v13;
	v22 =	vld.idx.msk [tilespmem:v23+s19+$0x0], $0xffff;
	[tilespmem:s29+$0x20] =	vst v10  }
0x296: {  	s31 =	simm.s32 $0x8;
	v10 =	vor.u32 v0, v11;
	[tilespmem:s29+$0xFFFFFF20] =	vst v15;
	v15 =	vld.idx.msk [tilespmem:v24+s19+$0x0], $0xffff  }
0x297: {  	v24 =	vmov s31;
	v23 =	vld.idx.msk [tilespmem:v25+s19+$0x0], $0xffff;
	v25 =	vor.u32 v4, v19  }
0x298: {  	v26 =	vld.idx.msk [tilespmem:v20+s19+$0x0], $0xffff;
	v20 =	vand.u32 $0x3C, v24;
	v24 =	vor.u32 v4, v17  }
0x299: {  	v27 =	vld.idx.msk [tilespmem:v9+s19+$0x0], $0xffff;
	v9 =	vbroadcast v20, $0x0;
	v20 =	vor.u32 v4, v18;
	v12 =	vmul.f32 $8.000000000e+00, v12  }
0x29a: {  	v28 =	vor.u32 v4, v16;
	v21 =	vld.idx.msk [tilespmem:v21+s19+$0x0], $0xffff;
	v22 =	vmul.f32 $8.000000000e+00, v22  }
0x29b: {  	v10 =	vld.idx.msk [tilespmem:v10+s19+$0x0], $0xffff;
	v29 =	vor.u32 v0, v9;
	v15 =	vmul.f32 $8.000000000e+00, v15;
	[tilespmem:s29+$0xB0] =	vst v12  }
0x29c: {  	v30 =	vor.u32 v1, v8;
	v23 =	vmul.f32 $8.000000000e+00, v23;
	[tilespmem:s29+$0xFFFFFFB0] =	vst v22;
	v22 =	vld.idx.msk [tilespmem:v25+s19+$0x0], $0xffff  }
0x29d: {  	v26 =	vmul.f32 $8.000000000e+00, v26;
	v12 =	vor.u32 v1, v14;
	v24 =	vld.idx.msk [tilespmem:v24+s19+$0x0], $0xffff;
	[tilespmem:s29+$0x30] =	vst v15  }
0x29e: {  	s28 =	simm.s32 $0x10700;
	v25 =	vor.u32 v1, v13;
	v27 =	vmul.f32 $8.000000000e+00, v27;
	[tilespmem:s29+$0xFFFFFF30] =	vst v23;
	v23 =	vld.idx.msk [tilespmem:v20+s19+$0x0], $0xffff  }
0x29f: {  	s1 =	simm.s32 $0x9;
	[tilespmem:s28+$0xFFFFFF00] =	vst v26;
	v15 =	vor.u32 v1, v11;
	v21 =	vmul.f32 $8.000000000e+00, v21;
	v28 =	vld.idx.msk [tilespmem:v28+s19+$0x0], $0xffff  }
0x2a0: {  	v31 =	vmov s1;
	v20 =	vld.idx.msk [tilespmem:v29+s19+$0x0], $0xffff;
	v29 =	vmul.f32 $8.000000000e+00, v10;
	[tilespmem:s28+$0x80] =	vst v27;
	v27 =	vor.u32 v5, v19  }
0x2a1: {  	v30 =	vld.idx.msk [tilespmem:v30+s19+$0x0], $0xffff;
	v10 =	vand.u32 $0x3D, v31;
	[tilespmem:s28+$0xFFFFFF80] =	vst v21;
	v21 =	vor.u32 v5, v17  }
0x2a2: {  	v12 =	vld.idx.msk [tilespmem:v12+s19+$0x0], $0xffff;
	v10 =	vbroadcast v10, $0x0;
	[tilespmem:s28+$0x0] =	vst v29;
	v29 =	vor.u32 v5, v18;
	v22 =	vmul.f32 $8.000000000e+00, v22  }
0x2a3: {  	v26 =	vor.u32 v5, v16;
	v25 =	vld.idx.msk [tilespmem:v25+s19+$0x0], $0xffff;
	v24 =	vmul.f32 $8.000000000e+00, v24  }
0x2a4: {  	v15 =	vld.idx.msk [tilespmem:v15+s19+$0x0], $0xffff;
	v31 =	vor.u32 v0, v10;
	v23 =	vmul.f32 $8.000000000e+00, v23;
	[tilespmem:s29+$0xC0] =	vst v22  }
0x2a5: {  	v22 =	vor.u32 v2, v14;
	v28 =	vmul.f32 $8.000000000e+00, v28;
	[tilespmem:s29+$0xFFFFFFC0] =	vst v24;
	v24 =	vld.idx.msk [tilespmem:v27+s19+$0x0], $0xffff  }
0x2a6: {  	v27 =	vor.u32 v2, v13;
	[tilespmem:s29+$0x40] =	vst v23;
	v21 =	vld.idx.msk [tilespmem:v21+s19+$0x0], $0xffff  }
0x2a7: {  	v23 =	vor.u32 v2, v11;
	v12 =	vmul.f32 $8.000000000e+00, v12;
	[tilespmem:s29+$0xFFFFFF40] =	vst v28;
	v28 =	vld.idx.msk [tilespmem:v29+s19+$0x0], $0xffff  }
0x2a8: {  	s3 =	simm.s32 $0xA;
	v29 =	vor.u32 v2, v8;
	v25 =	vmul.f32 $8.000000000e+00, v25;
	v26 =	vld.idx.msk [tilespmem:v26+s19+$0x0], $0xffff  }
0x2a9: {  	v51 =	vor.u32 v6, v19;
	v50 =	vmov s3;
	v31 =	vld.idx.msk [tilespmem:v31+s19+$0x0], $0xffff;
	v15 =	vmul.f32 $8.000000000e+00, v15;
	[tilespmem:s28+$0x90] =	vst v12  }
0x2aa: {  	v30 =	vmul.f32 $8.000000000e+00, v30;
	v12 =	vand.u32 $0x3E, v50;
	[tilespmem:s28+$0xFFFFFF90] =	vst v25;
	v22 =	vld.idx.msk [tilespmem:v22+s19+$0x0], $0xffff;
	v25 =	vor.u32 v6, v17  }
0x2ab: {  	v12 =	vbroadcast v12, $0x0;
	v27 =	vld.idx.msk [tilespmem:v27+s19+$0x0], $0xffff;
	[tilespmem:s28+$0x10] =	vst v15;
	v15 =	vor.u32 v6, v18;
	v24 =	vmul.f32 $8.000000000e+00, v24  }
0x2ac: {  	[tilespmem:s28+$0xFFFFFF10] =	vst v30;
	v30 =	vor.u32 v6, v16;
	v23 =	vld.idx.msk [tilespmem:v23+s19+$0x0], $0xffff;
	v21 =	vmul.f32 $8.000000000e+00, v21  }
0x2ad: {  	v52 =	vor.u32 v0, v12;
	v29 =	vld.idx.msk [tilespmem:v29+s19+$0x0], $0xffff;
	v28 =	vmul.f32 $8.000000000e+00, v28;
	[tilespmem:s29+$0xD0] =	vst v24  }
0x2ae: {  	s31 =	simm.s32 $0xB;
	v24 =	vor.u32 v3, v14;
	v26 =	vmul.f32 $8.000000000e+00, v26;
	[tilespmem:s29+$0xFFFFFFD0] =	vst v21;
	v21 =	vld.idx.msk [tilespmem:v51+s19+$0x0], $0xffff  }
0x2af: {  	v54 =	vor.u32 v3, v13;
	v53 =	vmov s31;
	v25 =	vld.idx.msk [tilespmem:v25+s19+$0x0], $0xffff;
	[tilespmem:s29+$0x50] =	vst v28  }
0x2b0: {  	v55 =	vor.u32 v3, v11;
	v28 =	vand.u32 $0x3F, v53;
	v22 =	vmul.f32 $8.000000000e+00, v22;
	[tilespmem:s29+$0xFFFFFF50] =	vst v26;
	v26 =	vld.idx.msk [tilespmem:v15+s19+$0x0], $0xffff  }
0x2b1: {  	v15 =	vbroadcast v28, $0x0;
	v28 =	vor.u32 v3, v8;
	v27 =	vmul.f32 $8.000000000e+00, v27;
	v30 =	vld.idx.msk [tilespmem:v30+s19+$0x0], $0xffff  }
0x2b2: {  	v19 =	vor.u32 v7, v19;
	v32 =	vld.idx.msk [tilespmem:v52+s19+$0x0], $0xffff;
	v23 =	vmul.f32 $8.000000000e+00, v23;
	[tilespmem:s28+$0xA0] =	vst v22  }
0x2b3: {  	v22 =	vor.u32 v0, v15;
	v29 =	vmul.f32 $8.000000000e+00, v29;
	[tilespmem:s28+$0xFFFFFFA0] =	vst v27;
	v24 =	vld.idx.msk [tilespmem:v24+s19+$0x0], $0xffff  }
0x2b4: {  	v17 =	vor.u32 v7, v17;
	v27 =	vld.idx.msk [tilespmem:v54+s19+$0x0], $0xffff;
	[tilespmem:s28+$0x20] =	vst v23;
	v21 =	vmul.f32 $8.000000000e+00, v21  }
0x2b5: {  	v18 =	vor.u32 v7, v18;
	[tilespmem:s28+$0xFFFFFF20] =	vst v29;
	v23 =	vld.idx.msk [tilespmem:v55+s19+$0x0], $0xffff  }
0x2b6: {  	s1 =	simm.s32 $0xC;
	v25 =	vmul.f32 $8.000000000e+00, v25;
	v29 =	vor.u32 v7, v16;
	v28 =	vld.idx.msk [tilespmem:v28+s19+$0x0], $0xffff;
	[tilespmem:s29+$0xE0] =	vst v21  }
0x2b7: {  	v16 =	vmul.f32 $8.000000000e+00, v26;
	v21 =	vmov s1;
	v26 =	vor.u32 v4, v14;
	v19 =	vld.idx.msk [tilespmem:v19+s19+$0x0], $0xffff  }
0x2b8: {  	v30 =	vmul.f32 $8.000000000e+00, v30;
	[tilespmem:s29+$0xFFFFFFE0] =	vst v25;
	v21 =	vand.u32 $0x3C, v21;
	v25 =	vor.u32 v4, v13;
	v22 =	vld.idx.msk [tilespmem:v22+s19+$0x0], $0xffff  }
0x2b9: {  	[tilespmem:s29+$0x60] =	vst v16;
	v16 =	vbroadcast v21, $0x0;
	v21 =	vor.u32 v4, v11;
	v24 =	vmul.f32 $8.000000000e+00, v24;
	v56 =	vld.idx.msk [tilespmem:v17+s19+$0x0], $0xffff  }
0x2ba: {  	[tilespmem:s29+$0xFFFFFF60] =	vst v30;
	v17 =	vor.u32 v4, v8;
	v27 =	vmul.f32 $8.000000000e+00, v27;
	v18 =	vld.idx.msk [tilespmem:v18+s19+$0x0], $0xffff  }
0x2bb: {  	v30 =	vor.u32 v0, v16;
	v23 =	vmul.f32 $8.000000000e+00, v23;
	[tilespmem:s28+$0xB0] =	vst v24;
	v24 =	vld.idx.msk [tilespmem:v29+s19+$0x0], $0xffff  }
0x2bc: {  	v29 =	vor.u32 v1, v15;
	v28 =	vmul.f32 $8.000000000e+00, v28;
	[tilespmem:s28+$0xFFFFFFB0] =	vst v27;
	v26 =	vld.idx.msk [tilespmem:v26+s19+$0x0], $0xffff  }
0x2bd: {  	v27 =	vor.u32 v1, v10;
	v25 =	vld.idx.msk [tilespmem:v25+s19+$0x0], $0xffff;
	[tilespmem:s28+$0x30] =	vst v23;
	v19 =	vmul.f32 $8.000000000e+00, v19  }
0x2be: {  	v23 =	vor.u32 v1, v12;
	v22 =	vmul.f32 $8.000000000e+00, v22;
	[tilespmem:s28+$0xFFFFFF30] =	vst v28;
	v21 =	vld.idx.msk [tilespmem:v21+s19+$0x0], $0xffff  }
0x2bf: {  	s30 =	simm.s32 $0x10900;
	s3 =	simm.s32 $0xD;
	v31 =	vmul.f32 $8.000000000e+00, v31;
	v28 =	vor.u32 v1, v9;
	v57 =	vld.idx.msk [tilespmem:v17+s19+$0x0], $0xffff;
	[tilespmem:s29+$0xF0] =	vst v19  }
0x2c0: {  	v17 =	vmov s3;
	v19 =	vld.idx.msk [tilespmem:v30+s19+$0x0], $0xffff;
	v30 =	vmul.f32 $8.000000000e+00, v32;
	[tilespmem:s30+$0x80] =	vst v22;
	v22 =	vor.u32 v5, v14  }
0x2c1: {  	v20 =	vmul.f32 $8.000000000e+00, v20;
	[tilespmem:s30+$0xFFFFFF80] =	vst v31;
	v31 =	vor.u32 v5, v13;
	v17 =	vand.u32 $0x3D, v17;
	v29 =	vld.idx.msk [tilespmem:v29+s19+$0x0], $0xffff  }
0x2c2: {  	v17 =	vbroadcast v17, $0x0;
	v27 =	vld.idx.msk [tilespmem:v27+s19+$0x0], $0xffff;
	v26 =	vmul.f32 $8.000000000e+00, v26;
	[tilespmem:s30+$0x0] =	vst v30;
	v30 =	vor.u32 v5, v11  }
0x2c3: {  	[tilespmem:s30+$0xFFFFFF00] =	vst v20;
	v25 =	vmul.f32 $8.000000000e+00, v25;
	v20 =	vld.idx.msk [tilespmem:v23+s19+$0x0], $0xffff;
	v23 =	vor.u32 v5, v8  }
0x2c4: {  	v58 =	vor.u32 v0, v17;
	v28 =	vld.idx.msk [tilespmem:v28+s19+$0x0], $0xffff;
	v21 =	vmul.f32 $8.000000000e+00, v21;
	[tilespmem:s28+$0xC0] =	vst v26  }
0x2c5: {  	v26 =	vor.u32 v2, v15;
	v34 =	vmul.f32 $8.000000000e+00, v57;
	[tilespmem:s28+$0xFFFFFFC0] =	vst v25;
	v25 =	vld.idx.msk [tilespmem:v22+s19+$0x0], $0xffff  }
0x2c6: {  	v59 =	vor.u32 v2, v10;
	v22 =	vmul.f32 $8.000000000e+00, v56;
	v31 =	vld.idx.msk [tilespmem:v31+s19+$0x0], $0xffff;
	[tilespmem:s28+$0x40] =	vst v21  }
0x2c7: {  	v21 =	vor.u32 v2, v12;
	v29 =	vmul.f32 $8.000000000e+00, v29;
	[tilespmem:s28+$0xFFFFFF40] =	vst v34;
	v60 =	vld.idx.msk [tilespmem:v30+s19+$0x0], $0xffff  }
0x2c8: {  	v63 =	vor.u32 v6, v14;
	s31 =	simm.s32 $0xE;
	v61 =	vor.u32 v2, v9;
	v27 =	vmul.f32 $8.000000000e+00, v27;
	[tilespmem:s29+$0xFFFFFFF0] =	vst v22;
	v62 =	vld.idx.msk [tilespmem:v23+s19+$0x0], $0xffff  }
0x2c9: {  	v30 =	vmov s31;
	v22 =	vld.idx.msk [tilespmem:v58+s19+$0x0], $0xffff;
	v20 =	vmul.f32 $8.000000000e+00, v20;
	[tilespmem:s30+$0x90] =	vst v29;
	v23 =	vmul.f32 $8.000000000e+00, v18  }
0x2ca: {  	v18 =	vand.u32 $0x3E, v30;
	v30 =	vmul.f32 $8.000000000e+00, v28;
	[tilespmem:s30+$0xFFFFFF90] =	vst v27;
	v28 =	vor.u32 v6, v13;
	v29 =	vld.idx.msk [tilespmem:v26+s19+$0x0], $0xffff  }
0x2cb: {  	v18 =	vbroadcast v18, $0x0;
	v27 =	vld.idx.msk [tilespmem:v59+s19+$0x0], $0xffff;
	[tilespmem:s30+$0x10] =	vst v20;
	v37 =	vmul.f32 $8.000000000e+00, v25;
	v25 =	vor.u32 v6, v11  }
0x2cc: {  	v26 =	vor.u32 v6, v8;
	[tilespmem:s30+$0xFFFFFF10] =	vst v30;
	v30 =	vld.idx.msk [tilespmem:v21+s19+$0x0], $0xffff;
	v21 =	vmul.f32 $8.000000000e+00, v31  }
0x2cd: {  	v33 =	vor.u32 v0, v18;
	v31 =	vld.idx.msk [tilespmem:v61+s19+$0x0], $0xffff;
	[tilespmem:s28+$0xD0] =	vst v37;
	v34 =	vmul.f32 $8.000000000e+00, v60  }
0x2ce: {  	s0 =	simm.s32 $0x10;
	s1 =	simm.s32 $0xF;
	v20 =	vmul.f32 $8.000000000e+00, v24;
	v24 =	vor.u32 v3, v15;
	v35 =	vmul.f32 $8.000000000e+00, v62;
	[tilespmem:s28+$0xFFFFFFD0] =	vst v21;
	v32 =	vld.idx.msk [tilespmem:v63+s19+$0x0], $0xffff  }
.LBB2_9:
0x2cf: {  	p1 =	slt.u32 s0, $0x3C;
	v21 =	vmov s1;
	v36 =	vor.u32 v3, v10;
	v28 =	vld.idx.msk [tilespmem:v28+s19+$0x0], $0xffff;
	[tilespmem:s28+$0x50] =	vst v34  }
0x2d0: {  	v34 =	vor.u32 v3, v12;
	v29 =	vmul.f32 $8.000000000e+00, v29;
	v21 =	vand.u32 $0x3F, v21;
	[tilespmem:s28+$0xFFFFFF50] =	vst v35;
	v25 =	vld.idx.msk [tilespmem:v25+s19+$0x0], $0xffff  }
0x2d1: {  	v35 =	vor.u32 v3, v9;
	v27 =	vmul.f32 $8.000000000e+00, v27;
	v21 =	vbroadcast v21, $0x0;
	v26 =	vld.idx.msk [tilespmem:v26+s19+$0x0], $0xffff;
	[tilespmem:s29+$0x70] =	vst v23  }
0x2d2: {  	v30 =	vmul.f32 $8.000000000e+00, v30;
	v23 =	vld.idx.msk [tilespmem:v33+s19+$0x0], $0xffff;
	[tilespmem:s30+$0xA0] =	vst v29;
	v29 =	vor.u32 v7, v14;
	v14 =	vmov v15  }
0x2d3: {  	v31 =	vmul.f32 $8.000000000e+00, v31;
	v33 =	vor.u32 v0, v21;
	[tilespmem:s30+$0xFFFFFFA0] =	vst v27;
	v24 =	vld.idx.msk [tilespmem:v24+s19+$0x0], $0xffff;
	v15 =	vmov v21  }
0x2d4: {  	v27 =	vor.u32 v7, v13;
	v13 =	vmovc v10;
	v10 =	vmov v17;
	v21 =	vld.idx.msk [tilespmem:v36+s19+$0x0], $0xffff;
	[tilespmem:s30+$0x20] =	vst v30;
	v30 =	vmul.f32 $8.000000000e+00, v32  }
0x2d5: {  	v28 =	vmul.f32 $8.000000000e+00, v28;
	[tilespmem:s30+$0xFFFFFF20] =	vst v31;
	v17 =	vld.idx.msk [tilespmem:v34+s19+$0x0], $0xffff;
	v31 =	vor.u32 v7, v11;
	v11 =	vmovc v12;
	v12 =	vmov v18  }
0x2d6: {  	v32 =	vor.u32 v7, v8;
	v8 =	vmovc v9;
	v9 =	vmov v16;
	v25 =	vmul.f32 $8.000000000e+00, v25;
	v18 =	vld.idx.msk [tilespmem:v35+s19+$0x0], $0xffff;
	[tilespmem:s28+$0xE0] =	vst v30  }
0x2d7: {  	v16 =	vmov s0;
	v30 =	vor.u32 v4, v14;
	v26 =	vmul.f32 $8.000000000e+00, v26;
	[tilespmem:s28+$0xFFFFFFE0] =	vst v28;
	v28 =	vld.idx.msk [tilespmem:v29+s19+$0x0], $0xffff  }
0x2d8: {  	v16 =	vand.u32 $0x3C, v16;
	v29 =	vld.idx.msk [tilespmem:v33+s19+$0x0], $0xffff;
	v33 =	vor.u32 v4, v13;
	[tilespmem:s28+$0x60] =	vst v25  }
0x2d9: {  	v16 =	vbroadcast v16, $0x0;
	v25 =	vor.u32 v4, v11;
	v24 =	vmul.f32 $8.000000000e+00, v24;
	[tilespmem:s28+$0xFFFFFF60] =	vst v26;
	v26 =	vld.idx.msk [tilespmem:v27+s19+$0x0], $0xffff  }
0x2da: {  	v27 =	vor.u32 v4, v8;
	v21 =	vmul.f32 $8.000000000e+00, v21;
	v31 =	vld.idx.msk [tilespmem:v31+s19+$0x0], $0xffff;
	[tilespmem:s29+$0xFFFFFF70] =	vst v20;
	s29 =	smov.u32 s28;
	s28 =	smov.u32 s30  }
0x2db: {  	v20 =	vor.u32 v0, v16;
	v17 =	vmul.f32 $8.000000000e+00, v17;
	[tilespmem:s30+$0xB0] =	vst v24;
	v24 =	vld.idx.msk [tilespmem:v32+s19+$0x0], $0xffff  }
0x2dc: {  	s1 =	sadd.s32 $0x1, s0;
	v32 =	vor.u32 v1, v15;
	v18 =	vmul.f32 $8.000000000e+00, v18;
	[tilespmem:s30+$0xFFFFFFB0] =	vst v21;
	v21 =	vld.idx.msk [tilespmem:v30+s19+$0x0], $0xffff  }
0x2dd: {  	v34 =	vor.u32 v1, v10;
	v30 =	vmov s1;
	v33 =	vld.idx.msk [tilespmem:v33+s19+$0x0], $0xffff;
	[tilespmem:s30+$0x30] =	vst v17;
	v17 =	vmul.f32 $8.000000000e+00, v28  }
0x2de: {  	v28 =	vand.u32 $0x3D, v30;
	v30 =	vor.u32 v1, v12;
	v29 =	vmul.f32 $8.000000000e+00, v29;
	[tilespmem:s30+$0xFFFFFF30] =	vst v18;
	v18 =	vld.idx.msk [tilespmem:v25+s19+$0x0], $0xffff  }
0x2df: {  	v22 =	vmul.f32 $8.000000000e+00, v22;
	v25 =	vor.u32 v1, v9;
	s30 =	sadd.s32 $0x200, s30;
	v26 =	vmul.f32 $8.000000000e+00, v26;
	v27 =	vld.idx.msk [tilespmem:v27+s19+$0x0], $0xffff;
	[tilespmem:s29+$0xF0] =	vst v17  }
0x2e0: {  	v36 =	vmul.f32 $8.000000000e+00, v23;
	v23 =	vmul.f32 $8.000000000e+00, v31;
	v35 =	vld.idx.msk [tilespmem:v20+s19+$0x0], $0xffff;
	[tilespmem:s30+$0x80] =	vst v29;
	v29 =	vor.u32 v5, v14  }
0x2e1: {  	v19 =	vmul.f32 $8.000000000e+00, v19;
	v31 =	vor.u32 v5, v13;
	v20 =	vmul.f32 $8.000000000e+00, v24;
	[tilespmem:s30+$0xFFFFFF80] =	vst v22;
	v22 =	vld.idx.msk [tilespmem:v32+s19+$0x0], $0xffff  }
0x2e2: {  	v17 =	vbroadcast v28, $0x0;
	v28 =	vor.u32 v5, v11;
	v21 =	vmul.f32 $8.000000000e+00, v21;
	v24 =	vld.idx.msk [tilespmem:v34+s19+$0x0], $0xffff;
	[tilespmem:s30+$0x0] =	vst v36  }
0x2e3: {  	v32 =	vor.u32 v5, v8;
	v37 =	vmul.f32 $8.000000000e+00, v33;
	[tilespmem:s30+$0xFFFFFF00] =	vst v19;
	v30 =	vld.idx.msk [tilespmem:v30+s19+$0x0], $0xffff  }
0x2e4: {  	v33 =	vor.u32 v0, v17;
	v18 =	vmul.f32 $8.000000000e+00, v18;
	v25 =	vld.idx.msk [tilespmem:v25+s19+$0x0], $0xffff;
	[tilespmem:s28+$0xC0] =	vst v21  }
0x2e5: {  	v21 =	vor.u32 v2, v15;
	v27 =	vmul.f32 $8.000000000e+00, v27;
	[tilespmem:s28+$0xFFFFFFC0] =	vst v37;
	v34 =	vld.idx.msk [tilespmem:v29+s19+$0x0], $0xffff  }
0x2e6: {  	v36 =	vor.u32 v2, v10;
	v19 =	vmov v35;
	v31 =	vld.idx.msk [tilespmem:v31+s19+$0x0], $0xffff;
	[tilespmem:s28+$0x40] =	vst v18  }
0x2e7: {  	v35 =	vor.u32 v2, v12;
	v18 =	vmul.f32 $8.000000000e+00, v22;
	[tilespmem:s28+$0xFFFFFF40] =	vst v27;
	v37 =	vld.idx.msk [tilespmem:v28+s19+$0x0], $0xffff  }
0x2e8: {  	v38 =	vor.u32 v2, v9;
	s1 =	sadd.s32 $0x2, s0;
	v24 =	vmul.f32 $8.000000000e+00, v24;
	v32 =	vld.idx.msk [tilespmem:v32+s19+$0x0], $0xffff;
	[tilespmem:s29+$0xFFFFFFF0] =	vst v26  }
0x2e9: {  	v39 =	vor.u32 v6, v14;
	v26 =	vmov s1;
	v30 =	vmul.f32 $8.000000000e+00, v30;
	v22 =	vld.idx.msk [tilespmem:v33+s19+$0x0], $0xffff;
	[tilespmem:s30+$0x90] =	vst v18  }
.Ltmp5:
0x2ea: {  	v28 =	vor.u32 v6, v13;
	v18 =	vand.u32 $0x3E, v26;
	v26 =	vmul.f32 $8.000000000e+00, v25;
	[tilespmem:s30+$0xFFFFFF90] =	vst v24;
	v29 =	vld.idx.msk [tilespmem:v21+s19+$0x0], $0xffff;
	(pc) =	sbr.rel @p1 .LBB2_9-.Ltmp5, $4  }
0x2eb: {  	v25 =	vor.u32 v6, v11;
	v18 =	vbroadcast v18, $0x0;
	v21 =	vmul.f32 $8.000000000e+00, v34;
	v27 =	vld.idx.msk [tilespmem:v36+s19+$0x0], $0xffff;
	[tilespmem:s30+$0x10] =	vst v30  }
0x2ec: {  	v36 =	vmul.f32 $8.000000000e+00, v31;
	[tilespmem:s30+$0xFFFFFF10] =	vst v26;
	v30 =	vld.idx.msk [tilespmem:v35+s19+$0x0], $0xffff;
	v26 =	vor.u32 v6, v8  }
0x2ed: {  	v33 =	vor.u32 v0, v18;
	v34 =	vmul.f32 $8.000000000e+00, v37;
	v31 =	vld.idx.msk [tilespmem:v38+s19+$0x0], $0xffff;
	[tilespmem:s28+$0xD0] =	vst v21  }
0x2ee: {  	s1 =	sadd.s32 $0x3, s0;
	s0 =	sadd.s32 $0x4, s0;
	v24 =	vor.u32 v3, v15;
	v35 =	vmul.f32 $8.000000000e+00, v32;
	[tilespmem:s28+$0xFFFFFFD0] =	vst v36;
	v32 =	vld.idx.msk [tilespmem:v39+s19+$0x0], $0xffff  }
0x2ef: {  	v21 =	vmov s1  }
0x2f0: {  	v21 =	vand.u32 $0x3F, v21  }
0x2f1: {  	v21 =	vbroadcast v21, $0x0;
	_ =	sdelay $0x1  }
0x2f2: {  	v36 =	vor.u32 v0, v21;
	_ =	sdelay $0x2  }
0x2f3: {  	[tilespmem:s28+$0x50] =	vst v34  }
0x2f4: {  	[tilespmem:s29+$0x70] =	vst v23  }
0x2f5: {  	v29 =	vmul.f32 $8.000000000e+00, v29;
	[tilespmem:s29+$0xFFFFFF70] =	vst v20;
	v49 =	vld.idx.msk [tilespmem:v36+s19+$0x0], $0xffff  }
0x2f6: {  	v54 =	vor.u32 v1, v17;
	v22 =	vmul.f32 $8.000000000e+00, v22;
	[tilespmem:s28+$0xFFFFFF50] =	vst v35  }
0x2f7: {  	v50 =	vld.idx.msk [tilespmem:v33+s19+$0x0], $0xffff;
	v57 =	vor.u32 v1, v16;
	s0 =	sadd.s32 $0x200, s30;
	v19 =	vmul.f32 $8.000000000e+00, v19;
	[tilespmem:s30+$0xA0] =	vst v29  }
0x2f8: {  	v27 =	vmul.f32 $8.000000000e+00, v27;
	[tilespmem:s0+$0xFFFFFF80] =	vst v22;
	v52 =	vor.u32 v1, v21  }
0x2f9: {  	v28 =	vld.idx.msk [tilespmem:v28+s19+$0x0], $0xffff;
	v30 =	vmul.f32 $8.000000000e+00, v30;
	[tilespmem:s0+$0xFFFFFF00] =	vst v19  }
0x2fa: {  	v55 =	vor.u32 v1, v18;
	v25 =	vld.idx.msk [tilespmem:v25+s19+$0x0], $0xffff;
	[tilespmem:s30+$0xFFFFFFA0] =	vst v27;
	v56 =	vmul.f32 $8.000000000e+00, v49  }
0x2fb: {  	v51 =	vmul.f32 $8.000000000e+00, v31;
	[tilespmem:s30+$0x20] =	vst v30;
	v31 =	vld.idx.msk [tilespmem:v54+s19+$0x0], $0xffff  }
0x2fc: {  	v60 =	vor.u32 v3, v12;
	v23 =	vmul.f32 $8.000000000e+00, v50;
	v63 =	vld.idx.msk [tilespmem:v57+s19+$0x0], $0xffff;
	[tilespmem:s0+$0x80] =	vst v56  }
0x2fd: {  	v61 =	vor.u32 v3, v9;
	v53 =	vmul.f32 $8.000000000e+00, v32;
	[tilespmem:s30+$0xFFFFFF20] =	vst v51;
	v59 =	vld.idx.msk [tilespmem:v52+s19+$0x0], $0xffff  }
0x2fe: {  	v34 =	vor.u32 v2, v17;
	v26 =	vld.idx.msk [tilespmem:v26+s19+$0x0], $0xffff;
	v28 =	vmul.f32 $8.000000000e+00, v28;
	[tilespmem:s0+$0x0] =	vst v23  }
0x2ff: {  	v37 =	vor.u32 v2, v16;
	[tilespmem:s28+$0xE0] =	vst v53;
	v25 =	vmul.f32 $8.000000000e+00, v25;
	v62 =	vld.idx.msk [tilespmem:v55+s19+$0x0], $0xffff  }
0x300: {  	v24 =	vld.idx.msk [tilespmem:v24+s19+$0x0], $0xffff;
	v33 =	vor.u32 v2, v21;
	[tilespmem:s28+$0xFFFFFFE0] =	vst v28;
	v31 =	vmul.f32 $8.000000000e+00, v31  }
0x301: {  	v58 =	vor.u32 v3, v10;
	v27 =	vld.idx.msk [tilespmem:v60+s19+$0x0], $0xffff;
	[tilespmem:s28+$0x60] =	vst v25;
	v28 =	vmul.f32 $8.000000000e+00, v63  }
0x302: {  	v23 =	vld.idx.msk [tilespmem:v61+s19+$0x0], $0xffff;
	v36 =	vor.u32 v2, v18;
	[tilespmem:s0+$0xFFFFFF90] =	vst v31;
	v22 =	vmul.f32 $8.000000000e+00, v59  }
0x303: {  	v14 =	vor.u32 v7, v14;
	v26 =	vmul.f32 $8.000000000e+00, v26;
	[tilespmem:s0+$0xFFFFFF10] =	vst v28;
	v25 =	vld.idx.msk [tilespmem:v34+s19+$0x0], $0xffff  }
0x304: {  	v13 =	vor.u32 v7, v13;
	v19 =	vmul.f32 $8.000000000e+00, v62;
	v20 =	vld.idx.msk [tilespmem:v37+s19+$0x0], $0xffff;
	[tilespmem:s0+$0x90] =	vst v22  }
0x305: {  	v40 =	vor.u32 v4, v12;
	v24 =	vmul.f32 $8.000000000e+00, v24;
	[tilespmem:s28+$0xFFFFFF60] =	vst v26;
	v29 =	vld.idx.msk [tilespmem:v33+s19+$0x0], $0xffff  }
0x306: {  	v42 =	vor.u32 v3, v17;
	v35 =	vld.idx.msk [tilespmem:v58+s19+$0x0], $0xffff;
	v27 =	vmul.f32 $8.000000000e+00, v27;
	[tilespmem:s0+$0x10] =	vst v19  }
0x307: {  	v44 =	vor.u32 v3, v16;
	[tilespmem:s30+$0xB0] =	vst v24;
	v23 =	vmul.f32 $8.000000000e+00, v23;
	v26 =	vld.idx.msk [tilespmem:v36+s19+$0x0], $0xffff  }
0x308: {  	v41 =	vor.u32 v3, v21;
	v14 =	vld.idx.msk [tilespmem:v14+s19+$0x0], $0xffff;
	[tilespmem:s30+$0x30] =	vst v27;
	v25 =	vmul.f32 $8.000000000e+00, v25  }
0x309: {  	v38 =	vor.u32 v4, v15;
	v13 =	vld.idx.msk [tilespmem:v13+s19+$0x0], $0xffff;
	[tilespmem:s30+$0xFFFFFF30] =	vst v23;
	v20 =	vmul.f32 $8.000000000e+00, v20  }
0x30a: {  	v43 =	vor.u32 v3, v18;
	v19 =	vld.idx.msk [tilespmem:v40+s19+$0x0], $0xffff;
	[tilespmem:s0+$0xFFFFFFA0] =	vst v25;
	v29 =	vmul.f32 $8.000000000e+00, v29  }
0x30b: {  	v39 =	vor.u32 v4, v10;
	v30 =	vmul.f32 $8.000000000e+00, v35;
	[tilespmem:s0+$0xFFFFFF20] =	vst v20;
	v28 =	vld.idx.msk [tilespmem:v42+s19+$0x0], $0xffff  }
0x30c: {  	v11 =	vor.u32 v7, v11;
	v26 =	vmul.f32 $8.000000000e+00, v26;
	v23 =	vld.idx.msk [tilespmem:v44+s19+$0x0], $0xffff;
	[tilespmem:s0+$0xA0] =	vst v29  }
0x30d: {  	v8 =	vor.u32 v7, v8;
	[tilespmem:s30+$0xFFFFFFB0] =	vst v30;
	v14 =	vmul.f32 $8.000000000e+00, v14;
	v24 =	vld.idx.msk [tilespmem:v41+s19+$0x0], $0xffff  }
0x30e: {  	v45 =	vor.u32 v4, v9;
	v13 =	vmul.f32 $8.000000000e+00, v13;
	[tilespmem:s0+$0x20] =	vst v26;
	v22 =	vld.idx.msk [tilespmem:v38+s19+$0x0], $0xffff  }
0x30f: {  	v54 =	vor.u32 v4, v16;
	[tilespmem:s28+$0xF0] =	vst v14;
	v19 =	vmul.f32 $8.000000000e+00, v19;
	v48 =	vld.idx.msk [tilespmem:v43+s19+$0x0], $0xffff  }
0x310: {  	v50 =	vor.u32 v4, v21;
	v30 =	vld.idx.msk [tilespmem:v39+s19+$0x0], $0xffff;
	[tilespmem:s28+$0xFFFFFFF0] =	vst v13;
	v28 =	vmul.f32 $8.000000000e+00, v28  }
0x311: {  	v11 =	vld.idx.msk [tilespmem:v11+s19+$0x0], $0xffff;
	v52 =	vor.u32 v4, v17;
	[tilespmem:s30+$0x40] =	vst v19;
	v23 =	vmul.f32 $8.000000000e+00, v23  }
0x312: {  	v53 =	vor.u32 v4, v18;
	v8 =	vld.idx.msk [tilespmem:v8+s19+$0x0], $0xffff;
	[tilespmem:s0+$0xFFFFFFB0] =	vst v28;
	v24 =	vmul.f32 $8.000000000e+00, v24  }
0x313: {  	v47 =	vor.u32 v5, v10;
	v51 =	vld.idx.msk [tilespmem:v45+s19+$0x0], $0xffff;
	[tilespmem:s0+$0xFFFFFF30] =	vst v23;
	v22 =	vmul.f32 $8.000000000e+00, v22  }
0x314: {  	v46 =	vor.u32 v5, v15;
	v20 =	vmul.f32 $8.000000000e+00, v48;
	v19 =	vld.idx.msk [tilespmem:v54+s19+$0x0], $0xffff;
	[tilespmem:s0+$0xB0] =	vst v24  }
0x315: {  	v55 =	vor.u32 v5, v12;
	v49 =	vmul.f32 $8.000000000e+00, v30;
	[tilespmem:s30+$0xC0] =	vst v22;
	v27 =	vld.idx.msk [tilespmem:v50+s19+$0x0], $0xffff  }
0x316: {  	v11 =	vmul.f32 $8.000000000e+00, v11;
	v56 =	vor.u32 v5, v9;
	v22 =	vld.idx.msk [tilespmem:v52+s19+$0x0], $0xffff;
	[tilespmem:s0+$0x30] =	vst v20  }
0x317: {  	v8 =	vmul.f32 $8.000000000e+00, v8;
	[tilespmem:s30+$0xFFFFFFC0] =	vst v49;
	v33 =	vor.u32 v5, v16;
	v14 =	vld.idx.msk [tilespmem:v53+s19+$0x0], $0xffff  }
0x318: {  	v60 =	vor.u32 v5, v21;
	[tilespmem:s28+$0x70] =	vst v11;
	v57 =	vmul.f32 $8.000000000e+00, v51;
	v26 =	vld.idx.msk [tilespmem:v47+s19+$0x0], $0xffff  }
0x319: {  	v63 =	vor.u32 v5, v17;
	[tilespmem:s28+$0xFFFFFF70] =	vst v8;
	v25 =	vld.idx.msk [tilespmem:v46+s19+$0x0], $0xffff;
	v19 =	vmul.f32 $8.000000000e+00, v19  }
0x31a: {  	v32 =	vor.u32 v5, v18;
	[tilespmem:s30+$0xFFFFFF40] =	vst v57;
	v61 =	vld.idx.msk [tilespmem:v55+s19+$0x0], $0xffff;
	v27 =	vmul.f32 $8.000000000e+00, v27  }
0x31b: {  	v34 =	vor.u32 v6, v10;
	v22 =	vmul.f32 $8.000000000e+00, v22;
	[tilespmem:s0+$0xFFFFFF40] =	vst v19;
	v24 =	vld.idx.msk [tilespmem:v56+s19+$0x0], $0xffff  }
0x31c: {  	v58 =	vor.u32 v6, v15;
	v14 =	vmul.f32 $8.000000000e+00, v14;
	v13 =	vld.idx.msk [tilespmem:v33+s19+$0x0], $0xffff;
	[tilespmem:s0+$0xC0] =	vst v27  }
0x31d: {  	v35 =	vor.u32 v6, v12;
	v62 =	vmul.f32 $8.000000000e+00, v26;
	[tilespmem:s0+$0xFFFFFFC0] =	vst v22;
	v36 =	vld.idx.msk [tilespmem:v60+s19+$0x0], $0xffff  }
0x31e: {  	v37 =	vor.u32 v6, v9;
	v59 =	vmul.f32 $8.000000000e+00, v25;
	v26 =	vld.idx.msk [tilespmem:v63+s19+$0x0], $0xffff;
	[tilespmem:s0+$0x40] =	vst v14  }
0x31f: {  	v45 =	vor.u32 v6, v16;
	v28 =	vmul.f32 $8.000000000e+00, v61;
	[tilespmem:s30+$0xFFFFFFD0] =	vst v62;
	v39 =	vld.idx.msk [tilespmem:v32+s19+$0x0], $0xffff  }
0x320: {  	v40 =	vor.u32 v6, v21;
	v41 =	vld.idx.msk [tilespmem:v34+s19+$0x0], $0xffff;
	[tilespmem:s30+$0xD0] =	vst v59;
	v38 =	vmul.f32 $8.000000000e+00, v24  }
0x321: {  	v43 =	vor.u32 v6, v17;
	[tilespmem:s30+$0x50] =	vst v28;
	v20 =	vld.idx.msk [tilespmem:v58+s19+$0x0], $0xffff;
	v13 =	vmul.f32 $8.000000000e+00, v13  }
0x322: {  	v44 =	vor.u32 v6, v18;
	[tilespmem:s30+$0xFFFFFF50] =	vst v38;
	v27 =	vld.idx.msk [tilespmem:v35+s19+$0x0], $0xffff;
	v22 =	vmul.f32 $8.000000000e+00, v36  }
0x323: {  	v47 =	vor.u32 v7, v10;
	v26 =	vmul.f32 $8.000000000e+00, v26;
	[tilespmem:s0+$0xFFFFFF50] =	vst v13;
	v25 =	vld.idx.msk [tilespmem:v37+s19+$0x0], $0xffff  }
0x324: {  	v46 =	vor.u32 v7, v15;
	v19 =	vmul.f32 $8.000000000e+00, v39;
	v14 =	vld.idx.msk [tilespmem:v45+s19+$0x0], $0xffff;
	[tilespmem:s0+$0xD0] =	vst v22  }
0x325: {  	v49 =	vor.u32 v7, v12;
	v48 =	vmul.f32 $8.000000000e+00, v41;
	[tilespmem:s0+$0xFFFFFFD0] =	vst v26;
	v22 =	vld.idx.msk [tilespmem:v40+s19+$0x0], $0xffff  }
0x326: {  	v50 =	vor.u32 v7, v9;
	v42 =	vmul.f32 $8.000000000e+00, v20;
	v20 =	vld.idx.msk [tilespmem:v43+s19+$0x0], $0xffff;
	[tilespmem:s0+$0x50] =	vst v19  }
0x327: {  	[tilespmem:s30+$0xFFFFFFE0] =	vst v48;
	v56 =	vor.u32 v7, v16;
	v11 =	vld.idx.msk [tilespmem:v44+s19+$0x0], $0xffff;
	v51 =	vmul.f32 $8.000000000e+00, v27  }
0x328: {  	v21 =	vor.u32 v7, v21;
	v10 =	vld.idx.msk [tilespmem:v47+s19+$0x0], $0xffff;
	[tilespmem:s30+$0xE0] =	vst v42;
	v52 =	vmul.f32 $8.000000000e+00, v25  }
0x329: {  	v53 =	vor.u32 v7, v17;
	v15 =	vld.idx.msk [tilespmem:v46+s19+$0x0], $0xffff;
	v57 =	vmul.f32 $8.000000000e+00, v14;
	[tilespmem:s30+$0x60] =	vst v51  }
0x32a: {  	v55 =	vor.u32 v7, v18;
	[tilespmem:s30+$0xFFFFFF60] =	vst v52;
	v12 =	vld.idx.msk [tilespmem:v49+s19+$0x0], $0xffff;
	v54 =	vmul.f32 $8.000000000e+00, v22  }
0x32b: {  	v8 =	vmul.f32 $8.000000000e+00, v20;
	[tilespmem:s0+$0xFFFFFF60] =	vst v57;
	v9 =	vld.idx.msk [tilespmem:v50+s19+$0x0], $0xffff  }
0x32c: {  	v11 =	vmul.f32 $8.000000000e+00, v11;
	v61 =	vld.idx.msk [tilespmem:v56+s19+$0x0], $0xffff;
	[tilespmem:s0+$0xE0] =	vst v54  }
0x32d: {  	v10 =	vmul.f32 $8.000000000e+00, v10;
	[tilespmem:s0+$0xFFFFFFE0] =	vst v8;
	v8 =	vld.idx.msk [tilespmem:v21+s19+$0x0], $0xffff  }
0x32e: {  	v58 =	vmul.f32 $8.000000000e+00, v15;
	[tilespmem:s0+$0x60] =	vst v11;
	v59 =	vld.idx.msk [tilespmem:v53+s19+$0x0], $0xffff  }
0x32f: {  	s28 =	sadd.s32 s5, s26;
	[tilespmem:s30+$0xFFFFFFF0] =	vst v10;
	v60 =	vld.idx.msk [tilespmem:v55+s19+$0x0], $0xffff;
	v12 =	vmul.f32 $8.000000000e+00, v12  }
0x330: {  	s3 =	sshll.u32 s28, $0xD;
	s1 =	sand.u32 $0xFF, s28;
	[tilespmem:s30+$0xF0] =	vst v58;
	v9 =	vmul.f32 $8.000000000e+00, v9  }
0x331: {  	s3 =	sand.u32 $0x7FE00000, s3;
	s29 =	sshll.u32 s1, $0x12;
	s1 =	sshrl.u32 s1, $0x3;
	v63 =	vmul.f32 $8.000000000e+00, v61;
	[tilespmem:s30+$0x70] =	vst v12  }
0x332: {  	s3 =	sadd.s32 s29, s3;
	[tilespmem:s30+$0xFFFFFF70] =	vst v9;
	s30 =	sshll.u32 s1, $0x15;
	v8 =	vmul.f32 $8.000000000e+00, v8  }
.Ltmp6:
0x333: {  	v62 =	vmul.f32 $8.000000000e+00, v59;
	[tilespmem:s0+$0xFFFFFF70] =	vst v63;
	s1 =	sshll.u32 s1, $0xA;
	s3 =	ssub.s32 s3, s30;
	(pc) =	sbr.rel @p0 .LBB2_12-.Ltmp6, $4  }
0x334: {  	s1 =	sor.u32 s1, s3;
	[tilespmem:s0+$0xF0] =	vst v8;
	v8 =	vmul.f32 $8.000000000e+00, v60  }
0x335: {  	[tilespmem:s0+$0xFFFFFFF0] =	vst v62;
	s1 =	sshrl.u32 s1, $0x3  }
0x336: {  	s31 =	sadd.s32 s2, s1;
	[tilespmem:s0+$0x70] =	vst v8  }
0x337: {  	[hbm4b:s31+s13] =	stream.strided.scatter [tilespmem:s18], [sflag:$0x6], $0x2000, s14, s13, $0x38;
	[tilespmem:$0x12400] =	vst v63  }
.Ltmp7:
0x338: {  	(pc) =	sbr.rel .LBB2_2-.Ltmp7, $4  }
0x339: {  	s0 =	sshll.u32 s25, $0x9  }
0x33a: {  	s0 =	sand.u32 $0x3FFFFE00, s0  }
0x33b: {  	s25 =	sadd.s32 $0x1, s25;
	s0 =	sadd.s32 $0x280, s0  }
0x33c: {  	[tilespmem:s11], [sflag:$0x2] =	stream.indirect.gather [hbm4b:s4+s9], $0x40, s0, s9, $0xb8;
	[tilespmem:$0x12400] =	vst v63  }
.LBB2_13:
0x33d: {  	_ =	sfence.sel $0x180000  }
0x33e: {  	[bflag:$0x0] =	sbarrier.arrive $0xFFFF  }
0x33f: {  	_ =	strace $0x90000047  }
0x340: {  	s0 =	stileid.u32;
	[bflag:$0x2] =	sbarrier.arrive $0xFFFF  }
0x341: {  	p0 =	sne.s32 s0, $0x0;
	s0 =	rddreg [dreg:$0x3]  }
0x342: {  	s0 =	sadd.s32 @!p0 $0x100000, s0  }
0x343: {  	[sflag:s0] =	ssyncadd.tile.s32 @!p0 $0x1;
	_ =	shalt  }
.Lfunc_end2:
_tile_overlayer_lowered:
.L_overlay_start_2:
0x344: {  	(tag) =	ssettag $0x2  }
0x345: {  	s0 =	rddreg [dreg:$0x0];
	s2 =	stileid.u32  }
0x346: {  	s1 =	rddreg [dreg:$0x1];
	p0 =	sne.s32 s2, $0x0  }
0x347: {  	s3 =	rddreg [dreg:$0x2];
	[bflag:$0x3] =	sbarrier.arrive $0xFFFF;
	s2 =	simm.s32 @!p0 $0x1C07  }
0x348: {  	[timem:s3], [sflag:s2] =	dma.local @!p0 [hbm:s0], s1  }
0x349: {  	s0 =	simm.s32 @!p0 $0x7  }
0x34a: {  	_ =	swait.ge @!p0 [sflag:s0], s1  }
0x34b: {  	s1 =	ssub.s32 @!p0 $0x0, s1;
	[sflag:s0] =	ssyncset.done @!p0 $0x0  }
0x34c: {  	[sflag:s0] =	ssyncadd.s32 @!p0 s1  }
0x34d: {  	[bflag:$0x3] =	sbarrier.arrive $0xFFFF  }
0x34e: {  	_ =	shalt  }

</sc_bundles>
